<compile_context>
chip_gen: v7x
topology: tpu7x:2x2x1
jax: 0.10.2.dev20260603
libtpu: 0.0.44.dev20260713+nightly
codegen_flags: <defaults>
</compile_context>

<pallas_src>
import functools

import jax
import jax.numpy as jnp
from jax import lax
from jax.experimental import pallas as pl
from jax.experimental.pallas import tpu as pltpu
from jax.experimental.pallas import tpu_sc as plsc

NUM_EMB = 100000
DIM = 128
BATCH = 4096
HIST = 200
B_TOTAL = BATCH * HIST
NC = 2
NS = 16
NW = NC * NS
B_PER_W = B_TOTAL // NW
CHUNK = 80
N_CHUNKS = B_PER_W // CHUNK


NBUF = 10
LOOKAHEAD = 4
N_ROUNDS = N_CHUNKS // NBUF


def _emb_body(idx_hbm, table_hbm, out_hbm, idx_v, rows_v, *sems):
    gsems = sems[:NBUF]
    osems = sems[NBUF:]
    wid = lax.axis_index("s") * NC + lax.axis_index("c")
    base = wid * B_PER_W
    pltpu.sync_copy(idx_hbm.at[pl.ds(base, B_PER_W)], idx_v)

    def g_copy(ch, b):
        return pltpu.make_async_copy(
            table_hbm.at[idx_v.at[pl.ds(ch * CHUNK, CHUNK)]],
            rows_v.at[b],
            gsems[b],
        )

    def o_copy(ch, b):
        return pltpu.make_async_copy(
            rows_v.at[b], out_hbm.at[pl.ds(base + ch * CHUNK, CHUNK)], osems[b]
        )

    L = LOOKAHEAD

    for ch in range(L):
        g_copy(ch, ch % NBUF).start()

    for ch in range(NBUF):
        ahead = ch + L
        if ahead >= NBUF:
            o_copy(ahead - NBUF, ahead % NBUF).wait()
        g_copy(ahead, ahead % NBUF).start()
        g_copy(ch, ch % NBUF).wait()
        o_copy(ch, ch % NBUF).start()

    def main_body(r, carry):
        ch0 = r * NBUF
        for b in range(NBUF):
            ch = ch0 + b
            ahead = ch + L
            ba = (b + L) % NBUF
            o_copy(ahead - NBUF, ba).wait()
            g_copy(ahead, ba).start()
            g_copy(ch, b).wait()
            o_copy(ch, b).start()
        return carry

    lax.fori_loop(1, N_ROUNDS - 1, main_body, 0)

    ch0 = (N_ROUNDS - 1) * NBUF
    for b in range(NBUF):
        ch = ch0 + b
        ahead = ch + L
        if ahead < N_CHUNKS:
            ba = (b + L) % NBUF
            o_copy(ahead - NBUF, ba).wait()
            g_copy(ahead, ba).start()
        g_copy(ch, b).wait()
        o_copy(ch, b).start()

    for b in range(NBUF):
        o_copy(ch0 + b, b).wait()


@functools.partial(jax.jit)
def _embedding_lookup(flat_idx, table):
    mesh = plsc.VectorSubcoreMesh(core_axis_name="c", subcore_axis_name="s")
    k = functools.partial(
        pl.kernel,
        mesh=mesh,
        out_type=jax.ShapeDtypeStruct((B_TOTAL, DIM), jnp.float32),
        scratch_types=[
            pltpu.VMEM((B_PER_W,), jnp.int32),
            pltpu.VMEM((NBUF, CHUNK, DIM), jnp.float32),
        ]
        + [pltpu.SemaphoreType.DMA] * (2 * NBUF),
    )(_emb_body)
    return k(flat_idx, table)


def kernel(token_ids, embedding_matrix):
    flat_idx = token_ids.reshape(-1)
    out = _embedding_lookup(flat_idx, embedding_matrix)
    return out.reshape(BATCH, HIST, DIM)

# --- scband reference (transcript-rebuilt; emitter-appended) ---
"""Pipeline reference for scband-embedding-32882269618928 (READ-ONLY COPY).

The authoritative reference and input builder live on the scoring server;
editing this copy changes nothing except your own understanding.
"""

import jax, jax.numpy as jnp
import numpy as np

NUM_EMBEDDINGS = 100000
EMBEDDING_DIM = 128
BATCH = 4096
HIST = 200

def setup_inputs(seed: int = 0) -> dict:
    key = jax.random.key(seed)
    k_idx, k_emb = jax.random.split(key)
    token_ids = jax.random.randint(k_idx, (BATCH, HIST), 0, NUM_EMBEDDINGS, dtype=jnp.int64 if jax.config.read('jax_enable_x64') else jnp.int32)
    # trunc_normal_(mean=0, std=1, a=-3, b=3) approximated by clipped normal
    emb = jax.random.normal(k_emb, (NUM_EMBEDDINGS, EMBEDDING_DIM), dtype=jnp.float32)
    emb = jnp.clip(emb, -3.0, 3.0)
    return {"token_ids": token_ids, "embedding_matrix": emb}

def reference(token_ids, embedding_matrix):
    # self.embedding_matrix[token_ids]
    return jnp.take(embedding_matrix, token_ids, axis=0)

if __name__ == "__main__":
    import jax
    _d = setup_inputs()
    print(jax.jit(kernel)(*tuple(_d.values())))

</pallas_src>

<mosaic_0001>
#map = affine_map<(d0, d1) -> (0)>
#map1 = affine_map<(d0, d1) -> (0, 0)>
module attributes {stable_mosaic.version = 14 : i64} {
  func.func @_emb_body(%arg0: i32, %arg1: i32, %arg2: memref<819200xi32, #tpu.memory_space<hbm>>, %arg3: memref<100000x128xf32, #tpu.memory_space<hbm>>, %arg4: memref<819200x128xf32, #tpu.memory_space<hbm>>, %arg5: memref<25600xi32, #tpu.memory_space<vmem>>, %arg6: memref<10x80x128xf32, #tpu.memory_space<vmem>>, %arg7: memref<!tpu.dma_semaphore, #tpu.memory_space<semaphore_mem>>, %arg8: memref<!tpu.dma_semaphore, #tpu.memory_space<semaphore_mem>>, %arg9: memref<!tpu.dma_semaphore, #tpu.memory_space<semaphore_mem>>, %arg10: memref<!tpu.dma_semaphore, #tpu.memory_space<semaphore_mem>>, %arg11: memref<!tpu.dma_semaphore, #tpu.memory_space<semaphore_mem>>, %arg12: memref<!tpu.dma_semaphore, #tpu.memory_space<semaphore_mem>>, %arg13: memref<!tpu.dma_semaphore, #tpu.memory_space<semaphore_mem>>, %arg14: memref<!tpu.dma_semaphore, #tpu.memory_space<semaphore_mem>>, %arg15: memref<!tpu.dma_semaphore, #tpu.memory_space<semaphore_mem>>, %arg16: memref<!tpu.dma_semaphore, #tpu.memory_space<semaphore_mem>>, %arg17: memref<!tpu.dma_semaphore, #tpu.memory_space<semaphore_mem>>, %arg18: memref<!tpu.dma_semaphore, #tpu.memory_space<semaphore_mem>>, %arg19: memref<!tpu.dma_semaphore, #tpu.memory_space<semaphore_mem>>, %arg20: memref<!tpu.dma_semaphore, #tpu.memory_space<semaphore_mem>>, %arg21: memref<!tpu.dma_semaphore, #tpu.memory_space<semaphore_mem>>, %arg22: memref<!tpu.dma_semaphore, #tpu.memory_space<semaphore_mem>>, %arg23: memref<!tpu.dma_semaphore, #tpu.memory_space<semaphore_mem>>, %arg24: memref<!tpu.dma_semaphore, #tpu.memory_space<semaphore_mem>>, %arg25: memref<!tpu.dma_semaphore, #tpu.memory_space<semaphore_mem>>, %arg26: memref<!tpu.dma_semaphore, #tpu.memory_space<semaphore_mem>>) attributes {dimension_semantics = [#tpu.dimension_semantics<core_parallel>, #tpu.dimension_semantics<subcore_parallel>], iteration_bounds = array<i64: 2, 16>, scalar_prefetch = 0 : i64, scratch_operands = 22 : i64, tpu.core_type = #tpu.core_type<sc_vector_subcore>, window_params = [{transform_indices = #map}, {transform_indices = #map1}, {transform_indices = #map1}]} {
    %mul3A = arith.constant 2 : i32
    %mul3A_0 = arith.muli %arg1, %mul3A : i32
    %add3A = arith.addi %mul3A_0, %arg0 : i32
    %mul3A_1 = arith.constant 25600 : i32
    %mul3A_2 = arith.muli %add3A, %mul3A_1 : i32
    "tpu.region"() ({
      %run_scoped3A = tpu.sem_alloc : memref<!tpu.dma_semaphore, #tpu.memory_space<semaphore_mem>>
      %dma_start3A_1006 = tpu.memref_slice %arg2[%mul3A_2] : memref<819200xi32, #tpu.memory_space<hbm>> -> memref<25600xi32, #tpu.memory_space<hbm>>
      %dma_start3A_1007 = tpu.memref_slice %arg2[%mul3A_2] : memref<819200xi32, #tpu.memory_space<hbm>> -> memref<25600xi32, #tpu.memory_space<hbm>>
      tpu.enqueue_dma source(%dma_start3A_1007 : memref<25600xi32, #tpu.memory_space<hbm>>) target(%arg5 : memref<25600xi32, #tpu.memory_space<vmem>>) target_semaphore(%run_scoped3A : memref<!tpu.dma_semaphore, #tpu.memory_space<semaphore_mem>>)
      %dma_wait3A_1008 = tpu.memref_slice %arg2[%mul3A_2] : memref<819200xi32, #tpu.memory_space<hbm>> -> memref<25600xi32, #tpu.memory_space<hbm>>
      %dma_wait3A_1009 = tpu.memref_slice %arg2[%mul3A_2] : memref<819200xi32, #tpu.memory_space<hbm>> -> memref<25600xi32, #tpu.memory_space<hbm>>
      tpu.wait_dma2 semaphore(%run_scoped3A : memref<!tpu.dma_semaphore, #tpu.memory_space<semaphore_mem>>) src(%dma_wait3A_1009 : memref<25600xi32, #tpu.memory_space<hbm>>) dst(%arg5 : memref<25600xi32, #tpu.memory_space<vmem>>)
      tpu.yield
    }) : () -> ()
    %dma_start3A = arith.constant 0 : i32
    %dma_start3A_3 = arith.constant 0 : i32
    %dma_start3A_4 = arith.constant 0 : i32
    %dma_start3A_5 = tpu.memref_slice %arg6[%dma_start3A, %dma_start3A_3, %dma_start3A_4] : memref<10x80x128xf32, #tpu.memory_space<vmem>> -> memref<1x80x128xf32, #tpu.memory_space<vmem>>
    %dma_start3A_6 = tpu.memref_squeeze %dma_start3A_5 : memref<1x80x128xf32, #tpu.memory_space<vmem>> -> memref<80x128xf32, #tpu.memory_space<vmem>>
    %dma_start3A_7 = arith.constant 0 : i32
    %dma_start3A_8 = tpu.memref_slice %arg5[%dma_start3A_7] : memref<25600xi32, #tpu.memory_space<vmem>> -> memref<80xi32, #tpu.memory_space<vmem>>
    %dma_start3A_9 = arith.constant 0 : i32
    %dma_start3A_10 = arith.constant 0 : i32
    %dma_start3A_11 = tpu.memref_slice %arg3[%dma_start3A_9, %dma_start3A_10] : memref<100000x128xf32, #tpu.memory_space<hbm>> -> memref<100000x128xf32, #tpu.memory_space<hbm>>
    tpu.enqueue_indirect_dma source(%dma_start3A_11 : memref<100000x128xf32, #tpu.memory_space<hbm>>) target(%dma_start3A_6 : memref<80x128xf32, #tpu.memory_space<vmem>>) offsets(%dma_start3A_8 : memref<80xi32, #tpu.memory_space<vmem>>) semaphore(%arg7 : memref<!tpu.dma_semaphore, #tpu.memory_space<semaphore_mem>>)
    %dma_start3A_12 = arith.constant 1 : i32
    %dma_start3A_13 = arith.constant 0 : i32
    %dma_start3A_14 = arith.constant 0 : i32
    %dma_start3A_15 = tpu.memref_slice %arg6[%dma_start3A_12, %dma_start3A_13, %dma_start3A_14] : memref<10x80x128xf32, #tpu.memory_space<vmem>> -> memref<1x80x128xf32, #tpu.memory_space<vmem>>
    %dma_start3A_16 = tpu.memref_squeeze %dma_start3A_15 : memref<1x80x128xf32, #tpu.memory_space<vmem>> -> memref<80x128xf32, #tpu.memory_space<vmem>>
    %dma_start3A_17 = arith.constant 80 : i32
    %dma_start3A_18 = tpu.memref_slice %arg5[%dma_start3A_17] : memref<25600xi32, #tpu.memory_space<vmem>> -> memref<80xi32, #tpu.memory_space<vmem>>
    %dma_start3A_19 = arith.constant 0 : i32
    %dma_start3A_20 = arith.constant 0 : i32
    %dma_start3A_21 = tpu.memref_slice %arg3[%dma_start3A_19, %dma_start3A_20] : memref<100000x128xf32, #tpu.memory_space<hbm>> -> memref<100000x128xf32, #tpu.memory_space<hbm>>
    tpu.enqueue_indirect_dma source(%dma_start3A_21 : memref<100000x128xf32, #tpu.memory_space<hbm>>) target(%dma_start3A_16 : memref<80x128xf32, #tpu.memory_space<vmem>>) offsets(%dma_start3A_18 : memref<80xi32, #tpu.memory_space<vmem>>) semaphore(%arg8 : memref<!tpu.dma_semaphore, #tpu.memory_space<semaphore_mem>>)
    %dma_start3A_22 = arith.constant 2 : i32
    %dma_start3A_23 = arith.constant 0 : i32
    %dma_start3A_24 = arith.constant 0 : i32
    %dma_start3A_25 = tpu.memref_slice %arg6[%dma_start3A_22, %dma_start3A_23, %dma_start3A_24] : memref<10x80x128xf32, #tpu.memory_space<vmem>> -> memref<1x80x128xf32, #tpu.memory_space<vmem>>
    %dma_start3A_26 = tpu.memref_squeeze %dma_start3A_25 : memref<1x80x128xf32, #tpu.memory_space<vmem>> -> memref<80x128xf32, #tpu.memory_space<vmem>>
    %dma_start3A_27 = arith.constant 160 : i32
    %dma_start3A_28 = tpu.memref_slice %arg5[%dma_start3A_27] : memref<25600xi32, #tpu.memory_space<vmem>> -> memref<80xi32, #tpu.memory_space<vmem>>
    %dma_start3A_29 = arith.constant 0 : i32
    %dma_start3A_30 = arith.constant 0 : i32
    %dma_start3A_31 = tpu.memref_slice %arg3[%dma_start3A_29, %dma_start3A_30] : memref<100000x128xf32, #tpu.memory_space<hbm>> -> memref<100000x128xf32, #tpu.memory_space<hbm>>
    tpu.enqueue_indirect_dma source(%dma_start3A_31 : memref<100000x128xf32, #tpu.memory_space<hbm>>) target(%dma_start3A_26 : memref<80x128xf32, #tpu.memory_space<vmem>>) offsets(%dma_start3A_28 : memref<80xi32, #tpu.memory_space<vmem>>) semaphore(%arg9 : memref<!tpu.dma_semaphore, #tpu.memory_space<semaphore_mem>>)
    %dma_start3A_32 = arith.constant 3 : i32
    %dma_start3A_33 = arith.constant 0 : i32
    %dma_start3A_34 = arith.constant 0 : i32
    %dma_start3A_35 = tpu.memref_slice %arg6[%dma_start3A_32, %dma_start3A_33, %dma_start3A_34] : memref<10x80x128xf32, #tpu.memory_space<vmem>> -> memref<1x80x128xf32, #tpu.memory_space<vmem>>
    %dma_start3A_36 = tpu.memref_squeeze %dma_start3A_35 : memref<1x80x128xf32, #tpu.memory_space<vmem>> -> memref<80x128xf32, #tpu.memory_space<vmem>>
    %dma_start3A_37 = arith.constant 240 : i32
    %dma_start3A_38 = tpu.memref_slice %arg5[%dma_start3A_37] : memref<25600xi32, #tpu.memory_space<vmem>> -> memref<80xi32, #tpu.memory_space<vmem>>
    %dma_start3A_39 = arith.constant 0 : i32
    %dma_start3A_40 = arith.constant 0 : i32
    %dma_start3A_41 = tpu.memref_slice %arg3[%dma_start3A_39, %dma_start3A_40] : memref<100000x128xf32, #tpu.memory_space<hbm>> -> memref<100000x128xf32, #tpu.memory_space<hbm>>
    tpu.enqueue_indirect_dma source(%dma_start3A_41 : memref<100000x128xf32, #tpu.memory_space<hbm>>) target(%dma_start3A_36 : memref<80x128xf32, #tpu.memory_space<vmem>>) offsets(%dma_start3A_38 : memref<80xi32, #tpu.memory_space<vmem>>) semaphore(%arg10 : memref<!tpu.dma_semaphore, #tpu.memory_space<semaphore_mem>>)
    %dma_start3A_42 = arith.constant 4 : i32
    %dma_start3A_43 = arith.constant 0 : i32
    %dma_start3A_44 = arith.constant 0 : i32
    %dma_start3A_45 = tpu.memref_slice %arg6[%dma_start3A_42, %dma_start3A_43, %dma_start3A_44] : memref<10x80x128xf32, #tpu.memory_space<vmem>> -> memref<1x80x128xf32, #tpu.memory_space<vmem>>
    %dma_start3A_46 = tpu.memref_squeeze %dma_start3A_45 : memref<1x80x128xf32, #tpu.memory_space<vmem>> -> memref<80x128xf32, #tpu.memory_space<vmem>>
    %dma_start3A_47 = arith.constant 320 : i32
    %dma_start3A_48 = tpu.memref_slice %arg5[%dma_start3A_47] : memref<25600xi32, #tpu.memory_space<vmem>> -> memref<80xi32, #tpu.memory_space<vmem>>
    %dma_start3A_49 = arith.constant 0 : i32
    %dma_start3A_50 = arith.constant 0 : i32
    %dma_start3A_51 = tpu.memref_slice %arg3[%dma_start3A_49, %dma_start3A_50] : memref<100000x128xf32, #tpu.memory_space<hbm>> -> memref<100000x128xf32, #tpu.memory_space<hbm>>
    tpu.enqueue_indirect_dma source(%dma_start3A_51 : memref<100000x128xf32, #tpu.memory_space<hbm>>) target(%dma_start3A_46 : memref<80x128xf32, #tpu.memory_space<vmem>>) offsets(%dma_start3A_48 : memref<80xi32, #tpu.memory_space<vmem>>) semaphore(%arg11 : memref<!tpu.dma_semaphore, #tpu.memory_space<semaphore_mem>>)
    %dma_wait3A = arith.constant 0 : i32
    %dma_wait3A_52 = arith.constant 0 : i32
    %dma_wait3A_53 = arith.constant 0 : i32
    %dma_wait3A_54 = tpu.memref_slice %arg6[%dma_wait3A, %dma_wait3A_52, %dma_wait3A_53] : memref<10x80x128xf32, #tpu.memory_space<vmem>> -> memref<1x80x128xf32, #tpu.memory_space<vmem>>
    %dma_wait3A_55 = tpu.memref_squeeze %dma_wait3A_54 : memref<1x80x128xf32, #tpu.memory_space<vmem>> -> memref<80x128xf32, #tpu.memory_space<vmem>>
    %dma_wait3A_56 = arith.constant 0 : i32
    %dma_wait3A_57 = tpu.memref_slice %arg5[%dma_wait3A_56] : memref<25600xi32, #tpu.memory_space<vmem>> -> memref<80xi32, #tpu.memory_space<vmem>>
    %dma_wait3A_58 = arith.constant 0 : i32
    %dma_wait3A_59 = arith.constant 0 : i32
    %dma_wait3A_60 = tpu.memref_slice %arg3[%dma_wait3A_58, %dma_wait3A_59] : memref<100000x128xf32, #tpu.memory_space<hbm>> -> memref<100000x128xf32, #tpu.memory_space<hbm>>
    tpu.wait_indirect_dma semaphore(%arg7 : memref<!tpu.dma_semaphore, #tpu.memory_space<semaphore_mem>>) src(%dma_wait3A_60 : memref<100000x128xf32, #tpu.memory_space<hbm>>) dst(%dma_wait3A_55 : memref<80x128xf32, #tpu.memory_space<vmem>>)
    %add3A_61 = arith.constant 0 : i32
    %add3A_62 = arith.addi %mul3A_2, %add3A_61 : i32
    %dma_start3A_63 = arith.constant 0 : i32
    %dma_start3A_64 = arith.constant 0 : i32
    %dma_start3A_65 = arith.constant 0 : i32
    %dma_start3A_66 = tpu.memref_slice %arg6[%dma_start3A_63, %dma_start3A_64, %dma_start3A_65] : memref<10x80x128xf32, #tpu.memory_space<vmem>> -> memref<1x80x128xf32, #tpu.memory_space<vmem>>
    %dma_start3A_67 = tpu.memref_squeeze %dma_start3A_66 : memref<1x80x128xf32, #tpu.memory_space<vmem>> -> memref<80x128xf32, #tpu.memory_space<vmem>>
    %dma_start3A_68 = arith.constant 0 : i32
    %dma_start3A_69 = tpu.memref_slice %arg4[%add3A_62, %dma_start3A_68] : memref<819200x128xf32, #tpu.memory_space<hbm>> -> memref<80x128xf32, #tpu.memory_space<hbm>>
    %dma_start3A_70 = arith.constant 0 : i32
    %dma_start3A_71 = tpu.memref_slice %arg4[%add3A_62, %dma_start3A_70] : memref<819200x128xf32, #tpu.memory_space<hbm>> -> memref<80x128xf32, #tpu.memory_space<hbm>>
    %dma_start3A_72 = arith.constant 0 : i32
    %dma_start3A_73 = arith.constant 0 : i32
    %dma_start3A_74 = tpu.memref_slice %arg6[%dma_start3A_63, %dma_start3A_72, %dma_start3A_73] : memref<10x80x128xf32, #tpu.memory_space<vmem>> -> memref<1x80x128xf32, #tpu.memory_space<vmem>>
    %dma_start3A_75 = tpu.memref_squeeze %dma_start3A_74 : memref<1x80x128xf32, #tpu.memory_space<vmem>> -> memref<80x128xf32, #tpu.memory_space<vmem>>
    tpu.enqueue_dma source(%dma_start3A_75 : memref<80x128xf32, #tpu.memory_space<vmem>>) target(%dma_start3A_71 : memref<80x128xf32, #tpu.memory_space<hbm>>) target_semaphore(%arg17 : memref<!tpu.dma_semaphore, #tpu.memory_space<semaphore_mem>>)
    %dma_start3A_76 = arith.constant 5 : i32
    %dma_start3A_77 = arith.constant 0 : i32
    %dma_start3A_78 = arith.constant 0 : i32
    %dma_start3A_79 = tpu.memref_slice %arg6[%dma_start3A_76, %dma_start3A_77, %dma_start3A_78] : memref<10x80x128xf32, #tpu.memory_space<vmem>> -> memref<1x80x128xf32, #tpu.memory_space<vmem>>
    %dma_start3A_80 = tpu.memref_squeeze %dma_start3A_79 : memref<1x80x128xf32, #tpu.memory_space<vmem>> -> memref<80x128xf32, #tpu.memory_space<vmem>>
    %dma_start3A_81 = arith.constant 400 : i32
    %dma_start3A_82 = tpu.memref_slice %arg5[%dma_start3A_81] : memref<25600xi32, #tpu.memory_space<vmem>> -> memref<80xi32, #tpu.memory_space<vmem>>
    %dma_start3A_83 = arith.constant 0 : i32
    %dma_start3A_84 = arith.constant 0 : i32
    %dma_start3A_85 = tpu.memref_slice %arg3[%dma_start3A_83, %dma_start3A_84] : memref<100000x128xf32, #tpu.memory_space<hbm>> -> memref<100000x128xf32, #tpu.memory_space<hbm>>
    tpu.enqueue_indirect_dma source(%dma_start3A_85 : memref<100000x128xf32, #tpu.memory_space<hbm>>) target(%dma_start3A_80 : memref<80x128xf32, #tpu.memory_space<vmem>>) offsets(%dma_start3A_82 : memref<80xi32, #tpu.memory_space<vmem>>) semaphore(%arg12 : memref<!tpu.dma_semaphore, #tpu.memory_space<semaphore_mem>>)
    %dma_wait3A_86 = arith.constant 1 : i32
    %dma_wait3A_87 = arith.constant 0 : i32
    %dma_wait3A_88 = arith.constant 0 : i32
    %dma_wait3A_89 = tpu.memref_slice %arg6[%dma_wait3A_86, %dma_wait3A_87, %dma_wait3A_88] : memref<10x80x128xf32, #tpu.memory_space<vmem>> -> memref<1x80x128xf32, #tpu.memory_space<vmem>>
    %dma_wait3A_90 = tpu.memref_squeeze %dma_wait3A_89 : memref<1x80x128xf32, #tpu.memory_space<vmem>> -> memref<80x128xf32, #tpu.memory_space<vmem>>
    %dma_wait3A_91 = arith.constant 80 : i32
    %dma_wait3A_92 = tpu.memref_slice %arg5[%dma_wait3A_91] : memref<25600xi32, #tpu.memory_space<vmem>> -> memref<80xi32, #tpu.memory_space<vmem>>
    %dma_wait3A_93 = arith.constant 0 : i32
    %dma_wait3A_94 = arith.constant 0 : i32
    %dma_wait3A_95 = tpu.memref_slice %arg3[%dma_wait3A_93, %dma_wait3A_94] : memref<100000x128xf32, #tpu.memory_space<hbm>> -> memref<100000x128xf32, #tpu.memory_space<hbm>>
    tpu.wait_indirect_dma semaphore(%arg8 : memref<!tpu.dma_semaphore, #tpu.memory_space<semaphore_mem>>) src(%dma_wait3A_95 : memref<100000x128xf32, #tpu.memory_space<hbm>>) dst(%dma_wait3A_90 : memref<80x128xf32, #tpu.memory_space<vmem>>)
    %add3A_96 = arith.constant 80 : i32
    %add3A_97 = arith.addi %mul3A_2, %add3A_96 : i32
    %dma_start3A_98 = arith.constant 1 : i32
    %dma_start3A_99 = arith.constant 0 : i32
    %dma_start3A_100 = arith.constant 0 : i32
    %dma_start3A_101 = tpu.memref_slice %arg6[%dma_start3A_98, %dma_start3A_99, %dma_start3A_100] : memref<10x80x128xf32, #tpu.memory_space<vmem>> -> memref<1x80x128xf32, #tpu.memory_space<vmem>>
    %dma_start3A_102 = tpu.memref_squeeze %dma_start3A_101 : memref<1x80x128xf32, #tpu.memory_space<vmem>> -> memref<80x128xf32, #tpu.memory_space<vmem>>
    %dma_start3A_103 = arith.constant 0 : i32
    %dma_start3A_104 = tpu.memref_slice %arg4[%add3A_97, %dma_start3A_103] : memref<819200x128xf32, #tpu.memory_space<hbm>> -> memref<80x128xf32, #tpu.memory_space<hbm>>
    %dma_start3A_105 = arith.constant 0 : i32
    %dma_start3A_106 = tpu.memref_slice %arg4[%add3A_97, %dma_start3A_105] : memref<819200x128xf32, #tpu.memory_space<hbm>> -> memref<80x128xf32, #tpu.memory_space<hbm>>
    %dma_start3A_107 = arith.constant 0 : i32
    %dma_start3A_108 = arith.constant 0 : i32
    %dma_start3A_109 = tpu.memref_slice %arg6[%dma_start3A_98, %dma_start3A_107, %dma_start3A_108] : memref<10x80x128xf32, #tpu.memory_space<vmem>> -> memref<1x80x128xf32, #tpu.memory_space<vmem>>
    %dma_start3A_110 = tpu.memref_squeeze %dma_start3A_109 : memref<1x80x128xf32, #tpu.memory_space<vmem>> -> memref<80x128xf32, #tpu.memory_space<vmem>>
    tpu.enqueue_dma source(%dma_start3A_110 : memref<80x128xf32, #tpu.memory_space<vmem>>) target(%dma_start3A_106 : memref<80x128xf32, #tpu.memory_space<hbm>>) target_semaphore(%arg18 : memref<!tpu.dma_semaphore, #tpu.memory_space<semaphore_mem>>)
    %dma_start3A_111 = arith.constant 6 : i32
    %dma_start3A_112 = arith.constant 0 : i32
    %dma_start3A_113 = arith.constant 0 : i32
    %dma_start3A_114 = tpu.memref_slice %arg6[%dma_start3A_111, %dma_start3A_112, %dma_start3A_113] : memref<10x80x128xf32, #tpu.memory_space<vmem>> -> memref<1x80x128xf32, #tpu.memory_space<vmem>>
    %dma_start3A_115 = tpu.memref_squeeze %dma_start3A_114 : memref<1x80x128xf32, #tpu.memory_space<vmem>> -> memref<80x128xf32, #tpu.memory_space<vmem>>
    %dma_start3A_116 = arith.constant 480 : i32
    %dma_start3A_117 = tpu.memref_slice %arg5[%dma_start3A_116] : memref<25600xi32, #tpu.memory_space<vmem>> -> memref<80xi32, #tpu.memory_space<vmem>>
    %dma_start3A_118 = arith.constant 0 : i32
    %dma_start3A_119 = arith.constant 0 : i32
    %dma_start3A_120 = tpu.memref_slice %arg3[%dma_start3A_118, %dma_start3A_119] : memref<100000x128xf32, #tpu.memory_space<hbm>> -> memref<100000x128xf32, #tpu.memory_space<hbm>>
    tpu.enqueue_indirect_dma source(%dma_start3A_120 : memref<100000x128xf32, #tpu.memory_space<hbm>>) target(%dma_start3A_115 : memref<80x128xf32, #tpu.memory_space<vmem>>) offsets(%dma_start3A_117 : memref<80xi32, #tpu.memory_space<vmem>>) semaphore(%arg13 : memref<!tpu.dma_semaphore, #tpu.memory_space<semaphore_mem>>)
    %dma_wait3A_121 = arith.constant 2 : i32
    %dma_wait3A_122 = arith.constant 0 : i32
    %dma_wait3A_123 = arith.constant 0 : i32
    %dma_wait3A_124 = tpu.memref_slice %arg6[%dma_wait3A_121, %dma_wait3A_122, %dma_wait3A_123] : memref<10x80x128xf32, #tpu.memory_space<vmem>> -> memref<1x80x128xf32, #tpu.memory_space<vmem>>
    %dma_wait3A_125 = tpu.memref_squeeze %dma_wait3A_124 : memref<1x80x128xf32, #tpu.memory_space<vmem>> -> memref<80x128xf32, #tpu.memory_space<vmem>>
    %dma_wait3A_126 = arith.constant 160 : i32
    %dma_wait3A_127 = tpu.memref_slice %arg5[%dma_wait3A_126] : memref<25600xi32, #tpu.memory_space<vmem>> -> memref<80xi32, #tpu.memory_space<vmem>>
    %dma_wait3A_128 = arith.constant 0 : i32
    %dma_wait3A_129 = arith.constant 0 : i32
    %dma_wait3A_130 = tpu.memref_slice %arg3[%dma_wait3A_128, %dma_wait3A_129] : memref<100000x128xf32, #tpu.memory_space<hbm>> -> memref<100000x128xf32, #tpu.memory_space<hbm>>
    tpu.wait_indirect_dma semaphore(%arg9 : memref<!tpu.dma_semaphore, #tpu.memory_space<semaphore_mem>>) src(%dma_wait3A_130 : memref<100000x128xf32, #tpu.memory_space<hbm>>) dst(%dma_wait3A_125 : memref<80x128xf32, #tpu.memory_space<vmem>>)
    %add3A_131 = arith.constant 160 : i32
    %add3A_132 = arith.addi %mul3A_2, %add3A_131 : i32
    %dma_start3A_133 = arith.constant 2 : i32
    %dma_start3A_134 = arith.constant 0 : i32
    %dma_start3A_135 = arith.constant 0 : i32
    %dma_start3A_136 = tpu.memref_slice %arg6[%dma_start3A_133, %dma_start3A_134, %dma_start3A_135] : memref<10x80x128xf32, #tpu.memory_space<vmem>> -> memref<1x80x128xf32, #tpu.memory_space<vmem>>
    %dma_start3A_137 = tpu.memref_squeeze %dma_start3A_136 : memref<1x80x128xf32, #tpu.memory_space<vmem>> -> memref<80x128xf32, #tpu.memory_space<vmem>>
    %dma_start3A_138 = arith.constant 0 : i32
    %dma_start3A_139 = tpu.memref_slice %arg4[%add3A_132, %dma_start3A_138] : memref<819200x128xf32, #tpu.memory_space<hbm>> -> memref<80x128xf32, #tpu.memory_space<hbm>>
    %dma_start3A_140 = arith.constant 0 : i32
    %dma_start3A_141 = tpu.memref_slice %arg4[%add3A_132, %dma_start3A_140] : memref<819200x128xf32, #tpu.memory_space<hbm>> -> memref<80x128xf32, #tpu.memory_space<hbm>>
    %dma_start3A_142 = arith.constant 0 : i32
    %dma_start3A_143 = arith.constant 0 : i32
    %dma_start3A_144 = tpu.memref_slice %arg6[%dma_start3A_133, %dma_start3A_142, %dma_start3A_143] : memref<10x80x128xf32, #tpu.memory_space<vmem>> -> memref<1x80x128xf32, #tpu.memory_space<vmem>>
    %dma_start3A_145 = tpu.memref_squeeze %dma_start3A_144 : memref<1x80x128xf32, #tpu.memory_space<vmem>> -> memref<80x128xf32, #tpu.memory_space<vmem>>
    tpu.enqueue_dma source(%dma_start3A_145 : memref<80x128xf32, #tpu.memory_space<vmem>>) target(%dma_start3A_141 : memref<80x128xf32, #tpu.memory_space<hbm>>) target_semaphore(%arg19 : memref<!tpu.dma_semaphore, #tpu.memory_space<semaphore_mem>>)
    %dma_start3A_146 = arith.constant 7 : i32
    %dma_start3A_147 = arith.constant 0 : i32
    %dma_start3A_148 = arith.constant 0 : i32
    %dma_start3A_149 = tpu.memref_slice %arg6[%dma_start3A_146, %dma_start3A_147, %dma_start3A_148] : memref<10x80x128xf32, #tpu.memory_space<vmem>> -> memref<1x80x128xf32, #tpu.memory_space<vmem>>
    %dma_start3A_150 = tpu.memref_squeeze %dma_start3A_149 : memref<1x80x128xf32, #tpu.memory_space<vmem>> -> memref<80x128xf32, #tpu.memory_space<vmem>>
    %dma_start3A_151 = arith.constant 560 : i32
    %dma_start3A_152 = tpu.memref_slice %arg5[%dma_start3A_151] : memref<25600xi32, #tpu.memory_space<vmem>> -> memref<80xi32, #tpu.memory_space<vmem>>
    %dma_start3A_153 = arith.constant 0 : i32
    %dma_start3A_154 = arith.constant 0 : i32
    %dma_start3A_155 = tpu.memref_slice %arg3[%dma_start3A_153, %dma_start3A_154] : memref<100000x128xf32, #tpu.memory_space<hbm>> -> memref<100000x128xf32, #tpu.memory_space<hbm>>
    tpu.enqueue_indirect_dma source(%dma_start3A_155 : memref<100000x128xf32, #tpu.memory_space<hbm>>) target(%dma_start3A_150 : memref<80x128xf32, #tpu.memory_space<vmem>>) offsets(%dma_start3A_152 : memref<80xi32, #tpu.memory_space<vmem>>) semaphore(%arg14 : memref<!tpu.dma_semaphore, #tpu.memory_space<semaphore_mem>>)
    %dma_wait3A_156 = arith.constant 3 : i32
    %dma_wait3A_157 = arith.constant 0 : i32
    %dma_wait3A_158 = arith.constant 0 : i32
    %dma_wait3A_159 = tpu.memref_slice %arg6[%dma_wait3A_156, %dma_wait3A_157, %dma_wait3A_158] : memref<10x80x128xf32, #tpu.memory_space<vmem>> -> memref<1x80x128xf32, #tpu.memory_space<vmem>>
    %dma_wait3A_160 = tpu.memref_squeeze %dma_wait3A_159 : memref<1x80x128xf32, #tpu.memory_space<vmem>> -> memref<80x128xf32, #tpu.memory_space<vmem>>
    %dma_wait3A_161 = arith.constant 240 : i32
    %dma_wait3A_162 = tpu.memref_slice %arg5[%dma_wait3A_161] : memref<25600xi32, #tpu.memory_space<vmem>> -> memref<80xi32, #tpu.memory_space<vmem>>
    %dma_wait3A_163 = arith.constant 0 : i32
    %dma_wait3A_164 = arith.constant 0 : i32
    %dma_wait3A_165 = tpu.memref_slice %arg3[%dma_wait3A_163, %dma_wait3A_164] : memref<100000x128xf32, #tpu.memory_space<hbm>> -> memref<100000x128xf32, #tpu.memory_space<hbm>>
    tpu.wait_indirect_dma semaphore(%arg10 : memref<!tpu.dma_semaphore, #tpu.memory_space<semaphore_mem>>) src(%dma_wait3A_165 : memref<100000x128xf32, #tpu.memory_space<hbm>>) dst(%dma_wait3A_160 : memref<80x128xf32, #tpu.memory_space<vmem>>)
    %add3A_166 = arith.constant 240 : i32
    %add3A_167 = arith.addi %mul3A_2, %add3A_166 : i32
    %dma_start3A_168 = arith.constant 3 : i32
    %dma_start3A_169 = arith.constant 0 : i32
    %dma_start3A_170 = arith.constant 0 : i32
    %dma_start3A_171 = tpu.memref_slice %arg6[%dma_start3A_168, %dma_start3A_169, %dma_start3A_170] : memref<10x80x128xf32, #tpu.memory_space<vmem>> -> memref<1x80x128xf32, #tpu.memory_space<vmem>>
    %dma_start3A_172 = tpu.memref_squeeze %dma_start3A_171 : memref<1x80x128xf32, #tpu.memory_space<vmem>> -> memref<80x128xf32, #tpu.memory_space<vmem>>
    %dma_start3A_173 = arith.constant 0 : i32
    %dma_start3A_174 = tpu.memref_slice %arg4[%add3A_167, %dma_start3A_173] : memref<819200x128xf32, #tpu.memory_space<hbm>> -> memref<80x128xf32, #tpu.memory_space<hbm>>
    %dma_start3A_175 = arith.constant 0 : i32
    %dma_start3A_176 = tpu.memref_slice %arg4[%add3A_167, %dma_start3A_175] : memref<819200x128xf32, #tpu.memory_space<hbm>> -> memref<80x128xf32, #tpu.memory_space<hbm>>
    %dma_start3A_177 = arith.constant 0 : i32
    %dma_start3A_178 = arith.constant 0 : i32
    %dma_start3A_179 = tpu.memref_slice %arg6[%dma_start3A_168, %dma_start3A_177, %dma_start3A_178] : memref<10x80x128xf32, #tpu.memory_space<vmem>> -> memref<1x80x128xf32, #tpu.memory_space<vmem>>
    %dma_start3A_180 = tpu.memref_squeeze %dma_start3A_179 : memref<1x80x128xf32, #tpu.memory_space<vmem>> -> memref<80x128xf32, #tpu.memory_space<vmem>>
    tpu.enqueue_dma source(%dma_start3A_180 : memref<80x128xf32, #tpu.memory_space<vmem>>) target(%dma_start3A_176 : memref<80x128xf32, #tpu.memory_space<hbm>>) target_semaphore(%arg20 : memref<!tpu.dma_semaphore, #tpu.memory_space<semaphore_mem>>)
    %dma_start3A_181 = arith.constant 8 : i32
    %dma_start3A_182 = arith.constant 0 : i32
    %dma_start3A_183 = arith.constant 0 : i32
    %dma_start3A_184 = tpu.memref_slice %arg6[%dma_start3A_181, %dma_start3A_182, %dma_start3A_183] : memref<10x80x128xf32, #tpu.memory_space<vmem>> -> memref<1x80x128xf32, #tpu.memory_space<vmem>>
    %dma_start3A_185 = tpu.memref_squeeze %dma_start3A_184 : memref<1x80x128xf32, #tpu.memory_space<vmem>> -> memref<80x128xf32, #tpu.memory_space<vmem>>
    %dma_start3A_186 = arith.constant 640 : i32
    %dma_start3A_187 = tpu.memref_slice %arg5[%dma_start3A_186] : memref<25600xi32, #tpu.memory_space<vmem>> -> memref<80xi32, #tpu.memory_space<vmem>>
    %dma_start3A_188 = arith.constant 0 : i32
    %dma_start3A_189 = arith.constant 0 : i32
    %dma_start3A_190 = tpu.memref_slice %arg3[%dma_start3A_188, %dma_start3A_189] : memref<100000x128xf32, #tpu.memory_space<hbm>> -> memref<100000x128xf32, #tpu.memory_space<hbm>>
    tpu.enqueue_indirect_dma source(%dma_start3A_190 : memref<100000x128xf32, #tpu.memory_space<hbm>>) target(%dma_start3A_185 : memref<80x128xf32, #tpu.memory_space<vmem>>) offsets(%dma_start3A_187 : memref<80xi32, #tpu.memory_space<vmem>>) semaphore(%arg15 : memref<!tpu.dma_semaphore, #tpu.memory_space<semaphore_mem>>)
    %dma_wait3A_191 = arith.constant 4 : i32
    %dma_wait3A_192 = arith.constant 0 : i32
    %dma_wait3A_193 = arith.constant 0 : i32
    %dma_wait3A_194 = tpu.memref_slice %arg6[%dma_wait3A_191, %dma_wait3A_192, %dma_wait3A_193] : memref<10x80x128xf32, #tpu.memory_space<vmem>> -> memref<1x80x128xf32, #tpu.memory_space<vmem>>
    %dma_wait3A_195 = tpu.memref_squeeze %dma_wait3A_194 : memref<1x80x128xf32, #tpu.memory_space<vmem>> -> memref<80x128xf32, #tpu.memory_space<vmem>>
    %dma_wait3A_196 = arith.constant 320 : i32
    %dma_wait3A_197 = tpu.memref_slice %arg5[%dma_wait3A_196] : memref<25600xi32, #tpu.memory_space<vmem>> -> memref<80xi32, #tpu.memory_space<vmem>>
    %dma_wait3A_198 = arith.constant 0 : i32
    %dma_wait3A_199 = arith.constant 0 : i32
    %dma_wait3A_200 = tpu.memref_slice %arg3[%dma_wait3A_198, %dma_wait3A_199] : memref<100000x128xf32, #tpu.memory_space<hbm>> -> memref<100000x128xf32, #tpu.memory_space<hbm>>
    tpu.wait_indirect_dma semaphore(%arg11 : memref<!tpu.dma_semaphore, #tpu.memory_space<semaphore_mem>>) src(%dma_wait3A_200 : memref<100000x128xf32, #tpu.memory_space<hbm>>) dst(%dma_wait3A_195 : memref<80x128xf32, #tpu.memory_space<vmem>>)
    %add3A_201 = arith.constant 320 : i32
    %add3A_202 = arith.addi %mul3A_2, %add3A_201 : i32
    %dma_start3A_203 = arith.constant 4 : i32
    %dma_start3A_204 = arith.constant 0 : i32
    %dma_start3A_205 = arith.constant 0 : i32
    %dma_start3A_206 = tpu.memref_slice %arg6[%dma_start3A_203, %dma_start3A_204, %dma_start3A_205] : memref<10x80x128xf32, #tpu.memory_space<vmem>> -> memref<1x80x128xf32, #tpu.memory_space<vmem>>
    %dma_start3A_207 = tpu.memref_squeeze %dma_start3A_206 : memref<1x80x128xf32, #tpu.memory_space<vmem>> -> memref<80x128xf32, #tpu.memory_space<vmem>>
    %dma_start3A_208 = arith.constant 0 : i32
    %dma_start3A_209 = tpu.memref_slice %arg4[%add3A_202, %dma_start3A_208] : memref<819200x128xf32, #tpu.memory_space<hbm>> -> memref<80x128xf32, #tpu.memory_space<hbm>>
    %dma_start3A_210 = arith.constant 0 : i32
    %dma_start3A_211 = tpu.memref_slice %arg4[%add3A_202, %dma_start3A_210] : memref<819200x128xf32, #tpu.memory_space<hbm>> -> memref<80x128xf32, #tpu.memory_space<hbm>>
    %dma_start3A_212 = arith.constant 0 : i32
    %dma_start3A_213 = arith.constant 0 : i32
    %dma_start3A_214 = tpu.memref_slice %arg6[%dma_start3A_203, %dma_start3A_212, %dma_start3A_213] : memref<10x80x128xf32, #tpu.memory_space<vmem>> -> memref<1x80x128xf32, #tpu.memory_space<vmem>>
    %dma_start3A_215 = tpu.memref_squeeze %dma_start3A_214 : memref<1x80x128xf32, #tpu.memory_space<vmem>> -> memref<80x128xf32, #tpu.memory_space<vmem>>
    tpu.enqueue_dma source(%dma_start3A_215 : memref<80x128xf32, #tpu.memory_space<vmem>>) target(%dma_start3A_211 : memref<80x128xf32, #tpu.memory_space<hbm>>) target_semaphore(%arg21 : memref<!tpu.dma_semaphore, #tpu.memory_space<semaphore_mem>>)
    %dma_start3A_216 = arith.constant 9 : i32
    %dma_start3A_217 = arith.constant 0 : i32
    %dma_start3A_218 = arith.constant 0 : i32
    %dma_start3A_219 = tpu.memref_slice %arg6[%dma_start3A_216, %dma_start3A_217, %dma_start3A_218] : memref<10x80x128xf32, #tpu.memory_space<vmem>> -> memref<1x80x128xf32, #tpu.memory_space<vmem>>
    %dma_start3A_220 = tpu.memref_squeeze %dma_start3A_219 : memref<1x80x128xf32, #tpu.memory_space<vmem>> -> memref<80x128xf32, #tpu.memory_space<vmem>>
    %dma_start3A_221 = arith.constant 720 : i32
    %dma_start3A_222 = tpu.memref_slice %arg5[%dma_start3A_221] : memref<25600xi32, #tpu.memory_space<vmem>> -> memref<80xi32, #tpu.memory_space<vmem>>
    %dma_start3A_223 = arith.constant 0 : i32
    %dma_start3A_224 = arith.constant 0 : i32
    %dma_start3A_225 = tpu.memref_slice %arg3[%dma_start3A_223, %dma_start3A_224] : memref<100000x128xf32, #tpu.memory_space<hbm>> -> memref<100000x128xf32, #tpu.memory_space<hbm>>
    tpu.enqueue_indirect_dma source(%dma_start3A_225 : memref<100000x128xf32, #tpu.memory_space<hbm>>) target(%dma_start3A_220 : memref<80x128xf32, #tpu.memory_space<vmem>>) offsets(%dma_start3A_222 : memref<80xi32, #tpu.memory_space<vmem>>) semaphore(%arg16 : memref<!tpu.dma_semaphore, #tpu.memory_space<semaphore_mem>>)
    %dma_wait3A_226 = arith.constant 5 : i32
    %dma_wait3A_227 = arith.constant 0 : i32
    %dma_wait3A_228 = arith.constant 0 : i32
    %dma_wait3A_229 = tpu.memref_slice %arg6[%dma_wait3A_226, %dma_wait3A_227, %dma_wait3A_228] : memref<10x80x128xf32, #tpu.memory_space<vmem>> -> memref<1x80x128xf32, #tpu.memory_space<vmem>>
    %dma_wait3A_230 = tpu.memref_squeeze %dma_wait3A_229 : memref<1x80x128xf32, #tpu.memory_space<vmem>> -> memref<80x128xf32, #tpu.memory_space<vmem>>
    %dma_wait3A_231 = arith.constant 400 : i32
    %dma_wait3A_232 = tpu.memref_slice %arg5[%dma_wait3A_231] : memref<25600xi32, #tpu.memory_space<vmem>> -> memref<80xi32, #tpu.memory_space<vmem>>
    %dma_wait3A_233 = arith.constant 0 : i32
    %dma_wait3A_234 = arith.constant 0 : i32
    %dma_wait3A_235 = tpu.memref_slice %arg3[%dma_wait3A_233, %dma_wait3A_234] : memref<100000x128xf32, #tpu.memory_space<hbm>> -> memref<100000x128xf32, #tpu.memory_space<hbm>>
    tpu.wait_indirect_dma semaphore(%arg12 : memref<!tpu.dma_semaphore, #tpu.memory_space<semaphore_mem>>) src(%dma_wait3A_235 : memref<100000x128xf32, #tpu.memory_space<hbm>>) dst(%dma_wait3A_230 : memref<80x128xf32, #tpu.memory_space<vmem>>)
    %add3A_236 = arith.constant 400 : i32
    %add3A_237 = arith.addi %mul3A_2, %add3A_236 : i32
    %dma_start3A_238 = arith.constant 5 : i32
    %dma_start3A_239 = arith.constant 0 : i32
    %dma_start3A_240 = arith.constant 0 : i32
    %dma_start3A_241 = tpu.memref_slice %arg6[%dma_start3A_238, %dma_start3A_239, %dma_start3A_240] : memref<10x80x128xf32, #tpu.memory_space<vmem>> -> memref<1x80x128xf32, #tpu.memory_space<vmem>>
    %dma_start3A_242 = tpu.memref_squeeze %dma_start3A_241 : memref<1x80x128xf32, #tpu.memory_space<vmem>> -> memref<80x128xf32, #tpu.memory_space<vmem>>
    %dma_start3A_243 = arith.constant 0 : i32
    %dma_start3A_244 = tpu.memref_slice %arg4[%add3A_237, %dma_start3A_243] : memref<819200x128xf32, #tpu.memory_space<hbm>> -> memref<80x128xf32, #tpu.memory_space<hbm>>
    %dma_start3A_245 = arith.constant 0 : i32
    %dma_start3A_246 = tpu.memref_slice %arg4[%add3A_237, %dma_start3A_245] : memref<819200x128xf32, #tpu.memory_space<hbm>> -> memref<80x128xf32, #tpu.memory_space<hbm>>
    %dma_start3A_247 = arith.constant 0 : i32
    %dma_start3A_248 = arith.constant 0 : i32
    %dma_start3A_249 = tpu.memref_slice %arg6[%dma_start3A_238, %dma_start3A_247, %dma_start3A_248] : memref<10x80x128xf32, #tpu.memory_space<vmem>> -> memref<1x80x128xf32, #tpu.memory_space<vmem>>
    %dma_start3A_250 = tpu.memref_squeeze %dma_start3A_249 : memref<1x80x128xf32, #tpu.memory_space<vmem>> -> memref<80x128xf32, #tpu.memory_space<vmem>>
    tpu.enqueue_dma source(%dma_start3A_250 : memref<80x128xf32, #tpu.memory_space<vmem>>) target(%dma_start3A_246 : memref<80x128xf32, #tpu.memory_space<hbm>>) target_semaphore(%arg22 : memref<!tpu.dma_semaphore, #tpu.memory_space<semaphore_mem>>)
    %add3A_251 = arith.constant 0 : i32
    %add3A_252 = arith.addi %mul3A_2, %add3A_251 : i32
    %dma_wait3A_253 = arith.constant 0 : i32
    %dma_wait3A_254 = arith.constant 0 : i32
    %dma_wait3A_255 = arith.constant 0 : i32
    %dma_wait3A_256 = tpu.memref_slice %arg6[%dma_wait3A_253, %dma_wait3A_254, %dma_wait3A_255] : memref<10x80x128xf32, #tpu.memory_space<vmem>> -> memref<1x80x128xf32, #tpu.memory_space<vmem>>
    %dma_wait3A_257 = tpu.memref_squeeze %dma_wait3A_256 : memref<1x80x128xf32, #tpu.memory_space<vmem>> -> memref<80x128xf32, #tpu.memory_space<vmem>>
    %dma_wait3A_258 = arith.constant 0 : i32
    %dma_wait3A_259 = tpu.memref_slice %arg4[%add3A_252, %dma_wait3A_258] : memref<819200x128xf32, #tpu.memory_space<hbm>> -> memref<80x128xf32, #tpu.memory_space<hbm>>
    %dma_wait3A_260 = arith.constant 0 : i32
    %dma_wait3A_261 = tpu.memref_slice %arg4[%add3A_252, %dma_wait3A_260] : memref<819200x128xf32, #tpu.memory_space<hbm>> -> memref<80x128xf32, #tpu.memory_space<hbm>>
    %dma_wait3A_262 = arith.constant 0 : i32
    %dma_wait3A_263 = arith.constant 0 : i32
    %dma_wait3A_264 = tpu.memref_slice %arg6[%dma_wait3A_253, %dma_wait3A_262, %dma_wait3A_263] : memref<10x80x128xf32, #tpu.memory_space<vmem>> -> memref<1x80x128xf32, #tpu.memory_space<vmem>>
    %dma_wait3A_265 = tpu.memref_squeeze %dma_wait3A_264 : memref<1x80x128xf32, #tpu.memory_space<vmem>> -> memref<80x128xf32, #tpu.memory_space<vmem>>
    tpu.wait_dma2 semaphore(%arg17 : memref<!tpu.dma_semaphore, #tpu.memory_space<semaphore_mem>>) src(%dma_wait3A_265 : memref<80x128xf32, #tpu.memory_space<vmem>>) dst(%dma_wait3A_261 : memref<80x128xf32, #tpu.memory_space<hbm>>)
    %dma_start3A_266 = arith.constant 0 : i32
    %dma_start3A_267 = arith.constant 0 : i32
    %dma_start3A_268 = arith.constant 0 : i32
    %dma_start3A_269 = tpu.memref_slice %arg6[%dma_start3A_266, %dma_start3A_267, %dma_start3A_268] : memref<10x80x128xf32, #tpu.memory_space<vmem>> -> memref<1x80x128xf32, #tpu.memory_space<vmem>>
    %dma_start3A_270 = tpu.memref_squeeze %dma_start3A_269 : memref<1x80x128xf32, #tpu.memory_space<vmem>> -> memref<80x128xf32, #tpu.memory_space<vmem>>
    %dma_start3A_271 = arith.constant 800 : i32
    %dma_start3A_272 = tpu.memref_slice %arg5[%dma_start3A_271] : memref<25600xi32, #tpu.memory_space<vmem>> -> memref<80xi32, #tpu.memory_space<vmem>>
    %dma_start3A_273 = arith.constant 0 : i32
    %dma_start3A_274 = arith.constant 0 : i32
    %dma_start3A_275 = tpu.memref_slice %arg3[%dma_start3A_273, %dma_start3A_274] : memref<100000x128xf32, #tpu.memory_space<hbm>> -> memref<100000x128xf32, #tpu.memory_space<hbm>>
    tpu.enqueue_indirect_dma source(%dma_start3A_275 : memref<100000x128xf32, #tpu.memory_space<hbm>>) target(%dma_start3A_270 : memref<80x128xf32, #tpu.memory_space<vmem>>) offsets(%dma_start3A_272 : memref<80xi32, #tpu.memory_space<vmem>>) semaphore(%arg7 : memref<!tpu.dma_semaphore, #tpu.memory_space<semaphore_mem>>)
    %dma_wait3A_276 = arith.constant 6 : i32
    %dma_wait3A_277 = arith.constant 0 : i32
    %dma_wait3A_278 = arith.constant 0 : i32
    %dma_wait3A_279 = tpu.memref_slice %arg6[%dma_wait3A_276, %dma_wait3A_277, %dma_wait3A_278] : memref<10x80x128xf32, #tpu.memory_space<vmem>> -> memref<1x80x128xf32, #tpu.memory_space<vmem>>
    %dma_wait3A_280 = tpu.memref_squeeze %dma_wait3A_279 : memref<1x80x128xf32, #tpu.memory_space<vmem>> -> memref<80x128xf32, #tpu.memory_space<vmem>>
    %dma_wait3A_281 = arith.constant 480 : i32
    %dma_wait3A_282 = tpu.memref_slice %arg5[%dma_wait3A_281] : memref<25600xi32, #tpu.memory_space<vmem>> -> memref<80xi32, #tpu.memory_space<vmem>>
    %dma_wait3A_283 = arith.constant 0 : i32
    %dma_wait3A_284 = arith.constant 0 : i32
    %dma_wait3A_285 = tpu.memref_slice %arg3[%dma_wait3A_283, %dma_wait3A_284] : memref<100000x128xf32, #tpu.memory_space<hbm>> -> memref<100000x128xf32, #tpu.memory_space<hbm>>
    tpu.wait_indirect_dma semaphore(%arg13 : memref<!tpu.dma_semaphore, #tpu.memory_space<semaphore_mem>>) src(%dma_wait3A_285 : memref<100000x128xf32, #tpu.memory_space<hbm>>) dst(%dma_wait3A_280 : memref<80x128xf32, #tpu.memory_space<vmem>>)
    %add3A_286 = arith.constant 480 : i32
    %add3A_287 = arith.addi %mul3A_2, %add3A_286 : i32
    %dma_start3A_288 = arith.constant 6 : i32
    %dma_start3A_289 = arith.constant 0 : i32
    %dma_start3A_290 = arith.constant 0 : i32
    %dma_start3A_291 = tpu.memref_slice %arg6[%dma_start3A_288, %dma_start3A_289, %dma_start3A_290] : memref<10x80x128xf32, #tpu.memory_space<vmem>> -> memref<1x80x128xf32, #tpu.memory_space<vmem>>
    %dma_start3A_292 = tpu.memref_squeeze %dma_start3A_291 : memref<1x80x128xf32, #tpu.memory_space<vmem>> -> memref<80x128xf32, #tpu.memory_space<vmem>>
    %dma_start3A_293 = arith.constant 0 : i32
    %dma_start3A_294 = tpu.memref_slice %arg4[%add3A_287, %dma_start3A_293] : memref<819200x128xf32, #tpu.memory_space<hbm>> -> memref<80x128xf32, #tpu.memory_space<hbm>>
    %dma_start3A_295 = arith.constant 0 : i32
    %dma_start3A_296 = tpu.memref_slice %arg4[%add3A_287, %dma_start3A_295] : memref<819200x128xf32, #tpu.memory_space<hbm>> -> memref<80x128xf32, #tpu.memory_space<hbm>>
    %dma_start3A_297 = arith.constant 0 : i32
    %dma_start3A_298 = arith.constant 0 : i32
    %dma_start3A_299 = tpu.memref_slice %arg6[%dma_start3A_288, %dma_start3A_297, %dma_start3A_298] : memref<10x80x128xf32, #tpu.memory_space<vmem>> -> memref<1x80x128xf32, #tpu.memory_space<vmem>>
    %dma_start3A_300 = tpu.memref_squeeze %dma_start3A_299 : memref<1x80x128xf32, #tpu.memory_space<vmem>> -> memref<80x128xf32, #tpu.memory_space<vmem>>
    tpu.enqueue_dma source(%dma_start3A_300 : memref<80x128xf32, #tpu.memory_space<vmem>>) target(%dma_start3A_296 : memref<80x128xf32, #tpu.memory_space<hbm>>) target_semaphore(%arg23 : memref<!tpu.dma_semaphore, #tpu.memory_space<semaphore_mem>>)
    %add3A_301 = arith.constant 80 : i32
    %add3A_302 = arith.addi %mul3A_2, %add3A_301 : i32
    %dma_wait3A_303 = arith.constant 1 : i32
    %dma_wait3A_304 = arith.constant 0 : i32
    %dma_wait3A_305 = arith.constant 0 : i32
    %dma_wait3A_306 = tpu.memref_slice %arg6[%dma_wait3A_303, %dma_wait3A_304, %dma_wait3A_305] : memref<10x80x128xf32, #tpu.memory_space<vmem>> -> memref<1x80x128xf32, #tpu.memory_space<vmem>>
    %dma_wait3A_307 = tpu.memref_squeeze %dma_wait3A_306 : memref<1x80x128xf32, #tpu.memory_space<vmem>> -> memref<80x128xf32, #tpu.memory_space<vmem>>
    %dma_wait3A_308 = arith.constant 0 : i32
    %dma_wait3A_309 = tpu.memref_slice %arg4[%add3A_302, %dma_wait3A_308] : memref<819200x128xf32, #tpu.memory_space<hbm>> -> memref<80x128xf32, #tpu.memory_space<hbm>>
    %dma_wait3A_310 = arith.constant 0 : i32
    %dma_wait3A_311 = tpu.memref_slice %arg4[%add3A_302, %dma_wait3A_310] : memref<819200x128xf32, #tpu.memory_space<hbm>> -> memref<80x128xf32, #tpu.memory_space<hbm>>
    %dma_wait3A_312 = arith.constant 0 : i32
    %dma_wait3A_313 = arith.constant 0 : i32
    %dma_wait3A_314 = tpu.memref_slice %arg6[%dma_wait3A_303, %dma_wait3A_312, %dma_wait3A_313] : memref<10x80x128xf32, #tpu.memory_space<vmem>> -> memref<1x80x128xf32, #tpu.memory_space<vmem>>
    %dma_wait3A_315 = tpu.memref_squeeze %dma_wait3A_314 : memref<1x80x128xf32, #tpu.memory_space<vmem>> -> memref<80x128xf32, #tpu.memory_space<vmem>>
    tpu.wait_dma2 semaphore(%arg18 : memref<!tpu.dma_semaphore, #tpu.memory_space<semaphore_mem>>) src(%dma_wait3A_315 : memref<80x128xf32, #tpu.memory_space<vmem>>) dst(%dma_wait3A_311 : memref<80x128xf32, #tpu.memory_space<hbm>>)
    %dma_start3A_316 = arith.constant 1 : i32
    %dma_start3A_317 = arith.constant 0 : i32
    %dma_start3A_318 = arith.constant 0 : i32
    %dma_start3A_319 = tpu.memref_slice %arg6[%dma_start3A_316, %dma_start3A_317, %dma_start3A_318] : memref<10x80x128xf32, #tpu.memory_space<vmem>> -> memref<1x80x128xf32, #tpu.memory_space<vmem>>
    %dma_start3A_320 = tpu.memref_squeeze %dma_start3A_319 : memref<1x80x128xf32, #tpu.memory_space<vmem>> -> memref<80x128xf32, #tpu.memory_space<vmem>>
    %dma_start3A_321 = arith.constant 880 : i32
    %dma_start3A_322 = tpu.memref_slice %arg5[%dma_start3A_321] : memref<25600xi32, #tpu.memory_space<vmem>> -> memref<80xi32, #tpu.memory_space<vmem>>
    %dma_start3A_323 = arith.constant 0 : i32
    %dma_start3A_324 = arith.constant 0 : i32
    %dma_start3A_325 = tpu.memref_slice %arg3[%dma_start3A_323, %dma_start3A_324] : memref<100000x128xf32, #tpu.memory_space<hbm>> -> memref<100000x128xf32, #tpu.memory_space<hbm>>
    tpu.enqueue_indirect_dma source(%dma_start3A_325 : memref<100000x128xf32, #tpu.memory_space<hbm>>) target(%dma_start3A_320 : memref<80x128xf32, #tpu.memory_space<vmem>>) offsets(%dma_start3A_322 : memref<80xi32, #tpu.memory_space<vmem>>) semaphore(%arg8 : memref<!tpu.dma_semaphore, #tpu.memory_space<semaphore_mem>>)
    %dma_wait3A_326 = arith.constant 7 : i32
    %dma_wait3A_327 = arith.constant 0 : i32
    %dma_wait3A_328 = arith.constant 0 : i32
    %dma_wait3A_329 = tpu.memref_slice %arg6[%dma_wait3A_326, %dma_wait3A_327, %dma_wait3A_328] : memref<10x80x128xf32, #tpu.memory_space<vmem>> -> memref<1x80x128xf32, #tpu.memory_space<vmem>>
    %dma_wait3A_330 = tpu.memref_squeeze %dma_wait3A_329 : memref<1x80x128xf32, #tpu.memory_space<vmem>> -> memref<80x128xf32, #tpu.memory_space<vmem>>
    %dma_wait3A_331 = arith.constant 560 : i32
    %dma_wait3A_332 = tpu.memref_slice %arg5[%dma_wait3A_331] : memref<25600xi32, #tpu.memory_space<vmem>> -> memref<80xi32, #tpu.memory_space<vmem>>
    %dma_wait3A_333 = arith.constant 0 : i32
    %dma_wait3A_334 = arith.constant 0 : i32
    %dma_wait3A_335 = tpu.memref_slice %arg3[%dma_wait3A_333, %dma_wait3A_334] : memref<100000x128xf32, #tpu.memory_space<hbm>> -> memref<100000x128xf32, #tpu.memory_space<hbm>>
    tpu.wait_indirect_dma semaphore(%arg14 : memref<!tpu.dma_semaphore, #tpu.memory_space<semaphore_mem>>) src(%dma_wait3A_335 : memref<100000x128xf32, #tpu.memory_space<hbm>>) dst(%dma_wait3A_330 : memref<80x128xf32, #tpu.memory_space<vmem>>)
    %add3A_336 = arith.constant 560 : i32
    %add3A_337 = arith.addi %mul3A_2, %add3A_336 : i32
    %dma_start3A_338 = arith.constant 7 : i32
    %dma_start3A_339 = arith.constant 0 : i32
    %dma_start3A_340 = arith.constant 0 : i32
    %dma_start3A_341 = tpu.memref_slice %arg6[%dma_start3A_338, %dma_start3A_339, %dma_start3A_340] : memref<10x80x128xf32, #tpu.memory_space<vmem>> -> memref<1x80x128xf32, #tpu.memory_space<vmem>>
    %dma_start3A_342 = tpu.memref_squeeze %dma_start3A_341 : memref<1x80x128xf32, #tpu.memory_space<vmem>> -> memref<80x128xf32, #tpu.memory_space<vmem>>
    %dma_start3A_343 = arith.constant 0 : i32
    %dma_start3A_344 = tpu.memref_slice %arg4[%add3A_337, %dma_start3A_343] : memref<819200x128xf32, #tpu.memory_space<hbm>> -> memref<80x128xf32, #tpu.memory_space<hbm>>
    %dma_start3A_345 = arith.constant 0 : i32
    %dma_start3A_346 = tpu.memref_slice %arg4[%add3A_337, %dma_start3A_345] : memref<819200x128xf32, #tpu.memory_space<hbm>> -> memref<80x128xf32, #tpu.memory_space<hbm>>
    %dma_start3A_347 = arith.constant 0 : i32
    %dma_start3A_348 = arith.constant 0 : i32
    %dma_start3A_349 = tpu.memref_slice %arg6[%dma_start3A_338, %dma_start3A_347, %dma_start3A_348] : memref<10x80x128xf32, #tpu.memory_space<vmem>> -> memref<1x80x128xf32, #tpu.memory_space<vmem>>
    %dma_start3A_350 = tpu.memref_squeeze %dma_start3A_349 : memref<1x80x128xf32, #tpu.memory_space<vmem>> -> memref<80x128xf32, #tpu.memory_space<vmem>>
    tpu.enqueue_dma source(%dma_start3A_350 : memref<80x128xf32, #tpu.memory_space<vmem>>) target(%dma_start3A_346 : memref<80x128xf32, #tpu.memory_space<hbm>>) target_semaphore(%arg24 : memref<!tpu.dma_semaphore, #tpu.memory_space<semaphore_mem>>)
    %add3A_351 = arith.constant 160 : i32
    %add3A_352 = arith.addi %mul3A_2, %add3A_351 : i32
    %dma_wait3A_353 = arith.constant 2 : i32
    %dma_wait3A_354 = arith.constant 0 : i32
    %dma_wait3A_355 = arith.constant 0 : i32
    %dma_wait3A_356 = tpu.memref_slice %arg6[%dma_wait3A_353, %dma_wait3A_354, %dma_wait3A_355] : memref<10x80x128xf32, #tpu.memory_space<vmem>> -> memref<1x80x128xf32, #tpu.memory_space<vmem>>
    %dma_wait3A_357 = tpu.memref_squeeze %dma_wait3A_356 : memref<1x80x128xf32, #tpu.memory_space<vmem>> -> memref<80x128xf32, #tpu.memory_space<vmem>>
    %dma_wait3A_358 = arith.constant 0 : i32
    %dma_wait3A_359 = tpu.memref_slice %arg4[%add3A_352, %dma_wait3A_358] : memref<819200x128xf32, #tpu.memory_space<hbm>> -> memref<80x128xf32, #tpu.memory_space<hbm>>
    %dma_wait3A_360 = arith.constant 0 : i32
    %dma_wait3A_361 = tpu.memref_slice %arg4[%add3A_352, %dma_wait3A_360] : memref<819200x128xf32, #tpu.memory_space<hbm>> -> memref<80x128xf32, #tpu.memory_space<hbm>>
    %dma_wait3A_362 = arith.constant 0 : i32
    %dma_wait3A_363 = arith.constant 0 : i32
    %dma_wait3A_364 = tpu.memref_slice %arg6[%dma_wait3A_353, %dma_wait3A_362, %dma_wait3A_363] : memref<10x80x128xf32, #tpu.memory_space<vmem>> -> memref<1x80x128xf32, #tpu.memory_space<vmem>>
    %dma_wait3A_365 = tpu.memref_squeeze %dma_wait3A_364 : memref<1x80x128xf32, #tpu.memory_space<vmem>> -> memref<80x128xf32, #tpu.memory_space<vmem>>
    tpu.wait_dma2 semaphore(%arg19 : memref<!tpu.dma_semaphore, #tpu.memory_space<semaphore_mem>>) src(%dma_wait3A_365 : memref<80x128xf32, #tpu.memory_space<vmem>>) dst(%dma_wait3A_361 : memref<80x128xf32, #tpu.memory_space<hbm>>)
    %dma_start3A_366 = arith.constant 2 : i32
    %dma_start3A_367 = arith.constant 0 : i32
    %dma_start3A_368 = arith.constant 0 : i32
    %dma_start3A_369 = tpu.memref_slice %arg6[%dma_start3A_366, %dma_start3A_367, %dma_start3A_368] : memref<10x80x128xf32, #tpu.memory_space<vmem>> -> memref<1x80x128xf32, #tpu.memory_space<vmem>>
    %dma_start3A_370 = tpu.memref_squeeze %dma_start3A_369 : memref<1x80x128xf32, #tpu.memory_space<vmem>> -> memref<80x128xf32, #tpu.memory_space<vmem>>
    %dma_start3A_371 = arith.constant 960 : i32
    %dma_start3A_372 = tpu.memref_slice %arg5[%dma_start3A_371] : memref<25600xi32, #tpu.memory_space<vmem>> -> memref<80xi32, #tpu.memory_space<vmem>>
    %dma_start3A_373 = arith.constant 0 : i32
    %dma_start3A_374 = arith.constant 0 : i32
    %dma_start3A_375 = tpu.memref_slice %arg3[%dma_start3A_373, %dma_start3A_374] : memref<100000x128xf32, #tpu.memory_space<hbm>> -> memref<100000x128xf32, #tpu.memory_space<hbm>>
    tpu.enqueue_indirect_dma source(%dma_start3A_375 : memref<100000x128xf32, #tpu.memory_space<hbm>>) target(%dma_start3A_370 : memref<80x128xf32, #tpu.memory_space<vmem>>) offsets(%dma_start3A_372 : memref<80xi32, #tpu.memory_space<vmem>>) semaphore(%arg9 : memref<!tpu.dma_semaphore, #tpu.memory_space<semaphore_mem>>)
    %dma_wait3A_376 = arith.constant 8 : i32
    %dma_wait3A_377 = arith.constant 0 : i32
    %dma_wait3A_378 = arith.constant 0 : i32
    %dma_wait3A_379 = tpu.memref_slice %arg6[%dma_wait3A_376, %dma_wait3A_377, %dma_wait3A_378] : memref<10x80x128xf32, #tpu.memory_space<vmem>> -> memref<1x80x128xf32, #tpu.memory_space<vmem>>
    %dma_wait3A_380 = tpu.memref_squeeze %dma_wait3A_379 : memref<1x80x128xf32, #tpu.memory_space<vmem>> -> memref<80x128xf32, #tpu.memory_space<vmem>>
    %dma_wait3A_381 = arith.constant 640 : i32
    %dma_wait3A_382 = tpu.memref_slice %arg5[%dma_wait3A_381] : memref<25600xi32, #tpu.memory_space<vmem>> -> memref<80xi32, #tpu.memory_space<vmem>>
    %dma_wait3A_383 = arith.constant 0 : i32
    %dma_wait3A_384 = arith.constant 0 : i32
    %dma_wait3A_385 = tpu.memref_slice %arg3[%dma_wait3A_383, %dma_wait3A_384] : memref<100000x128xf32, #tpu.memory_space<hbm>> -> memref<100000x128xf32, #tpu.memory_space<hbm>>
    tpu.wait_indirect_dma semaphore(%arg15 : memref<!tpu.dma_semaphore, #tpu.memory_space<semaphore_mem>>) src(%dma_wait3A_385 : memref<100000x128xf32, #tpu.memory_space<hbm>>) dst(%dma_wait3A_380 : memref<80x128xf32, #tpu.memory_space<vmem>>)
    %add3A_386 = arith.constant 640 : i32
    %add3A_387 = arith.addi %mul3A_2, %add3A_386 : i32
    %dma_start3A_388 = arith.constant 8 : i32
    %dma_start3A_389 = arith.constant 0 : i32
    %dma_start3A_390 = arith.constant 0 : i32
    %dma_start3A_391 = tpu.memref_slice %arg6[%dma_start3A_388, %dma_start3A_389, %dma_start3A_390] : memref<10x80x128xf32, #tpu.memory_space<vmem>> -> memref<1x80x128xf32, #tpu.memory_space<vmem>>
    %dma_start3A_392 = tpu.memref_squeeze %dma_start3A_391 : memref<1x80x128xf32, #tpu.memory_space<vmem>> -> memref<80x128xf32, #tpu.memory_space<vmem>>
    %dma_start3A_393 = arith.constant 0 : i32
    %dma_start3A_394 = tpu.memref_slice %arg4[%add3A_387, %dma_start3A_393] : memref<819200x128xf32, #tpu.memory_space<hbm>> -> memref<80x128xf32, #tpu.memory_space<hbm>>
    %dma_start3A_395 = arith.constant 0 : i32
    %dma_start3A_396 = tpu.memref_slice %arg4[%add3A_387, %dma_start3A_395] : memref<819200x128xf32, #tpu.memory_space<hbm>> -> memref<80x128xf32, #tpu.memory_space<hbm>>
    %dma_start3A_397 = arith.constant 0 : i32
    %dma_start3A_398 = arith.constant 0 : i32
    %dma_start3A_399 = tpu.memref_slice %arg6[%dma_start3A_388, %dma_start3A_397, %dma_start3A_398] : memref<10x80x128xf32, #tpu.memory_space<vmem>> -> memref<1x80x128xf32, #tpu.memory_space<vmem>>
    %dma_start3A_400 = tpu.memref_squeeze %dma_start3A_399 : memref<1x80x128xf32, #tpu.memory_space<vmem>> -> memref<80x128xf32, #tpu.memory_space<vmem>>
    tpu.enqueue_dma source(%dma_start3A_400 : memref<80x128xf32, #tpu.memory_space<vmem>>) target(%dma_start3A_396 : memref<80x128xf32, #tpu.memory_space<hbm>>) target_semaphore(%arg25 : memref<!tpu.dma_semaphore, #tpu.memory_space<semaphore_mem>>)
    %add3A_401 = arith.constant 240 : i32
    %add3A_402 = arith.addi %mul3A_2, %add3A_401 : i32
    %dma_wait3A_403 = arith.constant 3 : i32
    %dma_wait3A_404 = arith.constant 0 : i32
    %dma_wait3A_405 = arith.constant 0 : i32
    %dma_wait3A_406 = tpu.memref_slice %arg6[%dma_wait3A_403, %dma_wait3A_404, %dma_wait3A_405] : memref<10x80x128xf32, #tpu.memory_space<vmem>> -> memref<1x80x128xf32, #tpu.memory_space<vmem>>
    %dma_wait3A_407 = tpu.memref_squeeze %dma_wait3A_406 : memref<1x80x128xf32, #tpu.memory_space<vmem>> -> memref<80x128xf32, #tpu.memory_space<vmem>>
    %dma_wait3A_408 = arith.constant 0 : i32
    %dma_wait3A_409 = tpu.memref_slice %arg4[%add3A_402, %dma_wait3A_408] : memref<819200x128xf32, #tpu.memory_space<hbm>> -> memref<80x128xf32, #tpu.memory_space<hbm>>
    %dma_wait3A_410 = arith.constant 0 : i32
    %dma_wait3A_411 = tpu.memref_slice %arg4[%add3A_402, %dma_wait3A_410] : memref<819200x128xf32, #tpu.memory_space<hbm>> -> memref<80x128xf32, #tpu.memory_space<hbm>>
    %dma_wait3A_412 = arith.constant 0 : i32
    %dma_wait3A_413 = arith.constant 0 : i32
    %dma_wait3A_414 = tpu.memref_slice %arg6[%dma_wait3A_403, %dma_wait3A_412, %dma_wait3A_413] : memref<10x80x128xf32, #tpu.memory_space<vmem>> -> memref<1x80x128xf32, #tpu.memory_space<vmem>>
    %dma_wait3A_415 = tpu.memref_squeeze %dma_wait3A_414 : memref<1x80x128xf32, #tpu.memory_space<vmem>> -> memref<80x128xf32, #tpu.memory_space<vmem>>
    tpu.wait_dma2 semaphore(%arg20 : memref<!tpu.dma_semaphore, #tpu.memory_space<semaphore_mem>>) src(%dma_wait3A_415 : memref<80x128xf32, #tpu.memory_space<vmem>>) dst(%dma_wait3A_411 : memref<80x128xf32, #tpu.memory_space<hbm>>)
    %dma_start3A_416 = arith.constant 3 : i32
    %dma_start3A_417 = arith.constant 0 : i32
    %dma_start3A_418 = arith.constant 0 : i32
    %dma_start3A_419 = tpu.memref_slice %arg6[%dma_start3A_416, %dma_start3A_417, %dma_start3A_418] : memref<10x80x128xf32, #tpu.memory_space<vmem>> -> memref<1x80x128xf32, #tpu.memory_space<vmem>>
    %dma_start3A_420 = tpu.memref_squeeze %dma_start3A_419 : memref<1x80x128xf32, #tpu.memory_space<vmem>> -> memref<80x128xf32, #tpu.memory_space<vmem>>
    %dma_start3A_421 = arith.constant 1040 : i32
    %dma_start3A_422 = tpu.memref_slice %arg5[%dma_start3A_421] : memref<25600xi32, #tpu.memory_space<vmem>> -> memref<80xi32, #tpu.memory_space<vmem>>
    %dma_start3A_423 = arith.constant 0 : i32
    %dma_start3A_424 = arith.constant 0 : i32
    %dma_start3A_425 = tpu.memref_slice %arg3[%dma_start3A_423, %dma_start3A_424] : memref<100000x128xf32, #tpu.memory_space<hbm>> -> memref<100000x128xf32, #tpu.memory_space<hbm>>
    tpu.enqueue_indirect_dma source(%dma_start3A_425 : memref<100000x128xf32, #tpu.memory_space<hbm>>) target(%dma_start3A_420 : memref<80x128xf32, #tpu.memory_space<vmem>>) offsets(%dma_start3A_422 : memref<80xi32, #tpu.memory_space<vmem>>) semaphore(%arg10 : memref<!tpu.dma_semaphore, #tpu.memory_space<semaphore_mem>>)
    %dma_wait3A_426 = arith.constant 9 : i32
    %dma_wait3A_427 = arith.constant 0 : i32
    %dma_wait3A_428 = arith.constant 0 : i32
    %dma_wait3A_429 = tpu.memref_slice %arg6[%dma_wait3A_426, %dma_wait3A_427, %dma_wait3A_428] : memref<10x80x128xf32, #tpu.memory_space<vmem>> -> memref<1x80x128xf32, #tpu.memory_space<vmem>>
    %dma_wait3A_430 = tpu.memref_squeeze %dma_wait3A_429 : memref<1x80x128xf32, #tpu.memory_space<vmem>> -> memref<80x128xf32, #tpu.memory_space<vmem>>
    %dma_wait3A_431 = arith.constant 720 : i32
    %dma_wait3A_432 = tpu.memref_slice %arg5[%dma_wait3A_431] : memref<25600xi32, #tpu.memory_space<vmem>> -> memref<80xi32, #tpu.memory_space<vmem>>
    %dma_wait3A_433 = arith.constant 0 : i32
    %dma_wait3A_434 = arith.constant 0 : i32
    %dma_wait3A_435 = tpu.memref_slice %arg3[%dma_wait3A_433, %dma_wait3A_434] : memref<100000x128xf32, #tpu.memory_space<hbm>> -> memref<100000x128xf32, #tpu.memory_space<hbm>>
    tpu.wait_indirect_dma semaphore(%arg16 : memref<!tpu.dma_semaphore, #tpu.memory_space<semaphore_mem>>) src(%dma_wait3A_435 : memref<100000x128xf32, #tpu.memory_space<hbm>>) dst(%dma_wait3A_430 : memref<80x128xf32, #tpu.memory_space<vmem>>)
    %add3A_436 = arith.constant 720 : i32
    %add3A_437 = arith.addi %mul3A_2, %add3A_436 : i32
    %dma_start3A_438 = arith.constant 9 : i32
    %dma_start3A_439 = arith.constant 0 : i32
    %dma_start3A_440 = arith.constant 0 : i32
    %dma_start3A_441 = tpu.memref_slice %arg6[%dma_start3A_438, %dma_start3A_439, %dma_start3A_440] : memref<10x80x128xf32, #tpu.memory_space<vmem>> -> memref<1x80x128xf32, #tpu.memory_space<vmem>>
    %dma_start3A_442 = tpu.memref_squeeze %dma_start3A_441 : memref<1x80x128xf32, #tpu.memory_space<vmem>> -> memref<80x128xf32, #tpu.memory_space<vmem>>
    %dma_start3A_443 = arith.constant 0 : i32
    %dma_start3A_444 = tpu.memref_slice %arg4[%add3A_437, %dma_start3A_443] : memref<819200x128xf32, #tpu.memory_space<hbm>> -> memref<80x128xf32, #tpu.memory_space<hbm>>
    %dma_start3A_445 = arith.constant 0 : i32
    %dma_start3A_446 = tpu.memref_slice %arg4[%add3A_437, %dma_start3A_445] : memref<819200x128xf32, #tpu.memory_space<hbm>> -> memref<80x128xf32, #tpu.memory_space<hbm>>
    %dma_start3A_447 = arith.constant 0 : i32
    %dma_start3A_448 = arith.constant 0 : i32
    %dma_start3A_449 = tpu.memref_slice %arg6[%dma_start3A_438, %dma_start3A_447, %dma_start3A_448] : memref<10x80x128xf32, #tpu.memory_space<vmem>> -> memref<1x80x128xf32, #tpu.memory_space<vmem>>
    %dma_start3A_450 = tpu.memref_squeeze %dma_start3A_449 : memref<1x80x128xf32, #tpu.memory_space<vmem>> -> memref<80x128xf32, #tpu.memory_space<vmem>>
    tpu.enqueue_dma source(%dma_start3A_450 : memref<80x128xf32, #tpu.memory_space<vmem>>) target(%dma_start3A_446 : memref<80x128xf32, #tpu.memory_space<hbm>>) target_semaphore(%arg26 : memref<!tpu.dma_semaphore, #tpu.memory_space<semaphore_mem>>)
    %scan3A = arith.constant 0 : i32
    %scan3A_451 = arith.constant 1 : i32
    %scan3A_452 = arith.constant 30 : i32
    %scan3A_453 = arith.addi %scan3A_451, %scan3A_452 : i32
    %scan3A_454 = arith.constant 1 : i32
    scf.for %scan3A_1006 = %scan3A_451 to %scan3A_453 step %scan3A_454  : i32 {
      %mul3A_1007 = arith.constant 10 : i32
      %mul3A_1008 = arith.muli %scan3A_1006, %mul3A_1007 : i32
      %add3A_1009 = arith.constant 0 : i32
      %add3A_1010 = arith.addi %mul3A_1008, %add3A_1009 : i32
      %add3A_1011 = arith.constant 4 : i32
      %add3A_1012 = arith.addi %add3A_1010, %add3A_1011 : i32
      %sub3A = arith.constant 10 : i32
      %sub3A_1013 = arith.subi %add3A_1012, %sub3A : i32
      %mul3A_1014 = arith.constant 80 : i32
      %mul3A_1015 = arith.muli %sub3A_1013, %mul3A_1014 : i32
      %add3A_1016 = arith.addi %mul3A_2, %mul3A_1015 : i32
      %dma_wait3A_1017 = arith.constant 4 : i32
      %dma_wait3A_1018 = arith.constant 0 : i32
      %dma_wait3A_1019 = arith.constant 0 : i32
      %dma_wait3A_1020 = tpu.memref_slice %arg6[%dma_wait3A_1017, %dma_wait3A_1018, %dma_wait3A_1019] : memref<10x80x128xf32, #tpu.memory_space<vmem>> -> memref<1x80x128xf32, #tpu.memory_space<vmem>>
      %dma_wait3A_1021 = tpu.memref_squeeze %dma_wait3A_1020 : memref<1x80x128xf32, #tpu.memory_space<vmem>> -> memref<80x128xf32, #tpu.memory_space<vmem>>
      %dma_wait3A_1022 = arith.constant 0 : i32
      %dma_wait3A_1023 = tpu.memref_slice %arg4[%add3A_1016, %dma_wait3A_1022] : memref<819200x128xf32, #tpu.memory_space<hbm>> -> memref<80x128xf32, #tpu.memory_space<hbm>>
      %dma_wait3A_1024 = arith.constant 0 : i32
      %dma_wait3A_1025 = tpu.memref_slice %arg4[%add3A_1016, %dma_wait3A_1024] : memref<819200x128xf32, #tpu.memory_space<hbm>> -> memref<80x128xf32, #tpu.memory_space<hbm>>
      %dma_wait3A_1026 = arith.constant 0 : i32
      %dma_wait3A_1027 = arith.constant 0 : i32
      %dma_wait3A_1028 = tpu.memref_slice %arg6[%dma_wait3A_1017, %dma_wait3A_1026, %dma_wait3A_1027] : memref<10x80x128xf32, #tpu.memory_space<vmem>> -> memref<1x80x128xf32, #tpu.memory_space<vmem>>
      %dma_wait3A_1029 = tpu.memref_squeeze %dma_wait3A_1028 : memref<1x80x128xf32, #tpu.memory_space<vmem>> -> memref<80x128xf32, #tpu.memory_space<vmem>>
      tpu.wait_dma2 semaphore(%arg21 : memref<!tpu.dma_semaphore, #tpu.memory_space<semaphore_mem>>) src(%dma_wait3A_1029 : memref<80x128xf32, #tpu.memory_space<vmem>>) dst(%dma_wait3A_1025 : memref<80x128xf32, #tpu.memory_space<hbm>>)
      %mul3A_1030 = arith.constant 80 : i32
      %mul3A_1031 = arith.muli %add3A_1012, %mul3A_1030 : i32
      %dma_start3A_1032 = arith.constant 4 : i32
      %dma_start3A_1033 = arith.constant 0 : i32
      %dma_start3A_1034 = arith.constant 0 : i32
      %dma_start3A_1035 = tpu.memref_slice %arg6[%dma_start3A_1032, %dma_start3A_1033, %dma_start3A_1034] : memref<10x80x128xf32, #tpu.memory_space<vmem>> -> memref<1x80x128xf32, #tpu.memory_space<vmem>>
      %dma_start3A_1036 = tpu.memref_squeeze %dma_start3A_1035 : memref<1x80x128xf32, #tpu.memory_space<vmem>> -> memref<80x128xf32, #tpu.memory_space<vmem>>
      %dma_start3A_1037 = tpu.memref_slice %arg5[%mul3A_1031] : memref<25600xi32, #tpu.memory_space<vmem>> -> memref<80xi32, #tpu.memory_space<vmem>>
      %dma_start3A_1038 = arith.constant 0 : i32
      %dma_start3A_1039 = arith.constant 0 : i32
      %dma_start3A_1040 = tpu.memref_slice %arg3[%dma_start3A_1038, %dma_start3A_1039] : memref<100000x128xf32, #tpu.memory_space<hbm>> -> memref<100000x128xf32, #tpu.memory_space<hbm>>
      tpu.enqueue_indirect_dma source(%dma_start3A_1040 : memref<100000x128xf32, #tpu.memory_space<hbm>>) target(%dma_start3A_1036 : memref<80x128xf32, #tpu.memory_space<vmem>>) offsets(%dma_start3A_1037 : memref<80xi32, #tpu.memory_space<vmem>>) semaphore(%arg11 : memref<!tpu.dma_semaphore, #tpu.memory_space<semaphore_mem>>)
      %mul3A_1041 = arith.constant 80 : i32
      %mul3A_1042 = arith.muli %add3A_1010, %mul3A_1041 : i32
      %dma_wait3A_1043 = arith.constant 0 : i32
      %dma_wait3A_1044 = arith.constant 0 : i32
      %dma_wait3A_1045 = arith.constant 0 : i32
      %dma_wait3A_1046 = tpu.memref_slice %arg6[%dma_wait3A_1043, %dma_wait3A_1044, %dma_wait3A_1045] : memref<10x80x128xf32, #tpu.memory_space<vmem>> -> memref<1x80x128xf32, #tpu.memory_space<vmem>>
      %dma_wait3A_1047 = tpu.memref_squeeze %dma_wait3A_1046 : memref<1x80x128xf32, #tpu.memory_space<vmem>> -> memref<80x128xf32, #tpu.memory_space<vmem>>
      %dma_wait3A_1048 = tpu.memref_slice %arg5[%mul3A_1042] : memref<25600xi32, #tpu.memory_space<vmem>> -> memref<80xi32, #tpu.memory_space<vmem>>
      %dma_wait3A_1049 = arith.constant 0 : i32
      %dma_wait3A_1050 = arith.constant 0 : i32
      %dma_wait3A_1051 = tpu.memref_slice %arg3[%dma_wait3A_1049, %dma_wait3A_1050] : memref<100000x128xf32, #tpu.memory_space<hbm>> -> memref<100000x128xf32, #tpu.memory_space<hbm>>
      tpu.wait_indirect_dma semaphore(%arg7 : memref<!tpu.dma_semaphore, #tpu.memory_space<semaphore_mem>>) src(%dma_wait3A_1051 : memref<100000x128xf32, #tpu.memory_space<hbm>>) dst(%dma_wait3A_1047 : memref<80x128xf32, #tpu.memory_space<vmem>>)
      %mul3A_1052 = arith.constant 80 : i32
      %mul3A_1053 = arith.muli %add3A_1010, %mul3A_1052 : i32
      %add3A_1054 = arith.addi %mul3A_2, %mul3A_1053 : i32
      %dma_start3A_1055 = arith.constant 0 : i32
      %dma_start3A_1056 = arith.constant 0 : i32
      %dma_start3A_1057 = arith.constant 0 : i32
      %dma_start3A_1058 = tpu.memref_slice %arg6[%dma_start3A_1055, %dma_start3A_1056, %dma_start3A_1057] : memref<10x80x128xf32, #tpu.memory_space<vmem>> -> memref<1x80x128xf32, #tpu.memory_space<vmem>>
      %dma_start3A_1059 = tpu.memref_squeeze %dma_start3A_1058 : memref<1x80x128xf32, #tpu.memory_space<vmem>> -> memref<80x128xf32, #tpu.memory_space<vmem>>
      %dma_start3A_1060 = arith.constant 0 : i32
      %dma_start3A_1061 = tpu.memref_slice %arg4[%add3A_1054, %dma_start3A_1060] : memref<819200x128xf32, #tpu.memory_space<hbm>> -> memref<80x128xf32, #tpu.memory_space<hbm>>
      %dma_start3A_1062 = arith.constant 0 : i32
      %dma_start3A_1063 = tpu.memref_slice %arg4[%add3A_1054, %dma_start3A_1062] : memref<819200x128xf32, #tpu.memory_space<hbm>> -> memref<80x128xf32, #tpu.memory_space<hbm>>
      %dma_start3A_1064 = arith.constant 0 : i32
      %dma_start3A_1065 = arith.constant 0 : i32
      %dma_start3A_1066 = tpu.memref_slice %arg6[%dma_start3A_1055, %dma_start3A_1064, %dma_start3A_1065] : memref<10x80x128xf32, #tpu.memory_space<vmem>> -> memref<1x80x128xf32, #tpu.memory_space<vmem>>
      %dma_start3A_1067 = tpu.memref_squeeze %dma_start3A_1066 : memref<1x80x128xf32, #tpu.memory_space<vmem>> -> memref<80x128xf32, #tpu.memory_space<vmem>>
      tpu.enqueue_dma source(%dma_start3A_1067 : memref<80x128xf32, #tpu.memory_space<vmem>>) target(%dma_start3A_1063 : memref<80x128xf32, #tpu.memory_space<hbm>>) target_semaphore(%arg17 : memref<!tpu.dma_semaphore, #tpu.memory_space<semaphore_mem>>)
      %add3A_1068 = arith.constant 1 : i32
      %add3A_1069 = arith.addi %mul3A_1008, %add3A_1068 : i32
      %add3A_1070 = arith.constant 4 : i32
      %add3A_1071 = arith.addi %add3A_1069, %add3A_1070 : i32
      %sub3A_1072 = arith.constant 10 : i32
      %sub3A_1073 = arith.subi %add3A_1071, %sub3A_1072 : i32
      %mul3A_1074 = arith.constant 80 : i32
      %mul3A_1075 = arith.muli %sub3A_1073, %mul3A_1074 : i32
      %add3A_1076 = arith.addi %mul3A_2, %mul3A_1075 : i32
      %dma_wait3A_1077 = arith.constant 5 : i32
      %dma_wait3A_1078 = arith.constant 0 : i32
      %dma_wait3A_1079 = arith.constant 0 : i32
      %dma_wait3A_1080 = tpu.memref_slice %arg6[%dma_wait3A_1077, %dma_wait3A_1078, %dma_wait3A_1079] : memref<10x80x128xf32, #tpu.memory_space<vmem>> -> memref<1x80x128xf32, #tpu.memory_space<vmem>>
      %dma_wait3A_1081 = tpu.memref_squeeze %dma_wait3A_1080 : memref<1x80x128xf32, #tpu.memory_space<vmem>> -> memref<80x128xf32, #tpu.memory_space<vmem>>
      %dma_wait3A_1082 = arith.constant 0 : i32
      %dma_wait3A_1083 = tpu.memref_slice %arg4[%add3A_1076, %dma_wait3A_1082] : memref<819200x128xf32, #tpu.memory_space<hbm>> -> memref<80x128xf32, #tpu.memory_space<hbm>>
      %dma_wait3A_1084 = arith.constant 0 : i32
      %dma_wait3A_1085 = tpu.memref_slice %arg4[%add3A_1076, %dma_wait3A_1084] : memref<819200x128xf32, #tpu.memory_space<hbm>> -> memref<80x128xf32, #tpu.memory_space<hbm>>
      %dma_wait3A_1086 = arith.constant 0 : i32
      %dma_wait3A_1087 = arith.constant 0 : i32
      %dma_wait3A_1088 = tpu.memref_slice %arg6[%dma_wait3A_1077, %dma_wait3A_1086, %dma_wait3A_1087] : memref<10x80x128xf32, #tpu.memory_space<vmem>> -> memref<1x80x128xf32, #tpu.memory_space<vmem>>
      %dma_wait3A_1089 = tpu.memref_squeeze %dma_wait3A_1088 : memref<1x80x128xf32, #tpu.memory_space<vmem>> -> memref<80x128xf32, #tpu.memory_space<vmem>>
      tpu.wait_dma2 semaphore(%arg22 : memref<!tpu.dma_semaphore, #tpu.memory_space<semaphore_mem>>) src(%dma_wait3A_1089 : memref<80x128xf32, #tpu.memory_space<vmem>>) dst(%dma_wait3A_1085 : memref<80x128xf32, #tpu.memory_space<hbm>>)
      %mul3A_1090 = arith.constant 80 : i32
      %mul3A_1091 = arith.muli %add3A_1071, %mul3A_1090 : i32
      %dma_start3A_1092 = arith.constant 5 : i32
      %dma_start3A_1093 = arith.constant 0 : i32
      %dma_start3A_1094 = arith.constant 0 : i32
      %dma_start3A_1095 = tpu.memref_slice %arg6[%dma_start3A_1092, %dma_start3A_1093, %dma_start3A_1094] : memref<10x80x128xf32, #tpu.memory_space<vmem>> -> memref<1x80x128xf32, #tpu.memory_space<vmem>>
      %dma_start3A_1096 = tpu.memref_squeeze %dma_start3A_1095 : memref<1x80x128xf32, #tpu.memory_space<vmem>> -> memref<80x128xf32, #tpu.memory_space<vmem>>
      %dma_start3A_1097 = tpu.memref_slice %arg5[%mul3A_1091] : memref<25600xi32, #tpu.memory_space<vmem>> -> memref<80xi32, #tpu.memory_space<vmem>>
      %dma_start3A_1098 = arith.constant 0 : i32
      %dma_start3A_1099 = arith.constant 0 : i32
      %dma_start3A_1100 = tpu.memref_slice %arg3[%dma_start3A_1098, %dma_start3A_1099] : memref<100000x128xf32, #tpu.memory_space<hbm>> -> memref<100000x128xf32, #tpu.memory_space<hbm>>
      tpu.enqueue_indirect_dma source(%dma_start3A_1100 : memref<100000x128xf32, #tpu.memory_space<hbm>>) target(%dma_start3A_1096 : memref<80x128xf32, #tpu.memory_space<vmem>>) offsets(%dma_start3A_1097 : memref<80xi32, #tpu.memory_space<vmem>>) semaphore(%arg12 : memref<!tpu.dma_semaphore, #tpu.memory_space<semaphore_mem>>)
      %mul3A_1101 = arith.constant 80 : i32
      %mul3A_1102 = arith.muli %add3A_1069, %mul3A_1101 : i32
      %dma_wait3A_1103 = arith.constant 1 : i32
      %dma_wait3A_1104 = arith.constant 0 : i32
      %dma_wait3A_1105 = arith.constant 0 : i32
      %dma_wait3A_1106 = tpu.memref_slice %arg6[%dma_wait3A_1103, %dma_wait3A_1104, %dma_wait3A_1105] : memref<10x80x128xf32, #tpu.memory_space<vmem>> -> memref<1x80x128xf32, #tpu.memory_space<vmem>>
      %dma_wait3A_1107 = tpu.memref_squeeze %dma_wait3A_1106 : memref<1x80x128xf32, #tpu.memory_space<vmem>> -> memref<80x128xf32, #tpu.memory_space<vmem>>
      %dma_wait3A_1108 = tpu.memref_slice %arg5[%mul3A_1102] : memref<25600xi32, #tpu.memory_space<vmem>> -> memref<80xi32, #tpu.memory_space<vmem>>
      %dma_wait3A_1109 = arith.constant 0 : i32
      %dma_wait3A_1110 = arith.constant 0 : i32
      %dma_wait3A_1111 = tpu.memref_slice %arg3[%dma_wait3A_1109, %dma_wait3A_1110] : memref<100000x128xf32, #tpu.memory_space<hbm>> -> memref<100000x128xf32, #tpu.memory_space<hbm>>
      tpu.wait_indirect_dma semaphore(%arg8 : memref<!tpu.dma_semaphore, #tpu.memory_space<semaphore_mem>>) src(%dma_wait3A_1111 : memref<100000x128xf32, #tpu.memory_space<hbm>>) dst(%dma_wait3A_1107 : memref<80x128xf32, #tpu.memory_space<vmem>>)
      %mul3A_1112 = arith.constant 80 : i32
      %mul3A_1113 = arith.muli %add3A_1069, %mul3A_1112 : i32
      %add3A_1114 = arith.addi %mul3A_2, %mul3A_1113 : i32
      %dma_start3A_1115 = arith.constant 1 : i32
      %dma_start3A_1116 = arith.constant 0 : i32
      %dma_start3A_1117 = arith.constant 0 : i32
      %dma_start3A_1118 = tpu.memref_slice %arg6[%dma_start3A_1115, %dma_start3A_1116, %dma_start3A_1117] : memref<10x80x128xf32, #tpu.memory_space<vmem>> -> memref<1x80x128xf32, #tpu.memory_space<vmem>>
      %dma_start3A_1119 = tpu.memref_squeeze %dma_start3A_1118 : memref<1x80x128xf32, #tpu.memory_space<vmem>> -> memref<80x128xf32, #tpu.memory_space<vmem>>
      %dma_start3A_1120 = arith.constant 0 : i32
      %dma_start3A_1121 = tpu.memref_slice %arg4[%add3A_1114, %dma_start3A_1120] : memref<819200x128xf32, #tpu.memory_space<hbm>> -> memref<80x128xf32, #tpu.memory_space<hbm>>
      %dma_start3A_1122 = arith.constant 0 : i32
      %dma_start3A_1123 = tpu.memref_slice %arg4[%add3A_1114, %dma_start3A_1122] : memref<819200x128xf32, #tpu.memory_space<hbm>> -> memref<80x128xf32, #tpu.memory_space<hbm>>
      %dma_start3A_1124 = arith.constant 0 : i32
      %dma_start3A_1125 = arith.constant 0 : i32
      %dma_start3A_1126 = tpu.memref_slice %arg6[%dma_start3A_1115, %dma_start3A_1124, %dma_start3A_1125] : memref<10x80x128xf32, #tpu.memory_space<vmem>> -> memref<1x80x128xf32, #tpu.memory_space<vmem>>
      %dma_start3A_1127 = tpu.memref_squeeze %dma_start3A_1126 : memref<1x80x128xf32, #tpu.memory_space<vmem>> -> memref<80x128xf32, #tpu.memory_space<vmem>>
      tpu.enqueue_dma source(%dma_start3A_1127 : memref<80x128xf32, #tpu.memory_space<vmem>>) target(%dma_start3A_1123 : memref<80x128xf32, #tpu.memory_space<hbm>>) target_semaphore(%arg18 : memref<!tpu.dma_semaphore, #tpu.memory_space<semaphore_mem>>)
      %add3A_1128 = arith.constant 2 : i32
      %add3A_1129 = arith.addi %mul3A_1008, %add3A_1128 : i32
      %add3A_1130 = arith.constant 4 : i32
      %add3A_1131 = arith.addi %add3A_1129, %add3A_1130 : i32
      %sub3A_1132 = arith.constant 10 : i32
      %sub3A_1133 = arith.subi %add3A_1131, %sub3A_1132 : i32
      %mul3A_1134 = arith.constant 80 : i32
      %mul3A_1135 = arith.muli %sub3A_1133, %mul3A_1134 : i32
      %add3A_1136 = arith.addi %mul3A_2, %mul3A_1135 : i32
      %dma_wait3A_1137 = arith.constant 6 : i32
      %dma_wait3A_1138 = arith.constant 0 : i32
      %dma_wait3A_1139 = arith.constant 0 : i32
      %dma_wait3A_1140 = tpu.memref_slice %arg6[%dma_wait3A_1137, %dma_wait3A_1138, %dma_wait3A_1139] : memref<10x80x128xf32, #tpu.memory_space<vmem>> -> memref<1x80x128xf32, #tpu.memory_space<vmem>>
      %dma_wait3A_1141 = tpu.memref_squeeze %dma_wait3A_1140 : memref<1x80x128xf32, #tpu.memory_space<vmem>> -> memref<80x128xf32, #tpu.memory_space<vmem>>
      %dma_wait3A_1142 = arith.constant 0 : i32
      %dma_wait3A_1143 = tpu.memref_slice %arg4[%add3A_1136, %dma_wait3A_1142] : memref<819200x128xf32, #tpu.memory_space<hbm>> -> memref<80x128xf32, #tpu.memory_space<hbm>>
      %dma_wait3A_1144 = arith.constant 0 : i32
      %dma_wait3A_1145 = tpu.memref_slice %arg4[%add3A_1136, %dma_wait3A_1144] : memref<819200x128xf32, #tpu.memory_space<hbm>> -> memref<80x128xf32, #tpu.memory_space<hbm>>
      %dma_wait3A_1146 = arith.constant 0 : i32
      %dma_wait3A_1147 = arith.constant 0 : i32
      %dma_wait3A_1148 = tpu.memref_slice %arg6[%dma_wait3A_1137, %dma_wait3A_1146, %dma_wait3A_1147] : memref<10x80x128xf32, #tpu.memory_space<vmem>> -> memref<1x80x128xf32, #tpu.memory_space<vmem>>
      %dma_wait3A_1149 = tpu.memref_squeeze %dma_wait3A_1148 : memref<1x80x128xf32, #tpu.memory_space<vmem>> -> memref<80x128xf32, #tpu.memory_space<vmem>>
      tpu.wait_dma2 semaphore(%arg23 : memref<!tpu.dma_semaphore, #tpu.memory_space<semaphore_mem>>) src(%dma_wait3A_1149 : memref<80x128xf32, #tpu.memory_space<vmem>>) dst(%dma_wait3A_1145 : memref<80x128xf32, #tpu.memory_space<hbm>>)
      %mul3A_1150 = arith.constant 80 : i32
      %mul3A_1151 = arith.muli %add3A_1131, %mul3A_1150 : i32
      %dma_start3A_1152 = arith.constant 6 : i32
      %dma_start3A_1153 = arith.constant 0 : i32
      %dma_start3A_1154 = arith.constant 0 : i32
      %dma_start3A_1155 = tpu.memref_slice %arg6[%dma_start3A_1152, %dma_start3A_1153, %dma_start3A_1154] : memref<10x80x128xf32, #tpu.memory_space<vmem>> -> memref<1x80x128xf32, #tpu.memory_space<vmem>>
      %dma_start3A_1156 = tpu.memref_squeeze %dma_start3A_1155 : memref<1x80x128xf32, #tpu.memory_space<vmem>> -> memref<80x128xf32, #tpu.memory_space<vmem>>
      %dma_start3A_1157 = tpu.memref_slice %arg5[%mul3A_1151] : memref<25600xi32, #tpu.memory_space<vmem>> -> memref<80xi32, #tpu.memory_space<vmem>>
      %dma_start3A_1158 = arith.constant 0 : i32
      %dma_start3A_1159 = arith.constant 0 : i32
      %dma_start3A_1160 = tpu.memref_slice %arg3[%dma_start3A_1158, %dma_start3A_1159] : memref<100000x128xf32, #tpu.memory_space<hbm>> -> memref<100000x128xf32, #tpu.memory_space<hbm>>
      tpu.enqueue_indirect_dma source(%dma_start3A_1160 : memref<100000x128xf32, #tpu.memory_space<hbm>>) target(%dma_start3A_1156 : memref<80x128xf32, #tpu.memory_space<vmem>>) offsets(%dma_start3A_1157 : memref<80xi32, #tpu.memory_space<vmem>>) semaphore(%arg13 : memref<!tpu.dma_semaphore, #tpu.memory_space<semaphore_mem>>)
      %mul3A_1161 = arith.constant 80 : i32
      %mul3A_1162 = arith.muli %add3A_1129, %mul3A_1161 : i32
      %dma_wait3A_1163 = arith.constant 2 : i32
      %dma_wait3A_1164 = arith.constant 0 : i32
      %dma_wait3A_1165 = arith.constant 0 : i32
      %dma_wait3A_1166 = tpu.memref_slice %arg6[%dma_wait3A_1163, %dma_wait3A_1164, %dma_wait3A_1165] : memref<10x80x128xf32, #tpu.memory_space<vmem>> -> memref<1x80x128xf32, #tpu.memory_space<vmem>>
      %dma_wait3A_1167 = tpu.memref_squeeze %dma_wait3A_1166 : memref<1x80x128xf32, #tpu.memory_space<vmem>> -> memref<80x128xf32, #tpu.memory_space<vmem>>
      %dma_wait3A_1168 = tpu.memref_slice %arg5[%mul3A_1162] : memref<25600xi32, #tpu.memory_space<vmem>> -> memref<80xi32, #tpu.memory_space<vmem>>
      %dma_wait3A_1169 = arith.constant 0 : i32
      %dma_wait3A_1170 = arith.constant 0 : i32
      %dma_wait3A_1171 = tpu.memref_slice %arg3[%dma_wait3A_1169, %dma_wait3A_1170] : memref<100000x128xf32, #tpu.memory_space<hbm>> -> memref<100000x128xf32, #tpu.memory_space<hbm>>
      tpu.wait_indirect_dma semaphore(%arg9 : memref<!tpu.dma_semaphore, #tpu.memory_space<semaphore_mem>>) src(%dma_wait3A_1171 : memref<100000x128xf32, #tpu.memory_space<hbm>>) dst(%dma_wait3A_1167 : memref<80x128xf32, #tpu.memory_space<vmem>>)
      %mul3A_1172 = arith.constant 80 : i32
      %mul3A_1173 = arith.muli %add3A_1129, %mul3A_1172 : i32
      %add3A_1174 = arith.addi %mul3A_2, %mul3A_1173 : i32
      %dma_start3A_1175 = arith.constant 2 : i32
      %dma_start3A_1176 = arith.constant 0 : i32
      %dma_start3A_1177 = arith.constant 0 : i32
      %dma_start3A_1178 = tpu.memref_slice %arg6[%dma_start3A_1175, %dma_start3A_1176, %dma_start3A_1177] : memref<10x80x128xf32, #tpu.memory_space<vmem>> -> memref<1x80x128xf32, #tpu.memory_space<vmem>>
      %dma_start3A_1179 = tpu.memref_squeeze %dma_start3A_1178 : memref<1x80x128xf32, #tpu.memory_space<vmem>> -> memref<80x128xf32, #tpu.memory_space<vmem>>
      %dma_start3A_1180 = arith.constant 0 : i32
      %dma_start3A_1181 = tpu.memref_slice %arg4[%add3A_1174, %dma_start3A_1180] : memref<819200x128xf32, #tpu.memory_space<hbm>> -> memref<80x128xf32, #tpu.memory_space<hbm>>
      %dma_start3A_1182 = arith.constant 0 : i32
      %dma_start3A_1183 = tpu.memref_slice %arg4[%add3A_1174, %dma_start3A_1182] : memref<819200x128xf32, #tpu.memory_space<hbm>> -> memref<80x128xf32, #tpu.memory_space<hbm>>
      %dma_start3A_1184 = arith.constant 0 : i32
      %dma_start3A_1185 = arith.constant 0 : i32
      %dma_start3A_1186 = tpu.memref_slice %arg6[%dma_start3A_1175, %dma_start3A_1184, %dma_start3A_1185] : memref<10x80x128xf32, #tpu.memory_space<vmem>> -> memref<1x80x128xf32, #tpu.memory_space<vmem>>
      %dma_start3A_1187 = tpu.memref_squeeze %dma_start3A_1186 : memref<1x80x128xf32, #tpu.memory_space<vmem>> -> memref<80x128xf32, #tpu.memory_space<vmem>>
      tpu.enqueue_dma source(%dma_start3A_1187 : memref<80x128xf32, #tpu.memory_space<vmem>>) target(%dma_start3A_1183 : memref<80x128xf32, #tpu.memory_space<hbm>>) target_semaphore(%arg19 : memref<!tpu.dma_semaphore, #tpu.memory_space<semaphore_mem>>)
      %add3A_1188 = arith.constant 3 : i32
      %add3A_1189 = arith.addi %mul3A_1008, %add3A_1188 : i32
      %add3A_1190 = arith.constant 4 : i32
      %add3A_1191 = arith.addi %add3A_1189, %add3A_1190 : i32
      %sub3A_1192 = arith.constant 10 : i32
      %sub3A_1193 = arith.subi %add3A_1191, %sub3A_1192 : i32
      %mul3A_1194 = arith.constant 80 : i32
      %mul3A_1195 = arith.muli %sub3A_1193, %mul3A_1194 : i32
      %add3A_1196 = arith.addi %mul3A_2, %mul3A_1195 : i32
      %dma_wait3A_1197 = arith.constant 7 : i32
      %dma_wait3A_1198 = arith.constant 0 : i32
      %dma_wait3A_1199 = arith.constant 0 : i32
      %dma_wait3A_1200 = tpu.memref_slice %arg6[%dma_wait3A_1197, %dma_wait3A_1198, %dma_wait3A_1199] : memref<10x80x128xf32, #tpu.memory_space<vmem>> -> memref<1x80x128xf32, #tpu.memory_space<vmem>>
      %dma_wait3A_1201 = tpu.memref_squeeze %dma_wait3A_1200 : memref<1x80x128xf32, #tpu.memory_space<vmem>> -> memref<80x128xf32, #tpu.memory_space<vmem>>
      %dma_wait3A_1202 = arith.constant 0 : i32
      %dma_wait3A_1203 = tpu.memref_slice %arg4[%add3A_1196, %dma_wait3A_1202] : memref<819200x128xf32, #tpu.memory_space<hbm>> -> memref<80x128xf32, #tpu.memory_space<hbm>>
      %dma_wait3A_1204 = arith.constant 0 : i32
      %dma_wait3A_1205 = tpu.memref_slice %arg4[%add3A_1196, %dma_wait3A_1204] : memref<819200x128xf32, #tpu.memory_space<hbm>> -> memref<80x128xf32, #tpu.memory_space<hbm>>
      %dma_wait3A_1206 = arith.constant 0 : i32
      %dma_wait3A_1207 = arith.constant 0 : i32
      %dma_wait3A_1208 = tpu.memref_slice %arg6[%dma_wait3A_1197, %dma_wait3A_1206, %dma_wait3A_1207] : memref<10x80x128xf32, #tpu.memory_space<vmem>> -> memref<1x80x128xf32, #tpu.memory_space<vmem>>
      %dma_wait3A_1209 = tpu.memref_squeeze %dma_wait3A_1208 : memref<1x80x128xf32, #tpu.memory_space<vmem>> -> memref<80x128xf32, #tpu.memory_space<vmem>>
      tpu.wait_dma2 semaphore(%arg24 : memref<!tpu.dma_semaphore, #tpu.memory_space<semaphore_mem>>) src(%dma_wait3A_1209 : memref<80x128xf32, #tpu.memory_space<vmem>>) dst(%dma_wait3A_1205 : memref<80x128xf32, #tpu.memory_space<hbm>>)
      %mul3A_1210 = arith.constant 80 : i32
      %mul3A_1211 = arith.muli %add3A_1191, %mul3A_1210 : i32
      %dma_start3A_1212 = arith.constant 7 : i32
      %dma_start3A_1213 = arith.constant 0 : i32
      %dma_start3A_1214 = arith.constant 0 : i32
      %dma_start3A_1215 = tpu.memref_slice %arg6[%dma_start3A_1212, %dma_start3A_1213, %dma_start3A_1214] : memref<10x80x128xf32, #tpu.memory_space<vmem>> -> memref<1x80x128xf32, #tpu.memory_space<vmem>>
      %dma_start3A_1216 = tpu.memref_squeeze %dma_start3A_1215 : memref<1x80x128xf32, #tpu.memory_space<vmem>> -> memref<80x128xf32, #tpu.memory_space<vmem>>
      %dma_start3A_1217 = tpu.memref_slice %arg5[%mul3A_1211] : memref<25600xi32, #tpu.memory_space<vmem>> -> memref<80xi32, #tpu.memory_space<vmem>>
      %dma_start3A_1218 = arith.constant 0 : i32
      %dma_start3A_1219 = arith.constant 0 : i32
      %dma_start3A_1220 = tpu.memref_slice %arg3[%dma_start3A_1218, %dma_start3A_1219] : memref<100000x128xf32, #tpu.memory_space<hbm>> -> memref<100000x128xf32, #tpu.memory_space<hbm>>
      tpu.enqueue_indirect_dma source(%dma_start3A_1220 : memref<100000x128xf32, #tpu.memory_space<hbm>>) target(%dma_start3A_1216 : memref<80x128xf32, #tpu.memory_space<vmem>>) offsets(%dma_start3A_1217 : memref<80xi32, #tpu.memory_space<vmem>>) semaphore(%arg14 : memref<!tpu.dma_semaphore, #tpu.memory_space<semaphore_mem>>)
      %mul3A_1221 = arith.constant 80 : i32
      %mul3A_1222 = arith.muli %add3A_1189, %mul3A_1221 : i32
      %dma_wait3A_1223 = arith.constant 3 : i32
      %dma_wait3A_1224 = arith.constant 0 : i32
      %dma_wait3A_1225 = arith.constant 0 : i32
      %dma_wait3A_1226 = tpu.memref_slice %arg6[%dma_wait3A_1223, %dma_wait3A_1224, %dma_wait3A_1225] : memref<10x80x128xf32, #tpu.memory_space<vmem>> -> memref<1x80x128xf32, #tpu.memory_space<vmem>>
      %dma_wait3A_1227 = tpu.memref_squeeze %dma_wait3A_1226 : memref<1x80x128xf32, #tpu.memory_space<vmem>> -> memref<80x128xf32, #tpu.memory_space<vmem>>
      %dma_wait3A_1228 = tpu.memref_slice %arg5[%mul3A_1222] : memref<25600xi32, #tpu.memory_space<vmem>> -> memref<80xi32, #tpu.memory_space<vmem>>
      %dma_wait3A_1229 = arith.constant 0 : i32
      %dma_wait3A_1230 = arith.constant 0 : i32
      %dma_wait3A_1231 = tpu.memref_slice %arg3[%dma_wait3A_1229, %dma_wait3A_1230] : memref<100000x128xf32, #tpu.memory_space<hbm>> -> memref<100000x128xf32, #tpu.memory_space<hbm>>
      tpu.wait_indirect_dma semaphore(%arg10 : memref<!tpu.dma_semaphore, #tpu.memory_space<semaphore_mem>>) src(%dma_wait3A_1231 : memref<100000x128xf32, #tpu.memory_space<hbm>>) dst(%dma_wait3A_1227 : memref<80x128xf32, #tpu.memory_space<vmem>>)
      %mul3A_1232 = arith.constant 80 : i32
      %mul3A_1233 = arith.muli %add3A_1189, %mul3A_1232 : i32
      %add3A_1234 = arith.addi %mul3A_2, %mul3A_1233 : i32
      %dma_start3A_1235 = arith.constant 3 : i32
      %dma_start3A_1236 = arith.constant 0 : i32
      %dma_start3A_1237 = arith.constant 0 : i32
      %dma_start3A_1238 = tpu.memref_slice %arg6[%dma_start3A_1235, %dma_start3A_1236, %dma_start3A_1237] : memref<10x80x128xf32, #tpu.memory_space<vmem>> -> memref<1x80x128xf32, #tpu.memory_space<vmem>>
      %dma_start3A_1239 = tpu.memref_squeeze %dma_start3A_1238 : memref<1x80x128xf32, #tpu.memory_space<vmem>> -> memref<80x128xf32, #tpu.memory_space<vmem>>
      %dma_start3A_1240 = arith.constant 0 : i32
      %dma_start3A_1241 = tpu.memref_slice %arg4[%add3A_1234, %dma_start3A_1240] : memref<819200x128xf32, #tpu.memory_space<hbm>> -> memref<80x128xf32, #tpu.memory_space<hbm>>
      %dma_start3A_1242 = arith.constant 0 : i32
      %dma_start3A_1243 = tpu.memref_slice %arg4[%add3A_1234, %dma_start3A_1242] : memref<819200x128xf32, #tpu.memory_space<hbm>> -> memref<80x128xf32, #tpu.memory_space<hbm>>
      %dma_start3A_1244 = arith.constant 0 : i32
      %dma_start3A_1245 = arith.constant 0 : i32
      %dma_start3A_1246 = tpu.memref_slice %arg6[%dma_start3A_1235, %dma_start3A_1244, %dma_start3A_1245] : memref<10x80x128xf32, #tpu.memory_space<vmem>> -> memref<1x80x128xf32, #tpu.memory_space<vmem>>
      %dma_start3A_1247 = tpu.memref_squeeze %dma_start3A_1246 : memref<1x80x128xf32, #tpu.memory_space<vmem>> -> memref<80x128xf32, #tpu.memory_space<vmem>>
      tpu.enqueue_dma source(%dma_start3A_1247 : memref<80x128xf32, #tpu.memory_space<vmem>>) target(%dma_start3A_1243 : memref<80x128xf32, #tpu.memory_space<hbm>>) target_semaphore(%arg20 : memref<!tpu.dma_semaphore, #tpu.memory_space<semaphore_mem>>)
      %add3A_1248 = arith.constant 4 : i32
      %add3A_1249 = arith.addi %mul3A_1008, %add3A_1248 : i32
      %add3A_1250 = arith.constant 4 : i32
      %add3A_1251 = arith.addi %add3A_1249, %add3A_1250 : i32
      %sub3A_1252 = arith.constant 10 : i32
      %sub3A_1253 = arith.subi %add3A_1251, %sub3A_1252 : i32
      %mul3A_1254 = arith.constant 80 : i32
      %mul3A_1255 = arith.muli %sub3A_1253, %mul3A_1254 : i32
      %add3A_1256 = arith.addi %mul3A_2, %mul3A_1255 : i32
      %dma_wait3A_1257 = arith.constant 8 : i32
      %dma_wait3A_1258 = arith.constant 0 : i32
      %dma_wait3A_1259 = arith.constant 0 : i32
      %dma_wait3A_1260 = tpu.memref_slice %arg6[%dma_wait3A_1257, %dma_wait3A_1258, %dma_wait3A_1259] : memref<10x80x128xf32, #tpu.memory_space<vmem>> -> memref<1x80x128xf32, #tpu.memory_space<vmem>>
      %dma_wait3A_1261 = tpu.memref_squeeze %dma_wait3A_1260 : memref<1x80x128xf32, #tpu.memory_space<vmem>> -> memref<80x128xf32, #tpu.memory_space<vmem>>
      %dma_wait3A_1262 = arith.constant 0 : i32
      %dma_wait3A_1263 = tpu.memref_slice %arg4[%add3A_1256, %dma_wait3A_1262] : memref<819200x128xf32, #tpu.memory_space<hbm>> -> memref<80x128xf32, #tpu.memory_space<hbm>>
      %dma_wait3A_1264 = arith.constant 0 : i32
      %dma_wait3A_1265 = tpu.memref_slice %arg4[%add3A_1256, %dma_wait3A_1264] : memref<819200x128xf32, #tpu.memory_space<hbm>> -> memref<80x128xf32, #tpu.memory_space<hbm>>
      %dma_wait3A_1266 = arith.constant 0 : i32
      %dma_wait3A_1267 = arith.constant 0 : i32
      %dma_wait3A_1268 = tpu.memref_slice %arg6[%dma_wait3A_1257, %dma_wait3A_1266, %dma_wait3A_1267] : memref<10x80x128xf32, #tpu.memory_space<vmem>> -> memref<1x80x128xf32, #tpu.memory_space<vmem>>
      %dma_wait3A_1269 = tpu.memref_squeeze %dma_wait3A_1268 : memref<1x80x128xf32, #tpu.memory_space<vmem>> -> memref<80x128xf32, #tpu.memory_space<vmem>>
      tpu.wait_dma2 semaphore(%arg25 : memref<!tpu.dma_semaphore, #tpu.memory_space<semaphore_mem>>) src(%dma_wait3A_1269 : memref<80x128xf32, #tpu.memory_space<vmem>>) dst(%dma_wait3A_1265 : memref<80x128xf32, #tpu.memory_space<hbm>>)
      %mul3A_1270 = arith.constant 80 : i32
      %mul3A_1271 = arith.muli %add3A_1251, %mul3A_1270 : i32
      %dma_start3A_1272 = arith.constant 8 : i32
      %dma_start3A_1273 = arith.constant 0 : i32
      %dma_start3A_1274 = arith.constant 0 : i32
      %dma_start3A_1275 = tpu.memref_slice %arg6[%dma_start3A_1272, %dma_start3A_1273, %dma_start3A_1274] : memref<10x80x128xf32, #tpu.memory_space<vmem>> -> memref<1x80x128xf32, #tpu.memory_space<vmem>>
      %dma_start3A_1276 = tpu.memref_squeeze %dma_start3A_1275 : memref<1x80x128xf32, #tpu.memory_space<vmem>> -> memref<80x128xf32, #tpu.memory_space<vmem>>
      %dma_start3A_1277 = tpu.memref_slice %arg5[%mul3A_1271] : memref<25600xi32, #tpu.memory_space<vmem>> -> memref<80xi32, #tpu.memory_space<vmem>>
      %dma_start3A_1278 = arith.constant 0 : i32
      %dma_start3A_1279 = arith.constant 0 : i32
      %dma_start3A_1280 = tpu.memref_slice %arg3[%dma_start3A_1278, %dma_start3A_1279] : memref<100000x128xf32, #tpu.memory_space<hbm>> -> memref<100000x128xf32, #tpu.memory_space<hbm>>
      tpu.enqueue_indirect_dma source(%dma_start3A_1280 : memref<100000x128xf32, #tpu.memory_space<hbm>>) target(%dma_start3A_1276 : memref<80x128xf32, #tpu.memory_space<vmem>>) offsets(%dma_start3A_1277 : memref<80xi32, #tpu.memory_space<vmem>>) semaphore(%arg15 : memref<!tpu.dma_semaphore, #tpu.memory_space<semaphore_mem>>)
      %mul3A_1281 = arith.constant 80 : i32
      %mul3A_1282 = arith.muli %add3A_1249, %mul3A_1281 : i32
      %dma_wait3A_1283 = arith.constant 4 : i32
      %dma_wait3A_1284 = arith.constant 0 : i32
      %dma_wait3A_1285 = arith.constant 0 : i32
      %dma_wait3A_1286 = tpu.memref_slice %arg6[%dma_wait3A_1283, %dma_wait3A_1284, %dma_wait3A_1285] : memref<10x80x128xf32, #tpu.memory_space<vmem>> -> memref<1x80x128xf32, #tpu.memory_space<vmem>>
      %dma_wait3A_1287 = tpu.memref_squeeze %dma_wait3A_1286 : memref<1x80x128xf32, #tpu.memory_space<vmem>> -> memref<80x128xf32, #tpu.memory_space<vmem>>
      %dma_wait3A_1288 = tpu.memref_slice %arg5[%mul3A_1282] : memref<25600xi32, #tpu.memory_space<vmem>> -> memref<80xi32, #tpu.memory_space<vmem>>
      %dma_wait3A_1289 = arith.constant 0 : i32
      %dma_wait3A_1290 = arith.constant 0 : i32
      %dma_wait3A_1291 = tpu.memref_slice %arg3[%dma_wait3A_1289, %dma_wait3A_1290] : memref<100000x128xf32, #tpu.memory_space<hbm>> -> memref<100000x128xf32, #tpu.memory_space<hbm>>
      tpu.wait_indirect_dma semaphore(%arg11 : memref<!tpu.dma_semaphore, #tpu.memory_space<semaphore_mem>>) src(%dma_wait3A_1291 : memref<100000x128xf32, #tpu.memory_space<hbm>>) dst(%dma_wait3A_1287 : memref<80x128xf32, #tpu.memory_space<vmem>>)
      %mul3A_1292 = arith.constant 80 : i32
      %mul3A_1293 = arith.muli %add3A_1249, %mul3A_1292 : i32
      %add3A_1294 = arith.addi %mul3A_2, %mul3A_1293 : i32
      %dma_start3A_1295 = arith.constant 4 : i32
      %dma_start3A_1296 = arith.constant 0 : i32
      %dma_start3A_1297 = arith.constant 0 : i32
      %dma_start3A_1298 = tpu.memref_slice %arg6[%dma_start3A_1295, %dma_start3A_1296, %dma_start3A_1297] : memref<10x80x128xf32, #tpu.memory_space<vmem>> -> memref<1x80x128xf32, #tpu.memory_space<vmem>>
      %dma_start3A_1299 = tpu.memref_squeeze %dma_start3A_1298 : memref<1x80x128xf32, #tpu.memory_space<vmem>> -> memref<80x128xf32, #tpu.memory_space<vmem>>
      %dma_start3A_1300 = arith.constant 0 : i32
      %dma_start3A_1301 = tpu.memref_slice %arg4[%add3A_1294, %dma_start3A_1300] : memref<819200x128xf32, #tpu.memory_space<hbm>> -> memref<80x128xf32, #tpu.memory_space<hbm>>
      %dma_start3A_1302 = arith.constant 0 : i32
      %dma_start3A_1303 = tpu.memref_slice %arg4[%add3A_1294, %dma_start3A_1302] : memref<819200x128xf32, #tpu.memory_space<hbm>> -> memref<80x128xf32, #tpu.memory_space<hbm>>
      %dma_start3A_1304 = arith.constant 0 : i32
      %dma_start3A_1305 = arith.constant 0 : i32
      %dma_start3A_1306 = tpu.memref_slice %arg6[%dma_start3A_1295, %dma_start3A_1304, %dma_start3A_1305] : memref<10x80x128xf32, #tpu.memory_space<vmem>> -> memref<1x80x128xf32, #tpu.memory_space<vmem>>
      %dma_start3A_1307 = tpu.memref_squeeze %dma_start3A_1306 : memref<1x80x128xf32, #tpu.memory_space<vmem>> -> memref<80x128xf32, #tpu.memory_space<vmem>>
      tpu.enqueue_dma source(%dma_start3A_1307 : memref<80x128xf32, #tpu.memory_space<vmem>>) target(%dma_start3A_1303 : memref<80x128xf32, #tpu.memory_space<hbm>>) target_semaphore(%arg21 : memref<!tpu.dma_semaphore, #tpu.memory_space<semaphore_mem>>)
      %add3A_1308 = arith.constant 5 : i32
      %add3A_1309 = arith.addi %mul3A_1008, %add3A_1308 : i32
      %add3A_1310 = arith.constant 4 : i32
      %add3A_1311 = arith.addi %add3A_1309, %add3A_1310 : i32
      %sub3A_1312 = arith.constant 10 : i32
      %sub3A_1313 = arith.subi %add3A_1311, %sub3A_1312 : i32
      %mul3A_1314 = arith.constant 80 : i32
      %mul3A_1315 = arith.muli %sub3A_1313, %mul3A_1314 : i32
      %add3A_1316 = arith.addi %mul3A_2, %mul3A_1315 : i32
      %dma_wait3A_1317 = arith.constant 9 : i32
      %dma_wait3A_1318 = arith.constant 0 : i32
      %dma_wait3A_1319 = arith.constant 0 : i32
      %dma_wait3A_1320 = tpu.memref_slice %arg6[%dma_wait3A_1317, %dma_wait3A_1318, %dma_wait3A_1319] : memref<10x80x128xf32, #tpu.memory_space<vmem>> -> memref<1x80x128xf32, #tpu.memory_space<vmem>>
      %dma_wait3A_1321 = tpu.memref_squeeze %dma_wait3A_1320 : memref<1x80x128xf32, #tpu.memory_space<vmem>> -> memref<80x128xf32, #tpu.memory_space<vmem>>
      %dma_wait3A_1322 = arith.constant 0 : i32
      %dma_wait3A_1323 = tpu.memref_slice %arg4[%add3A_1316, %dma_wait3A_1322] : memref<819200x128xf32, #tpu.memory_space<hbm>> -> memref<80x128xf32, #tpu.memory_space<hbm>>
      %dma_wait3A_1324 = arith.constant 0 : i32
      %dma_wait3A_1325 = tpu.memref_slice %arg4[%add3A_1316, %dma_wait3A_1324] : memref<819200x128xf32, #tpu.memory_space<hbm>> -> memref<80x128xf32, #tpu.memory_space<hbm>>
      %dma_wait3A_1326 = arith.constant 0 : i32
      %dma_wait3A_1327 = arith.constant 0 : i32
      %dma_wait3A_1328 = tpu.memref_slice %arg6[%dma_wait3A_1317, %dma_wait3A_1326, %dma_wait3A_1327] : memref<10x80x128xf32, #tpu.memory_space<vmem>> -> memref<1x80x128xf32, #tpu.memory_space<vmem>>
      %dma_wait3A_1329 = tpu.memref_squeeze %dma_wait3A_1328 : memref<1x80x128xf32, #tpu.memory_space<vmem>> -> memref<80x128xf32, #tpu.memory_space<vmem>>
      tpu.wait_dma2 semaphore(%arg26 : memref<!tpu.dma_semaphore, #tpu.memory_space<semaphore_mem>>) src(%dma_wait3A_1329 : memref<80x128xf32, #tpu.memory_space<vmem>>) dst(%dma_wait3A_1325 : memref<80x128xf32, #tpu.memory_space<hbm>>)
      %mul3A_1330 = arith.constant 80 : i32
      %mul3A_1331 = arith.muli %add3A_1311, %mul3A_1330 : i32
      %dma_start3A_1332 = arith.constant 9 : i32
      %dma_start3A_1333 = arith.constant 0 : i32
      %dma_start3A_1334 = arith.constant 0 : i32
      %dma_start3A_1335 = tpu.memref_slice %arg6[%dma_start3A_1332, %dma_start3A_1333, %dma_start3A_1334] : memref<10x80x128xf32, #tpu.memory_space<vmem>> -> memref<1x80x128xf32, #tpu.memory_space<vmem>>
      %dma_start3A_1336 = tpu.memref_squeeze %dma_start3A_1335 : memref<1x80x128xf32, #tpu.memory_space<vmem>> -> memref<80x128xf32, #tpu.memory_space<vmem>>
      %dma_start3A_1337 = tpu.memref_slice %arg5[%mul3A_1331] : memref<25600xi32, #tpu.memory_space<vmem>> -> memref<80xi32, #tpu.memory_space<vmem>>
      %dma_start3A_1338 = arith.constant 0 : i32
      %dma_start3A_1339 = arith.constant 0 : i32
      %dma_start3A_1340 = tpu.memref_slice %arg3[%dma_start3A_1338, %dma_start3A_1339] : memref<100000x128xf32, #tpu.memory_space<hbm>> -> memref<100000x128xf32, #tpu.memory_space<hbm>>
      tpu.enqueue_indirect_dma source(%dma_start3A_1340 : memref<100000x128xf32, #tpu.memory_space<hbm>>) target(%dma_start3A_1336 : memref<80x128xf32, #tpu.memory_space<vmem>>) offsets(%dma_start3A_1337 : memref<80xi32, #tpu.memory_space<vmem>>) semaphore(%arg16 : memref<!tpu.dma_semaphore, #tpu.memory_space<semaphore_mem>>)
      %mul3A_1341 = arith.constant 80 : i32
      %mul3A_1342 = arith.muli %add3A_1309, %mul3A_1341 : i32
      %dma_wait3A_1343 = arith.constant 5 : i32
      %dma_wait3A_1344 = arith.constant 0 : i32
      %dma_wait3A_1345 = arith.constant 0 : i32
      %dma_wait3A_1346 = tpu.memref_slice %arg6[%dma_wait3A_1343, %dma_wait3A_1344, %dma_wait3A_1345] : memref<10x80x128xf32, #tpu.memory_space<vmem>> -> memref<1x80x128xf32, #tpu.memory_space<vmem>>
      %dma_wait3A_1347 = tpu.memref_squeeze %dma_wait3A_1346 : memref<1x80x128xf32, #tpu.memory_space<vmem>> -> memref<80x128xf32, #tpu.memory_space<vmem>>
      %dma_wait3A_1348 = tpu.memref_slice %arg5[%mul3A_1342] : memref<25600xi32, #tpu.memory_space<vmem>> -> memref<80xi32, #tpu.memory_space<vmem>>
      %dma_wait3A_1349 = arith.constant 0 : i32
      %dma_wait3A_1350 = arith.constant 0 : i32
      %dma_wait3A_1351 = tpu.memref_slice %arg3[%dma_wait3A_1349, %dma_wait3A_1350] : memref<100000x128xf32, #tpu.memory_space<hbm>> -> memref<100000x128xf32, #tpu.memory_space<hbm>>
      tpu.wait_indirect_dma semaphore(%arg12 : memref<!tpu.dma_semaphore, #tpu.memory_space<semaphore_mem>>) src(%dma_wait3A_1351 : memref<100000x128xf32, #tpu.memory_space<hbm>>) dst(%dma_wait3A_1347 : memref<80x128xf32, #tpu.memory_space<vmem>>)
      %mul3A_1352 = arith.constant 80 : i32
      %mul3A_1353 = arith.muli %add3A_1309, %mul3A_1352 : i32
      %add3A_1354 = arith.addi %mul3A_2, %mul3A_1353 : i32
      %dma_start3A_1355 = arith.constant 5 : i32
      %dma_start3A_1356 = arith.constant 0 : i32
      %dma_start3A_1357 = arith.constant 0 : i32
      %dma_start3A_1358 = tpu.memref_slice %arg6[%dma_start3A_1355, %dma_start3A_1356, %dma_start3A_1357] : memref<10x80x128xf32, #tpu.memory_space<vmem>> -> memref<1x80x128xf32, #tpu.memory_space<vmem>>
      %dma_start3A_1359 = tpu.memref_squeeze %dma_start3A_1358 : memref<1x80x128xf32, #tpu.memory_space<vmem>> -> memref<80x128xf32, #tpu.memory_space<vmem>>
      %dma_start3A_1360 = arith.constant 0 : i32
      %dma_start3A_1361 = tpu.memref_slice %arg4[%add3A_1354, %dma_start3A_1360] : memref<819200x128xf32, #tpu.memory_space<hbm>> -> memref<80x128xf32, #tpu.memory_space<hbm>>
      %dma_start3A_1362 = arith.constant 0 : i32
      %dma_start3A_1363 = tpu.memref_slice %arg4[%add3A_1354, %dma_start3A_1362] : memref<819200x128xf32, #tpu.memory_space<hbm>> -> memref<80x128xf32, #tpu.memory_space<hbm>>
      %dma_start3A_1364 = arith.constant 0 : i32
      %dma_start3A_1365 = arith.constant 0 : i32
      %dma_start3A_1366 = tpu.memref_slice %arg6[%dma_start3A_1355, %dma_start3A_1364, %dma_start3A_1365] : memref<10x80x128xf32, #tpu.memory_space<vmem>> -> memref<1x80x128xf32, #tpu.memory_space<vmem>>
      %dma_start3A_1367 = tpu.memref_squeeze %dma_start3A_1366 : memref<1x80x128xf32, #tpu.memory_space<vmem>> -> memref<80x128xf32, #tpu.memory_space<vmem>>
      tpu.enqueue_dma source(%dma_start3A_1367 : memref<80x128xf32, #tpu.memory_space<vmem>>) target(%dma_start3A_1363 : memref<80x128xf32, #tpu.memory_space<hbm>>) target_semaphore(%arg22 : memref<!tpu.dma_semaphore, #tpu.memory_space<semaphore_mem>>)
      %add3A_1368 = arith.constant 6 : i32
      %add3A_1369 = arith.addi %mul3A_1008, %add3A_1368 : i32
      %add3A_1370 = arith.constant 4 : i32
      %add3A_1371 = arith.addi %add3A_1369, %add3A_1370 : i32
      %sub3A_1372 = arith.constant 10 : i32
      %sub3A_1373 = arith.subi %add3A_1371, %sub3A_1372 : i32
      %mul3A_1374 = arith.constant 80 : i32
      %mul3A_1375 = arith.muli %sub3A_1373, %mul3A_1374 : i32
      %add3A_1376 = arith.addi %mul3A_2, %mul3A_1375 : i32
      %dma_wait3A_1377 = arith.constant 0 : i32
      %dma_wait3A_1378 = arith.constant 0 : i32
      %dma_wait3A_1379 = arith.constant 0 : i32
      %dma_wait3A_1380 = tpu.memref_slice %arg6[%dma_wait3A_1377, %dma_wait3A_1378, %dma_wait3A_1379] : memref<10x80x128xf32, #tpu.memory_space<vmem>> -> memref<1x80x128xf32, #tpu.memory_space<vmem>>
      %dma_wait3A_1381 = tpu.memref_squeeze %dma_wait3A_1380 : memref<1x80x128xf32, #tpu.memory_space<vmem>> -> memref<80x128xf32, #tpu.memory_space<vmem>>
      %dma_wait3A_1382 = arith.constant 0 : i32
      %dma_wait3A_1383 = tpu.memref_slice %arg4[%add3A_1376, %dma_wait3A_1382] : memref<819200x128xf32, #tpu.memory_space<hbm>> -> memref<80x128xf32, #tpu.memory_space<hbm>>
      %dma_wait3A_1384 = arith.constant 0 : i32
      %dma_wait3A_1385 = tpu.memref_slice %arg4[%add3A_1376, %dma_wait3A_1384] : memref<819200x128xf32, #tpu.memory_space<hbm>> -> memref<80x128xf32, #tpu.memory_space<hbm>>
      %dma_wait3A_1386 = arith.constant 0 : i32
      %dma_wait3A_1387 = arith.constant 0 : i32
      %dma_wait3A_1388 = tpu.memref_slice %arg6[%dma_wait3A_1377, %dma_wait3A_1386, %dma_wait3A_1387] : memref<10x80x128xf32, #tpu.memory_space<vmem>> -> memref<1x80x128xf32, #tpu.memory_space<vmem>>
      %dma_wait3A_1389 = tpu.memref_squeeze %dma_wait3A_1388 : memref<1x80x128xf32, #tpu.memory_space<vmem>> -> memref<80x128xf32, #tpu.memory_space<vmem>>
      tpu.wait_dma2 semaphore(%arg17 : memref<!tpu.dma_semaphore, #tpu.memory_space<semaphore_mem>>) src(%dma_wait3A_1389 : memref<80x128xf32, #tpu.memory_space<vmem>>) dst(%dma_wait3A_1385 : memref<80x128xf32, #tpu.memory_space<hbm>>)
      %mul3A_1390 = arith.constant 80 : i32
      %mul3A_1391 = arith.muli %add3A_1371, %mul3A_1390 : i32
      %dma_start3A_1392 = arith.constant 0 : i32
      %dma_start3A_1393 = arith.constant 0 : i32
      %dma_start3A_1394 = arith.constant 0 : i32
      %dma_start3A_1395 = tpu.memref_slice %arg6[%dma_start3A_1392, %dma_start3A_1393, %dma_start3A_1394] : memref<10x80x128xf32, #tpu.memory_space<vmem>> -> memref<1x80x128xf32, #tpu.memory_space<vmem>>
      %dma_start3A_1396 = tpu.memref_squeeze %dma_start3A_1395 : memref<1x80x128xf32, #tpu.memory_space<vmem>> -> memref<80x128xf32, #tpu.memory_space<vmem>>
      %dma_start3A_1397 = tpu.memref_slice %arg5[%mul3A_1391] : memref<25600xi32, #tpu.memory_space<vmem>> -> memref<80xi32, #tpu.memory_space<vmem>>
      %dma_start3A_1398 = arith.constant 0 : i32
      %dma_start3A_1399 = arith.constant 0 : i32
      %dma_start3A_1400 = tpu.memref_slice %arg3[%dma_start3A_1398, %dma_start3A_1399] : memref<100000x128xf32, #tpu.memory_space<hbm>> -> memref<100000x128xf32, #tpu.memory_space<hbm>>
      tpu.enqueue_indirect_dma source(%dma_start3A_1400 : memref<100000x128xf32, #tpu.memory_space<hbm>>) target(%dma_start3A_1396 : memref<80x128xf32, #tpu.memory_space<vmem>>) offsets(%dma_start3A_1397 : memref<80xi32, #tpu.memory_space<vmem>>) semaphore(%arg7 : memref<!tpu.dma_semaphore, #tpu.memory_space<semaphore_mem>>)
      %mul3A_1401 = arith.constant 80 : i32
      %mul3A_1402 = arith.muli %add3A_1369, %mul3A_1401 : i32
      %dma_wait3A_1403 = arith.constant 6 : i32
      %dma_wait3A_1404 = arith.constant 0 : i32
      %dma_wait3A_1405 = arith.constant 0 : i32
      %dma_wait3A_1406 = tpu.memref_slice %arg6[%dma_wait3A_1403, %dma_wait3A_1404, %dma_wait3A_1405] : memref<10x80x128xf32, #tpu.memory_space<vmem>> -> memref<1x80x128xf32, #tpu.memory_space<vmem>>
      %dma_wait3A_1407 = tpu.memref_squeeze %dma_wait3A_1406 : memref<1x80x128xf32, #tpu.memory_space<vmem>> -> memref<80x128xf32, #tpu.memory_space<vmem>>
      %dma_wait3A_1408 = tpu.memref_slice %arg5[%mul3A_1402] : memref<25600xi32, #tpu.memory_space<vmem>> -> memref<80xi32, #tpu.memory_space<vmem>>
      %dma_wait3A_1409 = arith.constant 0 : i32
      %dma_wait3A_1410 = arith.constant 0 : i32
      %dma_wait3A_1411 = tpu.memref_slice %arg3[%dma_wait3A_1409, %dma_wait3A_1410] : memref<100000x128xf32, #tpu.memory_space<hbm>> -> memref<100000x128xf32, #tpu.memory_space<hbm>>
      tpu.wait_indirect_dma semaphore(%arg13 : memref<!tpu.dma_semaphore, #tpu.memory_space<semaphore_mem>>) src(%dma_wait3A_1411 : memref<100000x128xf32, #tpu.memory_space<hbm>>) dst(%dma_wait3A_1407 : memref<80x128xf32, #tpu.memory_space<vmem>>)
      %mul3A_1412 = arith.constant 80 : i32
      %mul3A_1413 = arith.muli %add3A_1369, %mul3A_1412 : i32
      %add3A_1414 = arith.addi %mul3A_2, %mul3A_1413 : i32
      %dma_start3A_1415 = arith.constant 6 : i32
      %dma_start3A_1416 = arith.constant 0 : i32
      %dma_start3A_1417 = arith.constant 0 : i32
      %dma_start3A_1418 = tpu.memref_slice %arg6[%dma_start3A_1415, %dma_start3A_1416, %dma_start3A_1417] : memref<10x80x128xf32, #tpu.memory_space<vmem>> -> memref<1x80x128xf32, #tpu.memory_space<vmem>>
      %dma_start3A_1419 = tpu.memref_squeeze %dma_start3A_1418 : memref<1x80x128xf32, #tpu.memory_space<vmem>> -> memref<80x128xf32, #tpu.memory_space<vmem>>
      %dma_start3A_1420 = arith.constant 0 : i32
      %dma_start3A_1421 = tpu.memref_slice %arg4[%add3A_1414, %dma_start3A_1420] : memref<819200x128xf32, #tpu.memory_space<hbm>> -> memref<80x128xf32, #tpu.memory_space<hbm>>
      %dma_start3A_1422 = arith.constant 0 : i32
      %dma_start3A_1423 = tpu.memref_slice %arg4[%add3A_1414, %dma_start3A_1422] : memref<819200x128xf32, #tpu.memory_space<hbm>> -> memref<80x128xf32, #tpu.memory_space<hbm>>
      %dma_start3A_1424 = arith.constant 0 : i32
      %dma_start3A_1425 = arith.constant 0 : i32
      %dma_start3A_1426 = tpu.memref_slice %arg6[%dma_start3A_1415, %dma_start3A_1424, %dma_start3A_1425] : memref<10x80x128xf32, #tpu.memory_space<vmem>> -> memref<1x80x128xf32, #tpu.memory_space<vmem>>
      %dma_start3A_1427 = tpu.memref_squeeze %dma_start3A_1426 : memref<1x80x128xf32, #tpu.memory_space<vmem>> -> memref<80x128xf32, #tpu.memory_space<vmem>>
      tpu.enqueue_dma source(%dma_start3A_1427 : memref<80x128xf32, #tpu.memory_space<vmem>>) target(%dma_start3A_1423 : memref<80x128xf32, #tpu.memory_space<hbm>>) target_semaphore(%arg23 : memref<!tpu.dma_semaphore, #tpu.memory_space<semaphore_mem>>)
      %add3A_1428 = arith.constant 7 : i32
      %add3A_1429 = arith.addi %mul3A_1008, %add3A_1428 : i32
      %add3A_1430 = arith.constant 4 : i32
      %add3A_1431 = arith.addi %add3A_1429, %add3A_1430 : i32
      %sub3A_1432 = arith.constant 10 : i32
      %sub3A_1433 = arith.subi %add3A_1431, %sub3A_1432 : i32
      %mul3A_1434 = arith.constant 80 : i32
      %mul3A_1435 = arith.muli %sub3A_1433, %mul3A_1434 : i32
      %add3A_1436 = arith.addi %mul3A_2, %mul3A_1435 : i32
      %dma_wait3A_1437 = arith.constant 1 : i32
      %dma_wait3A_1438 = arith.constant 0 : i32
      %dma_wait3A_1439 = arith.constant 0 : i32
      %dma_wait3A_1440 = tpu.memref_slice %arg6[%dma_wait3A_1437, %dma_wait3A_1438, %dma_wait3A_1439] : memref<10x80x128xf32, #tpu.memory_space<vmem>> -> memref<1x80x128xf32, #tpu.memory_space<vmem>>
      %dma_wait3A_1441 = tpu.memref_squeeze %dma_wait3A_1440 : memref<1x80x128xf32, #tpu.memory_space<vmem>> -> memref<80x128xf32, #tpu.memory_space<vmem>>
      %dma_wait3A_1442 = arith.constant 0 : i32
      %dma_wait3A_1443 = tpu.memref_slice %arg4[%add3A_1436, %dma_wait3A_1442] : memref<819200x128xf32, #tpu.memory_space<hbm>> -> memref<80x128xf32, #tpu.memory_space<hbm>>
      %dma_wait3A_1444 = arith.constant 0 : i32
      %dma_wait3A_1445 = tpu.memref_slice %arg4[%add3A_1436, %dma_wait3A_1444] : memref<819200x128xf32, #tpu.memory_space<hbm>> -> memref<80x128xf32, #tpu.memory_space<hbm>>
      %dma_wait3A_1446 = arith.constant 0 : i32
      %dma_wait3A_1447 = arith.constant 0 : i32
      %dma_wait3A_1448 = tpu.memref_slice %arg6[%dma_wait3A_1437, %dma_wait3A_1446, %dma_wait3A_1447] : memref<10x80x128xf32, #tpu.memory_space<vmem>> -> memref<1x80x128xf32, #tpu.memory_space<vmem>>
      %dma_wait3A_1449 = tpu.memref_squeeze %dma_wait3A_1448 : memref<1x80x128xf32, #tpu.memory_space<vmem>> -> memref<80x128xf32, #tpu.memory_space<vmem>>
      tpu.wait_dma2 semaphore(%arg18 : memref<!tpu.dma_semaphore, #tpu.memory_space<semaphore_mem>>) src(%dma_wait3A_1449 : memref<80x128xf32, #tpu.memory_space<vmem>>) dst(%dma_wait3A_1445 : memref<80x128xf32, #tpu.memory_space<hbm>>)
      %mul3A_1450 = arith.constant 80 : i32
      %mul3A_1451 = arith.muli %add3A_1431, %mul3A_1450 : i32
      %dma_start3A_1452 = arith.constant 1 : i32
      %dma_start3A_1453 = arith.constant 0 : i32
      %dma_start3A_1454 = arith.constant 0 : i32
      %dma_start3A_1455 = tpu.memref_slice %arg6[%dma_start3A_1452, %dma_start3A_1453, %dma_start3A_1454] : memref<10x80x128xf32, #tpu.memory_space<vmem>> -> memref<1x80x128xf32, #tpu.memory_space<vmem>>
      %dma_start3A_1456 = tpu.memref_squeeze %dma_start3A_1455 : memref<1x80x128xf32, #tpu.memory_space<vmem>> -> memref<80x128xf32, #tpu.memory_space<vmem>>
      %dma_start3A_1457 = tpu.memref_slice %arg5[%mul3A_1451] : memref<25600xi32, #tpu.memory_space<vmem>> -> memref<80xi32, #tpu.memory_space<vmem>>
      %dma_start3A_1458 = arith.constant 0 : i32
      %dma_start3A_1459 = arith.constant 0 : i32
      %dma_start3A_1460 = tpu.memref_slice %arg3[%dma_start3A_1458, %dma_start3A_1459] : memref<100000x128xf32, #tpu.memory_space<hbm>> -> memref<100000x128xf32, #tpu.memory_space<hbm>>
      tpu.enqueue_indirect_dma source(%dma_start3A_1460 : memref<100000x128xf32, #tpu.memory_space<hbm>>) target(%dma_start3A_1456 : memref<80x128xf32, #tpu.memory_space<vmem>>) offsets(%dma_start3A_1457 : memref<80xi32, #tpu.memory_space<vmem>>) semaphore(%arg8 : memref<!tpu.dma_semaphore, #tpu.memory_space<semaphore_mem>>)
      %mul3A_1461 = arith.constant 80 : i32
      %mul3A_1462 = arith.muli %add3A_1429, %mul3A_1461 : i32
      %dma_wait3A_1463 = arith.constant 7 : i32
      %dma_wait3A_1464 = arith.constant 0 : i32
      %dma_wait3A_1465 = arith.constant 0 : i32
      %dma_wait3A_1466 = tpu.memref_slice %arg6[%dma_wait3A_1463, %dma_wait3A_1464, %dma_wait3A_1465] : memref<10x80x128xf32, #tpu.memory_space<vmem>> -> memref<1x80x128xf32, #tpu.memory_space<vmem>>
      %dma_wait3A_1467 = tpu.memref_squeeze %dma_wait3A_1466 : memref<1x80x128xf32, #tpu.memory_space<vmem>> -> memref<80x128xf32, #tpu.memory_space<vmem>>
      %dma_wait3A_1468 = tpu.memref_slice %arg5[%mul3A_1462] : memref<25600xi32, #tpu.memory_space<vmem>> -> memref<80xi32, #tpu.memory_space<vmem>>
      %dma_wait3A_1469 = arith.constant 0 : i32
      %dma_wait3A_1470 = arith.constant 0 : i32
      %dma_wait3A_1471 = tpu.memref_slice %arg3[%dma_wait3A_1469, %dma_wait3A_1470] : memref<100000x128xf32, #tpu.memory_space<hbm>> -> memref<100000x128xf32, #tpu.memory_space<hbm>>
      tpu.wait_indirect_dma semaphore(%arg14 : memref<!tpu.dma_semaphore, #tpu.memory_space<semaphore_mem>>) src(%dma_wait3A_1471 : memref<100000x128xf32, #tpu.memory_space<hbm>>) dst(%dma_wait3A_1467 : memref<80x128xf32, #tpu.memory_space<vmem>>)
      %mul3A_1472 = arith.constant 80 : i32
      %mul3A_1473 = arith.muli %add3A_1429, %mul3A_1472 : i32
      %add3A_1474 = arith.addi %mul3A_2, %mul3A_1473 : i32
      %dma_start3A_1475 = arith.constant 7 : i32
      %dma_start3A_1476 = arith.constant 0 : i32
      %dma_start3A_1477 = arith.constant 0 : i32
      %dma_start3A_1478 = tpu.memref_slice %arg6[%dma_start3A_1475, %dma_start3A_1476, %dma_start3A_1477] : memref<10x80x128xf32, #tpu.memory_space<vmem>> -> memref<1x80x128xf32, #tpu.memory_space<vmem>>
      %dma_start3A_1479 = tpu.memref_squeeze %dma_start3A_1478 : memref<1x80x128xf32, #tpu.memory_space<vmem>> -> memref<80x128xf32, #tpu.memory_space<vmem>>
      %dma_start3A_1480 = arith.constant 0 : i32
      %dma_start3A_1481 = tpu.memref_slice %arg4[%add3A_1474, %dma_start3A_1480] : memref<819200x128xf32, #tpu.memory_space<hbm>> -> memref<80x128xf32, #tpu.memory_space<hbm>>
      %dma_start3A_1482 = arith.constant 0 : i32
      %dma_start3A_1483 = tpu.memref_slice %arg4[%add3A_1474, %dma_start3A_1482] : memref<819200x128xf32, #tpu.memory_space<hbm>> -> memref<80x128xf32, #tpu.memory_space<hbm>>
      %dma_start3A_1484 = arith.constant 0 : i32
      %dma_start3A_1485 = arith.constant 0 : i32
      %dma_start3A_1486 = tpu.memref_slice %arg6[%dma_start3A_1475, %dma_start3A_1484, %dma_start3A_1485] : memref<10x80x128xf32, #tpu.memory_space<vmem>> -> memref<1x80x128xf32, #tpu.memory_space<vmem>>
      %dma_start3A_1487 = tpu.memref_squeeze %dma_start3A_1486 : memref<1x80x128xf32, #tpu.memory_space<vmem>> -> memref<80x128xf32, #tpu.memory_space<vmem>>
      tpu.enqueue_dma source(%dma_start3A_1487 : memref<80x128xf32, #tpu.memory_space<vmem>>) target(%dma_start3A_1483 : memref<80x128xf32, #tpu.memory_space<hbm>>) target_semaphore(%arg24 : memref<!tpu.dma_semaphore, #tpu.memory_space<semaphore_mem>>)
      %add3A_1488 = arith.constant 8 : i32
      %add3A_1489 = arith.addi %mul3A_1008, %add3A_1488 : i32
      %add3A_1490 = arith.constant 4 : i32
      %add3A_1491 = arith.addi %add3A_1489, %add3A_1490 : i32
      %sub3A_1492 = arith.constant 10 : i32
      %sub3A_1493 = arith.subi %add3A_1491, %sub3A_1492 : i32
      %mul3A_1494 = arith.constant 80 : i32
      %mul3A_1495 = arith.muli %sub3A_1493, %mul3A_1494 : i32
      %add3A_1496 = arith.addi %mul3A_2, %mul3A_1495 : i32
      %dma_wait3A_1497 = arith.constant 2 : i32
      %dma_wait3A_1498 = arith.constant 0 : i32
      %dma_wait3A_1499 = arith.constant 0 : i32
      %dma_wait3A_1500 = tpu.memref_slice %arg6[%dma_wait3A_1497, %dma_wait3A_1498, %dma_wait3A_1499] : memref<10x80x128xf32, #tpu.memory_space<vmem>> -> memref<1x80x128xf32, #tpu.memory_space<vmem>>
      %dma_wait3A_1501 = tpu.memref_squeeze %dma_wait3A_1500 : memref<1x80x128xf32, #tpu.memory_space<vmem>> -> memref<80x128xf32, #tpu.memory_space<vmem>>
      %dma_wait3A_1502 = arith.constant 0 : i32
      %dma_wait3A_1503 = tpu.memref_slice %arg4[%add3A_1496, %dma_wait3A_1502] : memref<819200x128xf32, #tpu.memory_space<hbm>> -> memref<80x128xf32, #tpu.memory_space<hbm>>
      %dma_wait3A_1504 = arith.constant 0 : i32
      %dma_wait3A_1505 = tpu.memref_slice %arg4[%add3A_1496, %dma_wait3A_1504] : memref<819200x128xf32, #tpu.memory_space<hbm>> -> memref<80x128xf32, #tpu.memory_space<hbm>>
      %dma_wait3A_1506 = arith.constant 0 : i32
      %dma_wait3A_1507 = arith.constant 0 : i32
      %dma_wait3A_1508 = tpu.memref_slice %arg6[%dma_wait3A_1497, %dma_wait3A_1506, %dma_wait3A_1507] : memref<10x80x128xf32, #tpu.memory_space<vmem>> -> memref<1x80x128xf32, #tpu.memory_space<vmem>>
      %dma_wait3A_1509 = tpu.memref_squeeze %dma_wait3A_1508 : memref<1x80x128xf32, #tpu.memory_space<vmem>> -> memref<80x128xf32, #tpu.memory_space<vmem>>
      tpu.wait_dma2 semaphore(%arg19 : memref<!tpu.dma_semaphore, #tpu.memory_space<semaphore_mem>>) src(%dma_wait3A_1509 : memref<80x128xf32, #tpu.memory_space<vmem>>) dst(%dma_wait3A_1505 : memref<80x128xf32, #tpu.memory_space<hbm>>)
      %mul3A_1510 = arith.constant 80 : i32
      %mul3A_1511 = arith.muli %add3A_1491, %mul3A_1510 : i32
      %dma_start3A_1512 = arith.constant 2 : i32
      %dma_start3A_1513 = arith.constant 0 : i32
      %dma_start3A_1514 = arith.constant 0 : i32
      %dma_start3A_1515 = tpu.memref_slice %arg6[%dma_start3A_1512, %dma_start3A_1513, %dma_start3A_1514] : memref<10x80x128xf32, #tpu.memory_space<vmem>> -> memref<1x80x128xf32, #tpu.memory_space<vmem>>
      %dma_start3A_1516 = tpu.memref_squeeze %dma_start3A_1515 : memref<1x80x128xf32, #tpu.memory_space<vmem>> -> memref<80x128xf32, #tpu.memory_space<vmem>>
      %dma_start3A_1517 = tpu.memref_slice %arg5[%mul3A_1511] : memref<25600xi32, #tpu.memory_space<vmem>> -> memref<80xi32, #tpu.memory_space<vmem>>
      %dma_start3A_1518 = arith.constant 0 : i32
      %dma_start3A_1519 = arith.constant 0 : i32
      %dma_start3A_1520 = tpu.memref_slice %arg3[%dma_start3A_1518, %dma_start3A_1519] : memref<100000x128xf32, #tpu.memory_space<hbm>> -> memref<100000x128xf32, #tpu.memory_space<hbm>>
      tpu.enqueue_indirect_dma source(%dma_start3A_1520 : memref<100000x128xf32, #tpu.memory_space<hbm>>) target(%dma_start3A_1516 : memref<80x128xf32, #tpu.memory_space<vmem>>) offsets(%dma_start3A_1517 : memref<80xi32, #tpu.memory_space<vmem>>) semaphore(%arg9 : memref<!tpu.dma_semaphore, #tpu.memory_space<semaphore_mem>>)
      %mul3A_1521 = arith.constant 80 : i32
      %mul3A_1522 = arith.muli %add3A_1489, %mul3A_1521 : i32
      %dma_wait3A_1523 = arith.constant 8 : i32
      %dma_wait3A_1524 = arith.constant 0 : i32
      %dma_wait3A_1525 = arith.constant 0 : i32
      %dma_wait3A_1526 = tpu.memref_slice %arg6[%dma_wait3A_1523, %dma_wait3A_1524, %dma_wait3A_1525] : memref<10x80x128xf32, #tpu.memory_space<vmem>> -> memref<1x80x128xf32, #tpu.memory_space<vmem>>
      %dma_wait3A_1527 = tpu.memref_squeeze %dma_wait3A_1526 : memref<1x80x128xf32, #tpu.memory_space<vmem>> -> memref<80x128xf32, #tpu.memory_space<vmem>>
      %dma_wait3A_1528 = tpu.memref_slice %arg5[%mul3A_1522] : memref<25600xi32, #tpu.memory_space<vmem>> -> memref<80xi32, #tpu.memory_space<vmem>>
      %dma_wait3A_1529 = arith.constant 0 : i32
      %dma_wait3A_1530 = arith.constant 0 : i32
      %dma_wait3A_1531 = tpu.memref_slice %arg3[%dma_wait3A_1529, %dma_wait3A_1530] : memref<100000x128xf32, #tpu.memory_space<hbm>> -> memref<100000x128xf32, #tpu.memory_space<hbm>>
      tpu.wait_indirect_dma semaphore(%arg15 : memref<!tpu.dma_semaphore, #tpu.memory_space<semaphore_mem>>) src(%dma_wait3A_1531 : memref<100000x128xf32, #tpu.memory_space<hbm>>) dst(%dma_wait3A_1527 : memref<80x128xf32, #tpu.memory_space<vmem>>)
      %mul3A_1532 = arith.constant 80 : i32
      %mul3A_1533 = arith.muli %add3A_1489, %mul3A_1532 : i32
      %add3A_1534 = arith.addi %mul3A_2, %mul3A_1533 : i32
      %dma_start3A_1535 = arith.constant 8 : i32
      %dma_start3A_1536 = arith.constant 0 : i32
      %dma_start3A_1537 = arith.constant 0 : i32
      %dma_start3A_1538 = tpu.memref_slice %arg6[%dma_start3A_1535, %dma_start3A_1536, %dma_start3A_1537] : memref<10x80x128xf32, #tpu.memory_space<vmem>> -> memref<1x80x128xf32, #tpu.memory_space<vmem>>
      %dma_start3A_1539 = tpu.memref_squeeze %dma_start3A_1538 : memref<1x80x128xf32, #tpu.memory_space<vmem>> -> memref<80x128xf32, #tpu.memory_space<vmem>>
      %dma_start3A_1540 = arith.constant 0 : i32
      %dma_start3A_1541 = tpu.memref_slice %arg4[%add3A_1534, %dma_start3A_1540] : memref<819200x128xf32, #tpu.memory_space<hbm>> -> memref<80x128xf32, #tpu.memory_space<hbm>>
      %dma_start3A_1542 = arith.constant 0 : i32
      %dma_start3A_1543 = tpu.memref_slice %arg4[%add3A_1534, %dma_start3A_1542] : memref<819200x128xf32, #tpu.memory_space<hbm>> -> memref<80x128xf32, #tpu.memory_space<hbm>>
      %dma_start3A_1544 = arith.constant 0 : i32
      %dma_start3A_1545 = arith.constant 0 : i32
      %dma_start3A_1546 = tpu.memref_slice %arg6[%dma_start3A_1535, %dma_start3A_1544, %dma_start3A_1545] : memref<10x80x128xf32, #tpu.memory_space<vmem>> -> memref<1x80x128xf32, #tpu.memory_space<vmem>>
      %dma_start3A_1547 = tpu.memref_squeeze %dma_start3A_1546 : memref<1x80x128xf32, #tpu.memory_space<vmem>> -> memref<80x128xf32, #tpu.memory_space<vmem>>
      tpu.enqueue_dma source(%dma_start3A_1547 : memref<80x128xf32, #tpu.memory_space<vmem>>) target(%dma_start3A_1543 : memref<80x128xf32, #tpu.memory_space<hbm>>) target_semaphore(%arg25 : memref<!tpu.dma_semaphore, #tpu.memory_space<semaphore_mem>>)
      %add3A_1548 = arith.constant 9 : i32
      %add3A_1549 = arith.addi %mul3A_1008, %add3A_1548 : i32
      %add3A_1550 = arith.constant 4 : i32
      %add3A_1551 = arith.addi %add3A_1549, %add3A_1550 : i32
      %sub3A_1552 = arith.constant 10 : i32
      %sub3A_1553 = arith.subi %add3A_1551, %sub3A_1552 : i32
      %mul3A_1554 = arith.constant 80 : i32
      %mul3A_1555 = arith.muli %sub3A_1553, %mul3A_1554 : i32
      %add3A_1556 = arith.addi %mul3A_2, %mul3A_1555 : i32
      %dma_wait3A_1557 = arith.constant 3 : i32
      %dma_wait3A_1558 = arith.constant 0 : i32
      %dma_wait3A_1559 = arith.constant 0 : i32
      %dma_wait3A_1560 = tpu.memref_slice %arg6[%dma_wait3A_1557, %dma_wait3A_1558, %dma_wait3A_1559] : memref<10x80x128xf32, #tpu.memory_space<vmem>> -> memref<1x80x128xf32, #tpu.memory_space<vmem>>
      %dma_wait3A_1561 = tpu.memref_squeeze %dma_wait3A_1560 : memref<1x80x128xf32, #tpu.memory_space<vmem>> -> memref<80x128xf32, #tpu.memory_space<vmem>>
      %dma_wait3A_1562 = arith.constant 0 : i32
      %dma_wait3A_1563 = tpu.memref_slice %arg4[%add3A_1556, %dma_wait3A_1562] : memref<819200x128xf32, #tpu.memory_space<hbm>> -> memref<80x128xf32, #tpu.memory_space<hbm>>
      %dma_wait3A_1564 = arith.constant 0 : i32
      %dma_wait3A_1565 = tpu.memref_slice %arg4[%add3A_1556, %dma_wait3A_1564] : memref<819200x128xf32, #tpu.memory_space<hbm>> -> memref<80x128xf32, #tpu.memory_space<hbm>>
      %dma_wait3A_1566 = arith.constant 0 : i32
      %dma_wait3A_1567 = arith.constant 0 : i32
      %dma_wait3A_1568 = tpu.memref_slice %arg6[%dma_wait3A_1557, %dma_wait3A_1566, %dma_wait3A_1567] : memref<10x80x128xf32, #tpu.memory_space<vmem>> -> memref<1x80x128xf32, #tpu.memory_space<vmem>>
      %dma_wait3A_1569 = tpu.memref_squeeze %dma_wait3A_1568 : memref<1x80x128xf32, #tpu.memory_space<vmem>> -> memref<80x128xf32, #tpu.memory_space<vmem>>
      tpu.wait_dma2 semaphore(%arg20 : memref<!tpu.dma_semaphore, #tpu.memory_space<semaphore_mem>>) src(%dma_wait3A_1569 : memref<80x128xf32, #tpu.memory_space<vmem>>) dst(%dma_wait3A_1565 : memref<80x128xf32, #tpu.memory_space<hbm>>)
      %mul3A_1570 = arith.constant 80 : i32
      %mul3A_1571 = arith.muli %add3A_1551, %mul3A_1570 : i32
      %dma_start3A_1572 = arith.constant 3 : i32
      %dma_start3A_1573 = arith.constant 0 : i32
      %dma_start3A_1574 = arith.constant 0 : i32
      %dma_start3A_1575 = tpu.memref_slice %arg6[%dma_start3A_1572, %dma_start3A_1573, %dma_start3A_1574] : memref<10x80x128xf32, #tpu.memory_space<vmem>> -> memref<1x80x128xf32, #tpu.memory_space<vmem>>
      %dma_start3A_1576 = tpu.memref_squeeze %dma_start3A_1575 : memref<1x80x128xf32, #tpu.memory_space<vmem>> -> memref<80x128xf32, #tpu.memory_space<vmem>>
      %dma_start3A_1577 = tpu.memref_slice %arg5[%mul3A_1571] : memref<25600xi32, #tpu.memory_space<vmem>> -> memref<80xi32, #tpu.memory_space<vmem>>
      %dma_start3A_1578 = arith.constant 0 : i32
      %dma_start3A_1579 = arith.constant 0 : i32
      %dma_start3A_1580 = tpu.memref_slice %arg3[%dma_start3A_1578, %dma_start3A_1579] : memref<100000x128xf32, #tpu.memory_space<hbm>> -> memref<100000x128xf32, #tpu.memory_space<hbm>>
      tpu.enqueue_indirect_dma source(%dma_start3A_1580 : memref<100000x128xf32, #tpu.memory_space<hbm>>) target(%dma_start3A_1576 : memref<80x128xf32, #tpu.memory_space<vmem>>) offsets(%dma_start3A_1577 : memref<80xi32, #tpu.memory_space<vmem>>) semaphore(%arg10 : memref<!tpu.dma_semaphore, #tpu.memory_space<semaphore_mem>>)
      %mul3A_1581 = arith.constant 80 : i32
      %mul3A_1582 = arith.muli %add3A_1549, %mul3A_1581 : i32
      %dma_wait3A_1583 = arith.constant 9 : i32
      %dma_wait3A_1584 = arith.constant 0 : i32
      %dma_wait3A_1585 = arith.constant 0 : i32
      %dma_wait3A_1586 = tpu.memref_slice %arg6[%dma_wait3A_1583, %dma_wait3A_1584, %dma_wait3A_1585] : memref<10x80x128xf32, #tpu.memory_space<vmem>> -> memref<1x80x128xf32, #tpu.memory_space<vmem>>
      %dma_wait3A_1587 = tpu.memref_squeeze %dma_wait3A_1586 : memref<1x80x128xf32, #tpu.memory_space<vmem>> -> memref<80x128xf32, #tpu.memory_space<vmem>>
      %dma_wait3A_1588 = tpu.memref_slice %arg5[%mul3A_1582] : memref<25600xi32, #tpu.memory_space<vmem>> -> memref<80xi32, #tpu.memory_space<vmem>>
      %dma_wait3A_1589 = arith.constant 0 : i32
      %dma_wait3A_1590 = arith.constant 0 : i32
      %dma_wait3A_1591 = tpu.memref_slice %arg3[%dma_wait3A_1589, %dma_wait3A_1590] : memref<100000x128xf32, #tpu.memory_space<hbm>> -> memref<100000x128xf32, #tpu.memory_space<hbm>>
      tpu.wait_indirect_dma semaphore(%arg16 : memref<!tpu.dma_semaphore, #tpu.memory_space<semaphore_mem>>) src(%dma_wait3A_1591 : memref<100000x128xf32, #tpu.memory_space<hbm>>) dst(%dma_wait3A_1587 : memref<80x128xf32, #tpu.memory_space<vmem>>)
      %mul3A_1592 = arith.constant 80 : i32
      %mul3A_1593 = arith.muli %add3A_1549, %mul3A_1592 : i32
      %add3A_1594 = arith.addi %mul3A_2, %mul3A_1593 : i32
      %dma_start3A_1595 = arith.constant 9 : i32
      %dma_start3A_1596 = arith.constant 0 : i32
      %dma_start3A_1597 = arith.constant 0 : i32
      %dma_start3A_1598 = tpu.memref_slice %arg6[%dma_start3A_1595, %dma_start3A_1596, %dma_start3A_1597] : memref<10x80x128xf32, #tpu.memory_space<vmem>> -> memref<1x80x128xf32, #tpu.memory_space<vmem>>
      %dma_start3A_1599 = tpu.memref_squeeze %dma_start3A_1598 : memref<1x80x128xf32, #tpu.memory_space<vmem>> -> memref<80x128xf32, #tpu.memory_space<vmem>>
      %dma_start3A_1600 = arith.constant 0 : i32
      %dma_start3A_1601 = tpu.memref_slice %arg4[%add3A_1594, %dma_start3A_1600] : memref<819200x128xf32, #tpu.memory_space<hbm>> -> memref<80x128xf32, #tpu.memory_space<hbm>>
      %dma_start3A_1602 = arith.constant 0 : i32
      %dma_start3A_1603 = tpu.memref_slice %arg4[%add3A_1594, %dma_start3A_1602] : memref<819200x128xf32, #tpu.memory_space<hbm>> -> memref<80x128xf32, #tpu.memory_space<hbm>>
      %dma_start3A_1604 = arith.constant 0 : i32
      %dma_start3A_1605 = arith.constant 0 : i32
      %dma_start3A_1606 = tpu.memref_slice %arg6[%dma_start3A_1595, %dma_start3A_1604, %dma_start3A_1605] : memref<10x80x128xf32, #tpu.memory_space<vmem>> -> memref<1x80x128xf32, #tpu.memory_space<vmem>>
      %dma_start3A_1607 = tpu.memref_squeeze %dma_start3A_1606 : memref<1x80x128xf32, #tpu.memory_space<vmem>> -> memref<80x128xf32, #tpu.memory_space<vmem>>
      tpu.enqueue_dma source(%dma_start3A_1607 : memref<80x128xf32, #tpu.memory_space<vmem>>) target(%dma_start3A_1603 : memref<80x128xf32, #tpu.memory_space<hbm>>) target_semaphore(%arg26 : memref<!tpu.dma_semaphore, #tpu.memory_space<semaphore_mem>>)
    }
    %scan3A_455 = arith.constant 30 : i32
    %add3A_456 = arith.constant 24320 : i32
    %add3A_457 = arith.addi %mul3A_2, %add3A_456 : i32
    %dma_wait3A_458 = arith.constant 4 : i32
    %dma_wait3A_459 = arith.constant 0 : i32
    %dma_wait3A_460 = arith.constant 0 : i32
    %dma_wait3A_461 = tpu.memref_slice %arg6[%dma_wait3A_458, %dma_wait3A_459, %dma_wait3A_460] : memref<10x80x128xf32, #tpu.memory_space<vmem>> -> memref<1x80x128xf32, #tpu.memory_space<vmem>>
    %dma_wait3A_462 = tpu.memref_squeeze %dma_wait3A_461 : memref<1x80x128xf32, #tpu.memory_space<vmem>> -> memref<80x128xf32, #tpu.memory_space<vmem>>
    %dma_wait3A_463 = arith.constant 0 : i32
    %dma_wait3A_464 = tpu.memref_slice %arg4[%add3A_457, %dma_wait3A_463] : memref<819200x128xf32, #tpu.memory_space<hbm>> -> memref<80x128xf32, #tpu.memory_space<hbm>>
    %dma_wait3A_465 = arith.constant 0 : i32
    %dma_wait3A_466 = tpu.memref_slice %arg4[%add3A_457, %dma_wait3A_465] : memref<819200x128xf32, #tpu.memory_space<hbm>> -> memref<80x128xf32, #tpu.memory_space<hbm>>
    %dma_wait3A_467 = arith.constant 0 : i32
    %dma_wait3A_468 = arith.constant 0 : i32
    %dma_wait3A_469 = tpu.memref_slice %arg6[%dma_wait3A_458, %dma_wait3A_467, %dma_wait3A_468] : memref<10x80x128xf32, #tpu.memory_space<vmem>> -> memref<1x80x128xf32, #tpu.memory_space<vmem>>
    %dma_wait3A_470 = tpu.memref_squeeze %dma_wait3A_469 : memref<1x80x128xf32, #tpu.memory_space<vmem>> -> memref<80x128xf32, #tpu.memory_space<vmem>>
    tpu.wait_dma2 semaphore(%arg21 : memref<!tpu.dma_semaphore, #tpu.memory_space<semaphore_mem>>) src(%dma_wait3A_470 : memref<80x128xf32, #tpu.memory_space<vmem>>) dst(%dma_wait3A_466 : memref<80x128xf32, #tpu.memory_space<hbm>>)
    %dma_start3A_471 = arith.constant 4 : i32
    %dma_start3A_472 = arith.constant 0 : i32
    %dma_start3A_473 = arith.constant 0 : i32
    %dma_start3A_474 = tpu.memref_slice %arg6[%dma_start3A_471, %dma_start3A_472, %dma_start3A_473] : memref<10x80x128xf32, #tpu.memory_space<vmem>> -> memref<1x80x128xf32, #tpu.memory_space<vmem>>
    %dma_start3A_475 = tpu.memref_squeeze %dma_start3A_474 : memref<1x80x128xf32, #tpu.memory_space<vmem>> -> memref<80x128xf32, #tpu.memory_space<vmem>>
    %dma_start3A_476 = arith.constant 25120 : i32
    %dma_start3A_477 = tpu.memref_slice %arg5[%dma_start3A_476] : memref<25600xi32, #tpu.memory_space<vmem>> -> memref<80xi32, #tpu.memory_space<vmem>>
    %dma_start3A_478 = arith.constant 0 : i32
    %dma_start3A_479 = arith.constant 0 : i32
    %dma_start3A_480 = tpu.memref_slice %arg3[%dma_start3A_478, %dma_start3A_479] : memref<100000x128xf32, #tpu.memory_space<hbm>> -> memref<100000x128xf32, #tpu.memory_space<hbm>>
    tpu.enqueue_indirect_dma source(%dma_start3A_480 : memref<100000x128xf32, #tpu.memory_space<hbm>>) target(%dma_start3A_475 : memref<80x128xf32, #tpu.memory_space<vmem>>) offsets(%dma_start3A_477 : memref<80xi32, #tpu.memory_space<vmem>>) semaphore(%arg11 : memref<!tpu.dma_semaphore, #tpu.memory_space<semaphore_mem>>)
    %dma_wait3A_481 = arith.constant 0 : i32
    %dma_wait3A_482 = arith.constant 0 : i32
    %dma_wait3A_483 = arith.constant 0 : i32
    %dma_wait3A_484 = tpu.memref_slice %arg6[%dma_wait3A_481, %dma_wait3A_482, %dma_wait3A_483] : memref<10x80x128xf32, #tpu.memory_space<vmem>> -> memref<1x80x128xf32, #tpu.memory_space<vmem>>
    %dma_wait3A_485 = tpu.memref_squeeze %dma_wait3A_484 : memref<1x80x128xf32, #tpu.memory_space<vmem>> -> memref<80x128xf32, #tpu.memory_space<vmem>>
    %dma_wait3A_486 = arith.constant 24800 : i32
    %dma_wait3A_487 = tpu.memref_slice %arg5[%dma_wait3A_486] : memref<25600xi32, #tpu.memory_space<vmem>> -> memref<80xi32, #tpu.memory_space<vmem>>
    %dma_wait3A_488 = arith.constant 0 : i32
    %dma_wait3A_489 = arith.constant 0 : i32
    %dma_wait3A_490 = tpu.memref_slice %arg3[%dma_wait3A_488, %dma_wait3A_489] : memref<100000x128xf32, #tpu.memory_space<hbm>> -> memref<100000x128xf32, #tpu.memory_space<hbm>>
    tpu.wait_indirect_dma semaphore(%arg7 : memref<!tpu.dma_semaphore, #tpu.memory_space<semaphore_mem>>) src(%dma_wait3A_490 : memref<100000x128xf32, #tpu.memory_space<hbm>>) dst(%dma_wait3A_485 : memref<80x128xf32, #tpu.memory_space<vmem>>)
    %add3A_491 = arith.constant 24800 : i32
    %add3A_492 = arith.addi %mul3A_2, %add3A_491 : i32
    %dma_start3A_493 = arith.constant 0 : i32
    %dma_start3A_494 = arith.constant 0 : i32
    %dma_start3A_495 = arith.constant 0 : i32
    %dma_start3A_496 = tpu.memref_slice %arg6[%dma_start3A_493, %dma_start3A_494, %dma_start3A_495] : memref<10x80x128xf32, #tpu.memory_space<vmem>> -> memref<1x80x128xf32, #tpu.memory_space<vmem>>
    %dma_start3A_497 = tpu.memref_squeeze %dma_start3A_496 : memref<1x80x128xf32, #tpu.memory_space<vmem>> -> memref<80x128xf32, #tpu.memory_space<vmem>>
    %dma_start3A_498 = arith.constant 0 : i32
    %dma_start3A_499 = tpu.memref_slice %arg4[%add3A_492, %dma_start3A_498] : memref<819200x128xf32, #tpu.memory_space<hbm>> -> memref<80x128xf32, #tpu.memory_space<hbm>>
    %dma_start3A_500 = arith.constant 0 : i32
    %dma_start3A_501 = tpu.memref_slice %arg4[%add3A_492, %dma_start3A_500] : memref<819200x128xf32, #tpu.memory_space<hbm>> -> memref<80x128xf32, #tpu.memory_space<hbm>>
    %dma_start3A_502 = arith.constant 0 : i32
    %dma_start3A_503 = arith.constant 0 : i32
    %dma_start3A_504 = tpu.memref_slice %arg6[%dma_start3A_493, %dma_start3A_502, %dma_start3A_503] : memref<10x80x128xf32, #tpu.memory_space<vmem>> -> memref<1x80x128xf32, #tpu.memory_space<vmem>>
    %dma_start3A_505 = tpu.memref_squeeze %dma_start3A_504 : memref<1x80x128xf32, #tpu.memory_space<vmem>> -> memref<80x128xf32, #tpu.memory_space<vmem>>
    tpu.enqueue_dma source(%dma_start3A_505 : memref<80x128xf32, #tpu.memory_space<vmem>>) target(%dma_start3A_501 : memref<80x128xf32, #tpu.memory_space<hbm>>) target_semaphore(%arg17 : memref<!tpu.dma_semaphore, #tpu.memory_space<semaphore_mem>>)
    %add3A_506 = arith.constant 24400 : i32
    %add3A_507 = arith.addi %mul3A_2, %add3A_506 : i32
    %dma_wait3A_508 = arith.constant 5 : i32
    %dma_wait3A_509 = arith.constant 0 : i32
    %dma_wait3A_510 = arith.constant 0 : i32
    %dma_wait3A_511 = tpu.memref_slice %arg6[%dma_wait3A_508, %dma_wait3A_509, %dma_wait3A_510] : memref<10x80x128xf32, #tpu.memory_space<vmem>> -> memref<1x80x128xf32, #tpu.memory_space<vmem>>
    %dma_wait3A_512 = tpu.memref_squeeze %dma_wait3A_511 : memref<1x80x128xf32, #tpu.memory_space<vmem>> -> memref<80x128xf32, #tpu.memory_space<vmem>>
    %dma_wait3A_513 = arith.constant 0 : i32
    %dma_wait3A_514 = tpu.memref_slice %arg4[%add3A_507, %dma_wait3A_513] : memref<819200x128xf32, #tpu.memory_space<hbm>> -> memref<80x128xf32, #tpu.memory_space<hbm>>
    %dma_wait3A_515 = arith.constant 0 : i32
    %dma_wait3A_516 = tpu.memref_slice %arg4[%add3A_507, %dma_wait3A_515] : memref<819200x128xf32, #tpu.memory_space<hbm>> -> memref<80x128xf32, #tpu.memory_space<hbm>>
    %dma_wait3A_517 = arith.constant 0 : i32
    %dma_wait3A_518 = arith.constant 0 : i32
    %dma_wait3A_519 = tpu.memref_slice %arg6[%dma_wait3A_508, %dma_wait3A_517, %dma_wait3A_518] : memref<10x80x128xf32, #tpu.memory_space<vmem>> -> memref<1x80x128xf32, #tpu.memory_space<vmem>>
    %dma_wait3A_520 = tpu.memref_squeeze %dma_wait3A_519 : memref<1x80x128xf32, #tpu.memory_space<vmem>> -> memref<80x128xf32, #tpu.memory_space<vmem>>
    tpu.wait_dma2 semaphore(%arg22 : memref<!tpu.dma_semaphore, #tpu.memory_space<semaphore_mem>>) src(%dma_wait3A_520 : memref<80x128xf32, #tpu.memory_space<vmem>>) dst(%dma_wait3A_516 : memref<80x128xf32, #tpu.memory_space<hbm>>)
    %dma_start3A_521 = arith.constant 5 : i32
    %dma_start3A_522 = arith.constant 0 : i32
    %dma_start3A_523 = arith.constant 0 : i32
    %dma_start3A_524 = tpu.memref_slice %arg6[%dma_start3A_521, %dma_start3A_522, %dma_start3A_523] : memref<10x80x128xf32, #tpu.memory_space<vmem>> -> memref<1x80x128xf32, #tpu.memory_space<vmem>>
    %dma_start3A_525 = tpu.memref_squeeze %dma_start3A_524 : memref<1x80x128xf32, #tpu.memory_space<vmem>> -> memref<80x128xf32, #tpu.memory_space<vmem>>
    %dma_start3A_526 = arith.constant 25200 : i32
    %dma_start3A_527 = tpu.memref_slice %arg5[%dma_start3A_526] : memref<25600xi32, #tpu.memory_space<vmem>> -> memref<80xi32, #tpu.memory_space<vmem>>
    %dma_start3A_528 = arith.constant 0 : i32
    %dma_start3A_529 = arith.constant 0 : i32
    %dma_start3A_530 = tpu.memref_slice %arg3[%dma_start3A_528, %dma_start3A_529] : memref<100000x128xf32, #tpu.memory_space<hbm>> -> memref<100000x128xf32, #tpu.memory_space<hbm>>
    tpu.enqueue_indirect_dma source(%dma_start3A_530 : memref<100000x128xf32, #tpu.memory_space<hbm>>) target(%dma_start3A_525 : memref<80x128xf32, #tpu.memory_space<vmem>>) offsets(%dma_start3A_527 : memref<80xi32, #tpu.memory_space<vmem>>) semaphore(%arg12 : memref<!tpu.dma_semaphore, #tpu.memory_space<semaphore_mem>>)
    %dma_wait3A_531 = arith.constant 1 : i32
    %dma_wait3A_532 = arith.constant 0 : i32
    %dma_wait3A_533 = arith.constant 0 : i32
    %dma_wait3A_534 = tpu.memref_slice %arg6[%dma_wait3A_531, %dma_wait3A_532, %dma_wait3A_533] : memref<10x80x128xf32, #tpu.memory_space<vmem>> -> memref<1x80x128xf32, #tpu.memory_space<vmem>>
    %dma_wait3A_535 = tpu.memref_squeeze %dma_wait3A_534 : memref<1x80x128xf32, #tpu.memory_space<vmem>> -> memref<80x128xf32, #tpu.memory_space<vmem>>
    %dma_wait3A_536 = arith.constant 24880 : i32
    %dma_wait3A_537 = tpu.memref_slice %arg5[%dma_wait3A_536] : memref<25600xi32, #tpu.memory_space<vmem>> -> memref<80xi32, #tpu.memory_space<vmem>>
    %dma_wait3A_538 = arith.constant 0 : i32
    %dma_wait3A_539 = arith.constant 0 : i32
    %dma_wait3A_540 = tpu.memref_slice %arg3[%dma_wait3A_538, %dma_wait3A_539] : memref<100000x128xf32, #tpu.memory_space<hbm>> -> memref<100000x128xf32, #tpu.memory_space<hbm>>
    tpu.wait_indirect_dma semaphore(%arg8 : memref<!tpu.dma_semaphore, #tpu.memory_space<semaphore_mem>>) src(%dma_wait3A_540 : memref<100000x128xf32, #tpu.memory_space<hbm>>) dst(%dma_wait3A_535 : memref<80x128xf32, #tpu.memory_space<vmem>>)
    %add3A_541 = arith.constant 24880 : i32
    %add3A_542 = arith.addi %mul3A_2, %add3A_541 : i32
    %dma_start3A_543 = arith.constant 1 : i32
    %dma_start3A_544 = arith.constant 0 : i32
    %dma_start3A_545 = arith.constant 0 : i32
    %dma_start3A_546 = tpu.memref_slice %arg6[%dma_start3A_543, %dma_start3A_544, %dma_start3A_545] : memref<10x80x128xf32, #tpu.memory_space<vmem>> -> memref<1x80x128xf32, #tpu.memory_space<vmem>>
    %dma_start3A_547 = tpu.memref_squeeze %dma_start3A_546 : memref<1x80x128xf32, #tpu.memory_space<vmem>> -> memref<80x128xf32, #tpu.memory_space<vmem>>
    %dma_start3A_548 = arith.constant 0 : i32
    %dma_start3A_549 = tpu.memref_slice %arg4[%add3A_542, %dma_start3A_548] : memref<819200x128xf32, #tpu.memory_space<hbm>> -> memref<80x128xf32, #tpu.memory_space<hbm>>
    %dma_start3A_550 = arith.constant 0 : i32
    %dma_start3A_551 = tpu.memref_slice %arg4[%add3A_542, %dma_start3A_550] : memref<819200x128xf32, #tpu.memory_space<hbm>> -> memref<80x128xf32, #tpu.memory_space<hbm>>
    %dma_start3A_552 = arith.constant 0 : i32
    %dma_start3A_553 = arith.constant 0 : i32
    %dma_start3A_554 = tpu.memref_slice %arg6[%dma_start3A_543, %dma_start3A_552, %dma_start3A_553] : memref<10x80x128xf32, #tpu.memory_space<vmem>> -> memref<1x80x128xf32, #tpu.memory_space<vmem>>
    %dma_start3A_555 = tpu.memref_squeeze %dma_start3A_554 : memref<1x80x128xf32, #tpu.memory_space<vmem>> -> memref<80x128xf32, #tpu.memory_space<vmem>>
    tpu.enqueue_dma source(%dma_start3A_555 : memref<80x128xf32, #tpu.memory_space<vmem>>) target(%dma_start3A_551 : memref<80x128xf32, #tpu.memory_space<hbm>>) target_semaphore(%arg18 : memref<!tpu.dma_semaphore, #tpu.memory_space<semaphore_mem>>)
    %add3A_556 = arith.constant 24480 : i32
    %add3A_557 = arith.addi %mul3A_2, %add3A_556 : i32
    %dma_wait3A_558 = arith.constant 6 : i32
    %dma_wait3A_559 = arith.constant 0 : i32
    %dma_wait3A_560 = arith.constant 0 : i32
    %dma_wait3A_561 = tpu.memref_slice %arg6[%dma_wait3A_558, %dma_wait3A_559, %dma_wait3A_560] : memref<10x80x128xf32, #tpu.memory_space<vmem>> -> memref<1x80x128xf32, #tpu.memory_space<vmem>>
    %dma_wait3A_562 = tpu.memref_squeeze %dma_wait3A_561 : memref<1x80x128xf32, #tpu.memory_space<vmem>> -> memref<80x128xf32, #tpu.memory_space<vmem>>
    %dma_wait3A_563 = arith.constant 0 : i32
    %dma_wait3A_564 = tpu.memref_slice %arg4[%add3A_557, %dma_wait3A_563] : memref<819200x128xf32, #tpu.memory_space<hbm>> -> memref<80x128xf32, #tpu.memory_space<hbm>>
    %dma_wait3A_565 = arith.constant 0 : i32
    %dma_wait3A_566 = tpu.memref_slice %arg4[%add3A_557, %dma_wait3A_565] : memref<819200x128xf32, #tpu.memory_space<hbm>> -> memref<80x128xf32, #tpu.memory_space<hbm>>
    %dma_wait3A_567 = arith.constant 0 : i32
    %dma_wait3A_568 = arith.constant 0 : i32
    %dma_wait3A_569 = tpu.memref_slice %arg6[%dma_wait3A_558, %dma_wait3A_567, %dma_wait3A_568] : memref<10x80x128xf32, #tpu.memory_space<vmem>> -> memref<1x80x128xf32, #tpu.memory_space<vmem>>
    %dma_wait3A_570 = tpu.memref_squeeze %dma_wait3A_569 : memref<1x80x128xf32, #tpu.memory_space<vmem>> -> memref<80x128xf32, #tpu.memory_space<vmem>>
    tpu.wait_dma2 semaphore(%arg23 : memref<!tpu.dma_semaphore, #tpu.memory_space<semaphore_mem>>) src(%dma_wait3A_570 : memref<80x128xf32, #tpu.memory_space<vmem>>) dst(%dma_wait3A_566 : memref<80x128xf32, #tpu.memory_space<hbm>>)
    %dma_start3A_571 = arith.constant 6 : i32
    %dma_start3A_572 = arith.constant 0 : i32
    %dma_start3A_573 = arith.constant 0 : i32
    %dma_start3A_574 = tpu.memref_slice %arg6[%dma_start3A_571, %dma_start3A_572, %dma_start3A_573] : memref<10x80x128xf32, #tpu.memory_space<vmem>> -> memref<1x80x128xf32, #tpu.memory_space<vmem>>
    %dma_start3A_575 = tpu.memref_squeeze %dma_start3A_574 : memref<1x80x128xf32, #tpu.memory_space<vmem>> -> memref<80x128xf32, #tpu.memory_space<vmem>>
    %dma_start3A_576 = arith.constant 25280 : i32
    %dma_start3A_577 = tpu.memref_slice %arg5[%dma_start3A_576] : memref<25600xi32, #tpu.memory_space<vmem>> -> memref<80xi32, #tpu.memory_space<vmem>>
    %dma_start3A_578 = arith.constant 0 : i32
    %dma_start3A_579 = arith.constant 0 : i32
    %dma_start3A_580 = tpu.memref_slice %arg3[%dma_start3A_578, %dma_start3A_579] : memref<100000x128xf32, #tpu.memory_space<hbm>> -> memref<100000x128xf32, #tpu.memory_space<hbm>>
    tpu.enqueue_indirect_dma source(%dma_start3A_580 : memref<100000x128xf32, #tpu.memory_space<hbm>>) target(%dma_start3A_575 : memref<80x128xf32, #tpu.memory_space<vmem>>) offsets(%dma_start3A_577 : memref<80xi32, #tpu.memory_space<vmem>>) semaphore(%arg13 : memref<!tpu.dma_semaphore, #tpu.memory_space<semaphore_mem>>)
    %dma_wait3A_581 = arith.constant 2 : i32
    %dma_wait3A_582 = arith.constant 0 : i32
    %dma_wait3A_583 = arith.constant 0 : i32
    %dma_wait3A_584 = tpu.memref_slice %arg6[%dma_wait3A_581, %dma_wait3A_582, %dma_wait3A_583] : memref<10x80x128xf32, #tpu.memory_space<vmem>> -> memref<1x80x128xf32, #tpu.memory_space<vmem>>
    %dma_wait3A_585 = tpu.memref_squeeze %dma_wait3A_584 : memref<1x80x128xf32, #tpu.memory_space<vmem>> -> memref<80x128xf32, #tpu.memory_space<vmem>>
    %dma_wait3A_586 = arith.constant 24960 : i32
    %dma_wait3A_587 = tpu.memref_slice %arg5[%dma_wait3A_586] : memref<25600xi32, #tpu.memory_space<vmem>> -> memref<80xi32, #tpu.memory_space<vmem>>
    %dma_wait3A_588 = arith.constant 0 : i32
    %dma_wait3A_589 = arith.constant 0 : i32
    %dma_wait3A_590 = tpu.memref_slice %arg3[%dma_wait3A_588, %dma_wait3A_589] : memref<100000x128xf32, #tpu.memory_space<hbm>> -> memref<100000x128xf32, #tpu.memory_space<hbm>>
    tpu.wait_indirect_dma semaphore(%arg9 : memref<!tpu.dma_semaphore, #tpu.memory_space<semaphore_mem>>) src(%dma_wait3A_590 : memref<100000x128xf32, #tpu.memory_space<hbm>>) dst(%dma_wait3A_585 : memref<80x128xf32, #tpu.memory_space<vmem>>)
    %add3A_591 = arith.constant 24960 : i32
    %add3A_592 = arith.addi %mul3A_2, %add3A_591 : i32
    %dma_start3A_593 = arith.constant 2 : i32
    %dma_start3A_594 = arith.constant 0 : i32
    %dma_start3A_595 = arith.constant 0 : i32
    %dma_start3A_596 = tpu.memref_slice %arg6[%dma_start3A_593, %dma_start3A_594, %dma_start3A_595] : memref<10x80x128xf32, #tpu.memory_space<vmem>> -> memref<1x80x128xf32, #tpu.memory_space<vmem>>
    %dma_start3A_597 = tpu.memref_squeeze %dma_start3A_596 : memref<1x80x128xf32, #tpu.memory_space<vmem>> -> memref<80x128xf32, #tpu.memory_space<vmem>>
    %dma_start3A_598 = arith.constant 0 : i32
    %dma_start3A_599 = tpu.memref_slice %arg4[%add3A_592, %dma_start3A_598] : memref<819200x128xf32, #tpu.memory_space<hbm>> -> memref<80x128xf32, #tpu.memory_space<hbm>>
    %dma_start3A_600 = arith.constant 0 : i32
    %dma_start3A_601 = tpu.memref_slice %arg4[%add3A_592, %dma_start3A_600] : memref<819200x128xf32, #tpu.memory_space<hbm>> -> memref<80x128xf32, #tpu.memory_space<hbm>>
    %dma_start3A_602 = arith.constant 0 : i32
    %dma_start3A_603 = arith.constant 0 : i32
    %dma_start3A_604 = tpu.memref_slice %arg6[%dma_start3A_593, %dma_start3A_602, %dma_start3A_603] : memref<10x80x128xf32, #tpu.memory_space<vmem>> -> memref<1x80x128xf32, #tpu.memory_space<vmem>>
    %dma_start3A_605 = tpu.memref_squeeze %dma_start3A_604 : memref<1x80x128xf32, #tpu.memory_space<vmem>> -> memref<80x128xf32, #tpu.memory_space<vmem>>
    tpu.enqueue_dma source(%dma_start3A_605 : memref<80x128xf32, #tpu.memory_space<vmem>>) target(%dma_start3A_601 : memref<80x128xf32, #tpu.memory_space<hbm>>) target_semaphore(%arg19 : memref<!tpu.dma_semaphore, #tpu.memory_space<semaphore_mem>>)
    %add3A_606 = arith.constant 24560 : i32
    %add3A_607 = arith.addi %mul3A_2, %add3A_606 : i32
    %dma_wait3A_608 = arith.constant 7 : i32
    %dma_wait3A_609 = arith.constant 0 : i32
    %dma_wait3A_610 = arith.constant 0 : i32
    %dma_wait3A_611 = tpu.memref_slice %arg6[%dma_wait3A_608, %dma_wait3A_609, %dma_wait3A_610] : memref<10x80x128xf32, #tpu.memory_space<vmem>> -> memref<1x80x128xf32, #tpu.memory_space<vmem>>
    %dma_wait3A_612 = tpu.memref_squeeze %dma_wait3A_611 : memref<1x80x128xf32, #tpu.memory_space<vmem>> -> memref<80x128xf32, #tpu.memory_space<vmem>>
    %dma_wait3A_613 = arith.constant 0 : i32
    %dma_wait3A_614 = tpu.memref_slice %arg4[%add3A_607, %dma_wait3A_613] : memref<819200x128xf32, #tpu.memory_space<hbm>> -> memref<80x128xf32, #tpu.memory_space<hbm>>
    %dma_wait3A_615 = arith.constant 0 : i32
    %dma_wait3A_616 = tpu.memref_slice %arg4[%add3A_607, %dma_wait3A_615] : memref<819200x128xf32, #tpu.memory_space<hbm>> -> memref<80x128xf32, #tpu.memory_space<hbm>>
    %dma_wait3A_617 = arith.constant 0 : i32
    %dma_wait3A_618 = arith.constant 0 : i32
    %dma_wait3A_619 = tpu.memref_slice %arg6[%dma_wait3A_608, %dma_wait3A_617, %dma_wait3A_618] : memref<10x80x128xf32, #tpu.memory_space<vmem>> -> memref<1x80x128xf32, #tpu.memory_space<vmem>>
    %dma_wait3A_620 = tpu.memref_squeeze %dma_wait3A_619 : memref<1x80x128xf32, #tpu.memory_space<vmem>> -> memref<80x128xf32, #tpu.memory_space<vmem>>
    tpu.wait_dma2 semaphore(%arg24 : memref<!tpu.dma_semaphore, #tpu.memory_space<semaphore_mem>>) src(%dma_wait3A_620 : memref<80x128xf32, #tpu.memory_space<vmem>>) dst(%dma_wait3A_616 : memref<80x128xf32, #tpu.memory_space<hbm>>)
    %dma_start3A_621 = arith.constant 7 : i32
    %dma_start3A_622 = arith.constant 0 : i32
    %dma_start3A_623 = arith.constant 0 : i32
    %dma_start3A_624 = tpu.memref_slice %arg6[%dma_start3A_621, %dma_start3A_622, %dma_start3A_623] : memref<10x80x128xf32, #tpu.memory_space<vmem>> -> memref<1x80x128xf32, #tpu.memory_space<vmem>>
    %dma_start3A_625 = tpu.memref_squeeze %dma_start3A_624 : memref<1x80x128xf32, #tpu.memory_space<vmem>> -> memref<80x128xf32, #tpu.memory_space<vmem>>
    %dma_start3A_626 = arith.constant 25360 : i32
    %dma_start3A_627 = tpu.memref_slice %arg5[%dma_start3A_626] : memref<25600xi32, #tpu.memory_space<vmem>> -> memref<80xi32, #tpu.memory_space<vmem>>
    %dma_start3A_628 = arith.constant 0 : i32
    %dma_start3A_629 = arith.constant 0 : i32
    %dma_start3A_630 = tpu.memref_slice %arg3[%dma_start3A_628, %dma_start3A_629] : memref<100000x128xf32, #tpu.memory_space<hbm>> -> memref<100000x128xf32, #tpu.memory_space<hbm>>
    tpu.enqueue_indirect_dma source(%dma_start3A_630 : memref<100000x128xf32, #tpu.memory_space<hbm>>) target(%dma_start3A_625 : memref<80x128xf32, #tpu.memory_space<vmem>>) offsets(%dma_start3A_627 : memref<80xi32, #tpu.memory_space<vmem>>) semaphore(%arg14 : memref<!tpu.dma_semaphore, #tpu.memory_space<semaphore_mem>>)
    %dma_wait3A_631 = arith.constant 3 : i32
    %dma_wait3A_632 = arith.constant 0 : i32
    %dma_wait3A_633 = arith.constant 0 : i32
    %dma_wait3A_634 = tpu.memref_slice %arg6[%dma_wait3A_631, %dma_wait3A_632, %dma_wait3A_633] : memref<10x80x128xf32, #tpu.memory_space<vmem>> -> memref<1x80x128xf32, #tpu.memory_space<vmem>>
    %dma_wait3A_635 = tpu.memref_squeeze %dma_wait3A_634 : memref<1x80x128xf32, #tpu.memory_space<vmem>> -> memref<80x128xf32, #tpu.memory_space<vmem>>
    %dma_wait3A_636 = arith.constant 25040 : i32
    %dma_wait3A_637 = tpu.memref_slice %arg5[%dma_wait3A_636] : memref<25600xi32, #tpu.memory_space<vmem>> -> memref<80xi32, #tpu.memory_space<vmem>>
    %dma_wait3A_638 = arith.constant 0 : i32
    %dma_wait3A_639 = arith.constant 0 : i32
    %dma_wait3A_640 = tpu.memref_slice %arg3[%dma_wait3A_638, %dma_wait3A_639] : memref<100000x128xf32, #tpu.memory_space<hbm>> -> memref<100000x128xf32, #tpu.memory_space<hbm>>
    tpu.wait_indirect_dma semaphore(%arg10 : memref<!tpu.dma_semaphore, #tpu.memory_space<semaphore_mem>>) src(%dma_wait3A_640 : memref<100000x128xf32, #tpu.memory_space<hbm>>) dst(%dma_wait3A_635 : memref<80x128xf32, #tpu.memory_space<vmem>>)
    %add3A_641 = arith.constant 25040 : i32
    %add3A_642 = arith.addi %mul3A_2, %add3A_641 : i32
    %dma_start3A_643 = arith.constant 3 : i32
    %dma_start3A_644 = arith.constant 0 : i32
    %dma_start3A_645 = arith.constant 0 : i32
    %dma_start3A_646 = tpu.memref_slice %arg6[%dma_start3A_643, %dma_start3A_644, %dma_start3A_645] : memref<10x80x128xf32, #tpu.memory_space<vmem>> -> memref<1x80x128xf32, #tpu.memory_space<vmem>>
    %dma_start3A_647 = tpu.memref_squeeze %dma_start3A_646 : memref<1x80x128xf32, #tpu.memory_space<vmem>> -> memref<80x128xf32, #tpu.memory_space<vmem>>
    %dma_start3A_648 = arith.constant 0 : i32
    %dma_start3A_649 = tpu.memref_slice %arg4[%add3A_642, %dma_start3A_648] : memref<819200x128xf32, #tpu.memory_space<hbm>> -> memref<80x128xf32, #tpu.memory_space<hbm>>
    %dma_start3A_650 = arith.constant 0 : i32
    %dma_start3A_651 = tpu.memref_slice %arg4[%add3A_642, %dma_start3A_650] : memref<819200x128xf32, #tpu.memory_space<hbm>> -> memref<80x128xf32, #tpu.memory_space<hbm>>
    %dma_start3A_652 = arith.constant 0 : i32
    %dma_start3A_653 = arith.constant 0 : i32
    %dma_start3A_654 = tpu.memref_slice %arg6[%dma_start3A_643, %dma_start3A_652, %dma_start3A_653] : memref<10x80x128xf32, #tpu.memory_space<vmem>> -> memref<1x80x128xf32, #tpu.memory_space<vmem>>
    %dma_start3A_655 = tpu.memref_squeeze %dma_start3A_654 : memref<1x80x128xf32, #tpu.memory_space<vmem>> -> memref<80x128xf32, #tpu.memory_space<vmem>>
    tpu.enqueue_dma source(%dma_start3A_655 : memref<80x128xf32, #tpu.memory_space<vmem>>) target(%dma_start3A_651 : memref<80x128xf32, #tpu.memory_space<hbm>>) target_semaphore(%arg20 : memref<!tpu.dma_semaphore, #tpu.memory_space<semaphore_mem>>)
    %add3A_656 = arith.constant 24640 : i32
    %add3A_657 = arith.addi %mul3A_2, %add3A_656 : i32
    %dma_wait3A_658 = arith.constant 8 : i32
    %dma_wait3A_659 = arith.constant 0 : i32
    %dma_wait3A_660 = arith.constant 0 : i32
    %dma_wait3A_661 = tpu.memref_slice %arg6[%dma_wait3A_658, %dma_wait3A_659, %dma_wait3A_660] : memref<10x80x128xf32, #tpu.memory_space<vmem>> -> memref<1x80x128xf32, #tpu.memory_space<vmem>>
    %dma_wait3A_662 = tpu.memref_squeeze %dma_wait3A_661 : memref<1x80x128xf32, #tpu.memory_space<vmem>> -> memref<80x128xf32, #tpu.memory_space<vmem>>
    %dma_wait3A_663 = arith.constant 0 : i32
    %dma_wait3A_664 = tpu.memref_slice %arg4[%add3A_657, %dma_wait3A_663] : memref<819200x128xf32, #tpu.memory_space<hbm>> -> memref<80x128xf32, #tpu.memory_space<hbm>>
    %dma_wait3A_665 = arith.constant 0 : i32
    %dma_wait3A_666 = tpu.memref_slice %arg4[%add3A_657, %dma_wait3A_665] : memref<819200x128xf32, #tpu.memory_space<hbm>> -> memref<80x128xf32, #tpu.memory_space<hbm>>
    %dma_wait3A_667 = arith.constant 0 : i32
    %dma_wait3A_668 = arith.constant 0 : i32
    %dma_wait3A_669 = tpu.memref_slice %arg6[%dma_wait3A_658, %dma_wait3A_667, %dma_wait3A_668] : memref<10x80x128xf32, #tpu.memory_space<vmem>> -> memref<1x80x128xf32, #tpu.memory_space<vmem>>
    %dma_wait3A_670 = tpu.memref_squeeze %dma_wait3A_669 : memref<1x80x128xf32, #tpu.memory_space<vmem>> -> memref<80x128xf32, #tpu.memory_space<vmem>>
    tpu.wait_dma2 semaphore(%arg25 : memref<!tpu.dma_semaphore, #tpu.memory_space<semaphore_mem>>) src(%dma_wait3A_670 : memref<80x128xf32, #tpu.memory_space<vmem>>) dst(%dma_wait3A_666 : memref<80x128xf32, #tpu.memory_space<hbm>>)
    %dma_start3A_671 = arith.constant 8 : i32
    %dma_start3A_672 = arith.constant 0 : i32
    %dma_start3A_673 = arith.constant 0 : i32
    %dma_start3A_674 = tpu.memref_slice %arg6[%dma_start3A_671, %dma_start3A_672, %dma_start3A_673] : memref<10x80x128xf32, #tpu.memory_space<vmem>> -> memref<1x80x128xf32, #tpu.memory_space<vmem>>
    %dma_start3A_675 = tpu.memref_squeeze %dma_start3A_674 : memref<1x80x128xf32, #tpu.memory_space<vmem>> -> memref<80x128xf32, #tpu.memory_space<vmem>>
    %dma_start3A_676 = arith.constant 25440 : i32
    %dma_start3A_677 = tpu.memref_slice %arg5[%dma_start3A_676] : memref<25600xi32, #tpu.memory_space<vmem>> -> memref<80xi32, #tpu.memory_space<vmem>>
    %dma_start3A_678 = arith.constant 0 : i32
    %dma_start3A_679 = arith.constant 0 : i32
    %dma_start3A_680 = tpu.memref_slice %arg3[%dma_start3A_678, %dma_start3A_679] : memref<100000x128xf32, #tpu.memory_space<hbm>> -> memref<100000x128xf32, #tpu.memory_space<hbm>>
    tpu.enqueue_indirect_dma source(%dma_start3A_680 : memref<100000x128xf32, #tpu.memory_space<hbm>>) target(%dma_start3A_675 : memref<80x128xf32, #tpu.memory_space<vmem>>) offsets(%dma_start3A_677 : memref<80xi32, #tpu.memory_space<vmem>>) semaphore(%arg15 : memref<!tpu.dma_semaphore, #tpu.memory_space<semaphore_mem>>)
    %dma_wait3A_681 = arith.constant 4 : i32
    %dma_wait3A_682 = arith.constant 0 : i32
    %dma_wait3A_683 = arith.constant 0 : i32
    %dma_wait3A_684 = tpu.memref_slice %arg6[%dma_wait3A_681, %dma_wait3A_682, %dma_wait3A_683] : memref<10x80x128xf32, #tpu.memory_space<vmem>> -> memref<1x80x128xf32, #tpu.memory_space<vmem>>
    %dma_wait3A_685 = tpu.memref_squeeze %dma_wait3A_684 : memref<1x80x128xf32, #tpu.memory_space<vmem>> -> memref<80x128xf32, #tpu.memory_space<vmem>>
    %dma_wait3A_686 = arith.constant 25120 : i32
    %dma_wait3A_687 = tpu.memref_slice %arg5[%dma_wait3A_686] : memref<25600xi32, #tpu.memory_space<vmem>> -> memref<80xi32, #tpu.memory_space<vmem>>
    %dma_wait3A_688 = arith.constant 0 : i32
    %dma_wait3A_689 = arith.constant 0 : i32
    %dma_wait3A_690 = tpu.memref_slice %arg3[%dma_wait3A_688, %dma_wait3A_689] : memref<100000x128xf32, #tpu.memory_space<hbm>> -> memref<100000x128xf32, #tpu.memory_space<hbm>>
    tpu.wait_indirect_dma semaphore(%arg11 : memref<!tpu.dma_semaphore, #tpu.memory_space<semaphore_mem>>) src(%dma_wait3A_690 : memref<100000x128xf32, #tpu.memory_space<hbm>>) dst(%dma_wait3A_685 : memref<80x128xf32, #tpu.memory_space<vmem>>)
    %add3A_691 = arith.constant 25120 : i32
    %add3A_692 = arith.addi %mul3A_2, %add3A_691 : i32
    %dma_start3A_693 = arith.constant 4 : i32
    %dma_start3A_694 = arith.constant 0 : i32
    %dma_start3A_695 = arith.constant 0 : i32
    %dma_start3A_696 = tpu.memref_slice %arg6[%dma_start3A_693, %dma_start3A_694, %dma_start3A_695] : memref<10x80x128xf32, #tpu.memory_space<vmem>> -> memref<1x80x128xf32, #tpu.memory_space<vmem>>
    %dma_start3A_697 = tpu.memref_squeeze %dma_start3A_696 : memref<1x80x128xf32, #tpu.memory_space<vmem>> -> memref<80x128xf32, #tpu.memory_space<vmem>>
    %dma_start3A_698 = arith.constant 0 : i32
    %dma_start3A_699 = tpu.memref_slice %arg4[%add3A_692, %dma_start3A_698] : memref<819200x128xf32, #tpu.memory_space<hbm>> -> memref<80x128xf32, #tpu.memory_space<hbm>>
    %dma_start3A_700 = arith.constant 0 : i32
    %dma_start3A_701 = tpu.memref_slice %arg4[%add3A_692, %dma_start3A_700] : memref<819200x128xf32, #tpu.memory_space<hbm>> -> memref<80x128xf32, #tpu.memory_space<hbm>>
    %dma_start3A_702 = arith.constant 0 : i32
    %dma_start3A_703 = arith.constant 0 : i32
    %dma_start3A_704 = tpu.memref_slice %arg6[%dma_start3A_693, %dma_start3A_702, %dma_start3A_703] : memref<10x80x128xf32, #tpu.memory_space<vmem>> -> memref<1x80x128xf32, #tpu.memory_space<vmem>>
    %dma_start3A_705 = tpu.memref_squeeze %dma_start3A_704 : memref<1x80x128xf32, #tpu.memory_space<vmem>> -> memref<80x128xf32, #tpu.memory_space<vmem>>
    tpu.enqueue_dma source(%dma_start3A_705 : memref<80x128xf32, #tpu.memory_space<vmem>>) target(%dma_start3A_701 : memref<80x128xf32, #tpu.memory_space<hbm>>) target_semaphore(%arg21 : memref<!tpu.dma_semaphore, #tpu.memory_space<semaphore_mem>>)
    %add3A_706 = arith.constant 24720 : i32
    %add3A_707 = arith.addi %mul3A_2, %add3A_706 : i32
    %dma_wait3A_708 = arith.constant 9 : i32
    %dma_wait3A_709 = arith.constant 0 : i32
    %dma_wait3A_710 = arith.constant 0 : i32
    %dma_wait3A_711 = tpu.memref_slice %arg6[%dma_wait3A_708, %dma_wait3A_709, %dma_wait3A_710] : memref<10x80x128xf32, #tpu.memory_space<vmem>> -> memref<1x80x128xf32, #tpu.memory_space<vmem>>
    %dma_wait3A_712 = tpu.memref_squeeze %dma_wait3A_711 : memref<1x80x128xf32, #tpu.memory_space<vmem>> -> memref<80x128xf32, #tpu.memory_space<vmem>>
    %dma_wait3A_713 = arith.constant 0 : i32
    %dma_wait3A_714 = tpu.memref_slice %arg4[%add3A_707, %dma_wait3A_713] : memref<819200x128xf32, #tpu.memory_space<hbm>> -> memref<80x128xf32, #tpu.memory_space<hbm>>
    %dma_wait3A_715 = arith.constant 0 : i32
    %dma_wait3A_716 = tpu.memref_slice %arg4[%add3A_707, %dma_wait3A_715] : memref<819200x128xf32, #tpu.memory_space<hbm>> -> memref<80x128xf32, #tpu.memory_space<hbm>>
    %dma_wait3A_717 = arith.constant 0 : i32
    %dma_wait3A_718 = arith.constant 0 : i32
    %dma_wait3A_719 = tpu.memref_slice %arg6[%dma_wait3A_708, %dma_wait3A_717, %dma_wait3A_718] : memref<10x80x128xf32, #tpu.memory_space<vmem>> -> memref<1x80x128xf32, #tpu.memory_space<vmem>>
    %dma_wait3A_720 = tpu.memref_squeeze %dma_wait3A_719 : memref<1x80x128xf32, #tpu.memory_space<vmem>> -> memref<80x128xf32, #tpu.memory_space<vmem>>
    tpu.wait_dma2 semaphore(%arg26 : memref<!tpu.dma_semaphore, #tpu.memory_space<semaphore_mem>>) src(%dma_wait3A_720 : memref<80x128xf32, #tpu.memory_space<vmem>>) dst(%dma_wait3A_716 : memref<80x128xf32, #tpu.memory_space<hbm>>)
    %dma_start3A_721 = arith.constant 9 : i32
    %dma_start3A_722 = arith.constant 0 : i32
    %dma_start3A_723 = arith.constant 0 : i32
    %dma_start3A_724 = tpu.memref_slice %arg6[%dma_start3A_721, %dma_start3A_722, %dma_start3A_723] : memref<10x80x128xf32, #tpu.memory_space<vmem>> -> memref<1x80x128xf32, #tpu.memory_space<vmem>>
    %dma_start3A_725 = tpu.memref_squeeze %dma_start3A_724 : memref<1x80x128xf32, #tpu.memory_space<vmem>> -> memref<80x128xf32, #tpu.memory_space<vmem>>
    %dma_start3A_726 = arith.constant 25520 : i32
    %dma_start3A_727 = tpu.memref_slice %arg5[%dma_start3A_726] : memref<25600xi32, #tpu.memory_space<vmem>> -> memref<80xi32, #tpu.memory_space<vmem>>
    %dma_start3A_728 = arith.constant 0 : i32
    %dma_start3A_729 = arith.constant 0 : i32
    %dma_start3A_730 = tpu.memref_slice %arg3[%dma_start3A_728, %dma_start3A_729] : memref<100000x128xf32, #tpu.memory_space<hbm>> -> memref<100000x128xf32, #tpu.memory_space<hbm>>
    tpu.enqueue_indirect_dma source(%dma_start3A_730 : memref<100000x128xf32, #tpu.memory_space<hbm>>) target(%dma_start3A_725 : memref<80x128xf32, #tpu.memory_space<vmem>>) offsets(%dma_start3A_727 : memref<80xi32, #tpu.memory_space<vmem>>) semaphore(%arg16 : memref<!tpu.dma_semaphore, #tpu.memory_space<semaphore_mem>>)
    %dma_wait3A_731 = arith.constant 5 : i32
    %dma_wait3A_732 = arith.constant 0 : i32
    %dma_wait3A_733 = arith.constant 0 : i32
    %dma_wait3A_734 = tpu.memref_slice %arg6[%dma_wait3A_731, %dma_wait3A_732, %dma_wait3A_733] : memref<10x80x128xf32, #tpu.memory_space<vmem>> -> memref<1x80x128xf32, #tpu.memory_space<vmem>>
    %dma_wait3A_735 = tpu.memref_squeeze %dma_wait3A_734 : memref<1x80x128xf32, #tpu.memory_space<vmem>> -> memref<80x128xf32, #tpu.memory_space<vmem>>
    %dma_wait3A_736 = arith.constant 25200 : i32
    %dma_wait3A_737 = tpu.memref_slice %arg5[%dma_wait3A_736] : memref<25600xi32, #tpu.memory_space<vmem>> -> memref<80xi32, #tpu.memory_space<vmem>>
    %dma_wait3A_738 = arith.constant 0 : i32
    %dma_wait3A_739 = arith.constant 0 : i32
    %dma_wait3A_740 = tpu.memref_slice %arg3[%dma_wait3A_738, %dma_wait3A_739] : memref<100000x128xf32, #tpu.memory_space<hbm>> -> memref<100000x128xf32, #tpu.memory_space<hbm>>
    tpu.wait_indirect_dma semaphore(%arg12 : memref<!tpu.dma_semaphore, #tpu.memory_space<semaphore_mem>>) src(%dma_wait3A_740 : memref<100000x128xf32, #tpu.memory_space<hbm>>) dst(%dma_wait3A_735 : memref<80x128xf32, #tpu.memory_space<vmem>>)
    %add3A_741 = arith.constant 25200 : i32
    %add3A_742 = arith.addi %mul3A_2, %add3A_741 : i32
    %dma_start3A_743 = arith.constant 5 : i32
    %dma_start3A_744 = arith.constant 0 : i32
    %dma_start3A_745 = arith.constant 0 : i32
    %dma_start3A_746 = tpu.memref_slice %arg6[%dma_start3A_743, %dma_start3A_744, %dma_start3A_745] : memref<10x80x128xf32, #tpu.memory_space<vmem>> -> memref<1x80x128xf32, #tpu.memory_space<vmem>>
    %dma_start3A_747 = tpu.memref_squeeze %dma_start3A_746 : memref<1x80x128xf32, #tpu.memory_space<vmem>> -> memref<80x128xf32, #tpu.memory_space<vmem>>
    %dma_start3A_748 = arith.constant 0 : i32
    %dma_start3A_749 = tpu.memref_slice %arg4[%add3A_742, %dma_start3A_748] : memref<819200x128xf32, #tpu.memory_space<hbm>> -> memref<80x128xf32, #tpu.memory_space<hbm>>
    %dma_start3A_750 = arith.constant 0 : i32
    %dma_start3A_751 = tpu.memref_slice %arg4[%add3A_742, %dma_start3A_750] : memref<819200x128xf32, #tpu.memory_space<hbm>> -> memref<80x128xf32, #tpu.memory_space<hbm>>
    %dma_start3A_752 = arith.constant 0 : i32
    %dma_start3A_753 = arith.constant 0 : i32
    %dma_start3A_754 = tpu.memref_slice %arg6[%dma_start3A_743, %dma_start3A_752, %dma_start3A_753] : memref<10x80x128xf32, #tpu.memory_space<vmem>> -> memref<1x80x128xf32, #tpu.memory_space<vmem>>
    %dma_start3A_755 = tpu.memref_squeeze %dma_start3A_754 : memref<1x80x128xf32, #tpu.memory_space<vmem>> -> memref<80x128xf32, #tpu.memory_space<vmem>>
    tpu.enqueue_dma source(%dma_start3A_755 : memref<80x128xf32, #tpu.memory_space<vmem>>) target(%dma_start3A_751 : memref<80x128xf32, #tpu.memory_space<hbm>>) target_semaphore(%arg22 : memref<!tpu.dma_semaphore, #tpu.memory_space<semaphore_mem>>)
    %dma_wait3A_756 = arith.constant 6 : i32
    %dma_wait3A_757 = arith.constant 0 : i32
    %dma_wait3A_758 = arith.constant 0 : i32
    %dma_wait3A_759 = tpu.memref_slice %arg6[%dma_wait3A_756, %dma_wait3A_757, %dma_wait3A_758] : memref<10x80x128xf32, #tpu.memory_space<vmem>> -> memref<1x80x128xf32, #tpu.memory_space<vmem>>
    %dma_wait3A_760 = tpu.memref_squeeze %dma_wait3A_759 : memref<1x80x128xf32, #tpu.memory_space<vmem>> -> memref<80x128xf32, #tpu.memory_space<vmem>>
    %dma_wait3A_761 = arith.constant 25280 : i32
    %dma_wait3A_762 = tpu.memref_slice %arg5[%dma_wait3A_761] : memref<25600xi32, #tpu.memory_space<vmem>> -> memref<80xi32, #tpu.memory_space<vmem>>
    %dma_wait3A_763 = arith.constant 0 : i32
    %dma_wait3A_764 = arith.constant 0 : i32
    %dma_wait3A_765 = tpu.memref_slice %arg3[%dma_wait3A_763, %dma_wait3A_764] : memref<100000x128xf32, #tpu.memory_space<hbm>> -> memref<100000x128xf32, #tpu.memory_space<hbm>>
    tpu.wait_indirect_dma semaphore(%arg13 : memref<!tpu.dma_semaphore, #tpu.memory_space<semaphore_mem>>) src(%dma_wait3A_765 : memref<100000x128xf32, #tpu.memory_space<hbm>>) dst(%dma_wait3A_760 : memref<80x128xf32, #tpu.memory_space<vmem>>)
    %add3A_766 = arith.constant 25280 : i32
    %add3A_767 = arith.addi %mul3A_2, %add3A_766 : i32
    %dma_start3A_768 = arith.constant 6 : i32
    %dma_start3A_769 = arith.constant 0 : i32
    %dma_start3A_770 = arith.constant 0 : i32
    %dma_start3A_771 = tpu.memref_slice %arg6[%dma_start3A_768, %dma_start3A_769, %dma_start3A_770] : memref<10x80x128xf32, #tpu.memory_space<vmem>> -> memref<1x80x128xf32, #tpu.memory_space<vmem>>
    %dma_start3A_772 = tpu.memref_squeeze %dma_start3A_771 : memref<1x80x128xf32, #tpu.memory_space<vmem>> -> memref<80x128xf32, #tpu.memory_space<vmem>>
    %dma_start3A_773 = arith.constant 0 : i32
    %dma_start3A_774 = tpu.memref_slice %arg4[%add3A_767, %dma_start3A_773] : memref<819200x128xf32, #tpu.memory_space<hbm>> -> memref<80x128xf32, #tpu.memory_space<hbm>>
    %dma_start3A_775 = arith.constant 0 : i32
    %dma_start3A_776 = tpu.memref_slice %arg4[%add3A_767, %dma_start3A_775] : memref<819200x128xf32, #tpu.memory_space<hbm>> -> memref<80x128xf32, #tpu.memory_space<hbm>>
    %dma_start3A_777 = arith.constant 0 : i32
    %dma_start3A_778 = arith.constant 0 : i32
    %dma_start3A_779 = tpu.memref_slice %arg6[%dma_start3A_768, %dma_start3A_777, %dma_start3A_778] : memref<10x80x128xf32, #tpu.memory_space<vmem>> -> memref<1x80x128xf32, #tpu.memory_space<vmem>>
    %dma_start3A_780 = tpu.memref_squeeze %dma_start3A_779 : memref<1x80x128xf32, #tpu.memory_space<vmem>> -> memref<80x128xf32, #tpu.memory_space<vmem>>
    tpu.enqueue_dma source(%dma_start3A_780 : memref<80x128xf32, #tpu.memory_space<vmem>>) target(%dma_start3A_776 : memref<80x128xf32, #tpu.memory_space<hbm>>) target_semaphore(%arg23 : memref<!tpu.dma_semaphore, #tpu.memory_space<semaphore_mem>>)
    %dma_wait3A_781 = arith.constant 7 : i32
    %dma_wait3A_782 = arith.constant 0 : i32
    %dma_wait3A_783 = arith.constant 0 : i32
    %dma_wait3A_784 = tpu.memref_slice %arg6[%dma_wait3A_781, %dma_wait3A_782, %dma_wait3A_783] : memref<10x80x128xf32, #tpu.memory_space<vmem>> -> memref<1x80x128xf32, #tpu.memory_space<vmem>>
    %dma_wait3A_785 = tpu.memref_squeeze %dma_wait3A_784 : memref<1x80x128xf32, #tpu.memory_space<vmem>> -> memref<80x128xf32, #tpu.memory_space<vmem>>
    %dma_wait3A_786 = arith.constant 25360 : i32
    %dma_wait3A_787 = tpu.memref_slice %arg5[%dma_wait3A_786] : memref<25600xi32, #tpu.memory_space<vmem>> -> memref<80xi32, #tpu.memory_space<vmem>>
    %dma_wait3A_788 = arith.constant 0 : i32
    %dma_wait3A_789 = arith.constant 0 : i32
    %dma_wait3A_790 = tpu.memref_slice %arg3[%dma_wait3A_788, %dma_wait3A_789] : memref<100000x128xf32, #tpu.memory_space<hbm>> -> memref<100000x128xf32, #tpu.memory_space<hbm>>
    tpu.wait_indirect_dma semaphore(%arg14 : memref<!tpu.dma_semaphore, #tpu.memory_space<semaphore_mem>>) src(%dma_wait3A_790 : memref<100000x128xf32, #tpu.memory_space<hbm>>) dst(%dma_wait3A_785 : memref<80x128xf32, #tpu.memory_space<vmem>>)
    %add3A_791 = arith.constant 25360 : i32
    %add3A_792 = arith.addi %mul3A_2, %add3A_791 : i32
    %dma_start3A_793 = arith.constant 7 : i32
    %dma_start3A_794 = arith.constant 0 : i32
    %dma_start3A_795 = arith.constant 0 : i32
    %dma_start3A_796 = tpu.memref_slice %arg6[%dma_start3A_793, %dma_start3A_794, %dma_start3A_795] : memref<10x80x128xf32, #tpu.memory_space<vmem>> -> memref<1x80x128xf32, #tpu.memory_space<vmem>>
    %dma_start3A_797 = tpu.memref_squeeze %dma_start3A_796 : memref<1x80x128xf32, #tpu.memory_space<vmem>> -> memref<80x128xf32, #tpu.memory_space<vmem>>
    %dma_start3A_798 = arith.constant 0 : i32
    %dma_start3A_799 = tpu.memref_slice %arg4[%add3A_792, %dma_start3A_798] : memref<819200x128xf32, #tpu.memory_space<hbm>> -> memref<80x128xf32, #tpu.memory_space<hbm>>
    %dma_start3A_800 = arith.constant 0 : i32
    %dma_start3A_801 = tpu.memref_slice %arg4[%add3A_792, %dma_start3A_800] : memref<819200x128xf32, #tpu.memory_space<hbm>> -> memref<80x128xf32, #tpu.memory_space<hbm>>
    %dma_start3A_802 = arith.constant 0 : i32
    %dma_start3A_803 = arith.constant 0 : i32
    %dma_start3A_804 = tpu.memref_slice %arg6[%dma_start3A_793, %dma_start3A_802, %dma_start3A_803] : memref<10x80x128xf32, #tpu.memory_space<vmem>> -> memref<1x80x128xf32, #tpu.memory_space<vmem>>
    %dma_start3A_805 = tpu.memref_squeeze %dma_start3A_804 : memref<1x80x128xf32, #tpu.memory_space<vmem>> -> memref<80x128xf32, #tpu.memory_space<vmem>>
    tpu.enqueue_dma source(%dma_start3A_805 : memref<80x128xf32, #tpu.memory_space<vmem>>) target(%dma_start3A_801 : memref<80x128xf32, #tpu.memory_space<hbm>>) target_semaphore(%arg24 : memref<!tpu.dma_semaphore, #tpu.memory_space<semaphore_mem>>)
    %dma_wait3A_806 = arith.constant 8 : i32
    %dma_wait3A_807 = arith.constant 0 : i32
    %dma_wait3A_808 = arith.constant 0 : i32
    %dma_wait3A_809 = tpu.memref_slice %arg6[%dma_wait3A_806, %dma_wait3A_807, %dma_wait3A_808] : memref<10x80x128xf32, #tpu.memory_space<vmem>> -> memref<1x80x128xf32, #tpu.memory_space<vmem>>
    %dma_wait3A_810 = tpu.memref_squeeze %dma_wait3A_809 : memref<1x80x128xf32, #tpu.memory_space<vmem>> -> memref<80x128xf32, #tpu.memory_space<vmem>>
    %dma_wait3A_811 = arith.constant 25440 : i32
    %dma_wait3A_812 = tpu.memref_slice %arg5[%dma_wait3A_811] : memref<25600xi32, #tpu.memory_space<vmem>> -> memref<80xi32, #tpu.memory_space<vmem>>
    %dma_wait3A_813 = arith.constant 0 : i32
    %dma_wait3A_814 = arith.constant 0 : i32
    %dma_wait3A_815 = tpu.memref_slice %arg3[%dma_wait3A_813, %dma_wait3A_814] : memref<100000x128xf32, #tpu.memory_space<hbm>> -> memref<100000x128xf32, #tpu.memory_space<hbm>>
    tpu.wait_indirect_dma semaphore(%arg15 : memref<!tpu.dma_semaphore, #tpu.memory_space<semaphore_mem>>) src(%dma_wait3A_815 : memref<100000x128xf32, #tpu.memory_space<hbm>>) dst(%dma_wait3A_810 : memref<80x128xf32, #tpu.memory_space<vmem>>)
    %add3A_816 = arith.constant 25440 : i32
    %add3A_817 = arith.addi %mul3A_2, %add3A_816 : i32
    %dma_start3A_818 = arith.constant 8 : i32
    %dma_start3A_819 = arith.constant 0 : i32
    %dma_start3A_820 = arith.constant 0 : i32
    %dma_start3A_821 = tpu.memref_slice %arg6[%dma_start3A_818, %dma_start3A_819, %dma_start3A_820] : memref<10x80x128xf32, #tpu.memory_space<vmem>> -> memref<1x80x128xf32, #tpu.memory_space<vmem>>
    %dma_start3A_822 = tpu.memref_squeeze %dma_start3A_821 : memref<1x80x128xf32, #tpu.memory_space<vmem>> -> memref<80x128xf32, #tpu.memory_space<vmem>>
    %dma_start3A_823 = arith.constant 0 : i32
    %dma_start3A_824 = tpu.memref_slice %arg4[%add3A_817, %dma_start3A_823] : memref<819200x128xf32, #tpu.memory_space<hbm>> -> memref<80x128xf32, #tpu.memory_space<hbm>>
    %dma_start3A_825 = arith.constant 0 : i32
    %dma_start3A_826 = tpu.memref_slice %arg4[%add3A_817, %dma_start3A_825] : memref<819200x128xf32, #tpu.memory_space<hbm>> -> memref<80x128xf32, #tpu.memory_space<hbm>>
    %dma_start3A_827 = arith.constant 0 : i32
    %dma_start3A_828 = arith.constant 0 : i32
    %dma_start3A_829 = tpu.memref_slice %arg6[%dma_start3A_818, %dma_start3A_827, %dma_start3A_828] : memref<10x80x128xf32, #tpu.memory_space<vmem>> -> memref<1x80x128xf32, #tpu.memory_space<vmem>>
    %dma_start3A_830 = tpu.memref_squeeze %dma_start3A_829 : memref<1x80x128xf32, #tpu.memory_space<vmem>> -> memref<80x128xf32, #tpu.memory_space<vmem>>
    tpu.enqueue_dma source(%dma_start3A_830 : memref<80x128xf32, #tpu.memory_space<vmem>>) target(%dma_start3A_826 : memref<80x128xf32, #tpu.memory_space<hbm>>) target_semaphore(%arg25 : memref<!tpu.dma_semaphore, #tpu.memory_space<semaphore_mem>>)
    %dma_wait3A_831 = arith.constant 9 : i32
    %dma_wait3A_832 = arith.constant 0 : i32
    %dma_wait3A_833 = arith.constant 0 : i32
    %dma_wait3A_834 = tpu.memref_slice %arg6[%dma_wait3A_831, %dma_wait3A_832, %dma_wait3A_833] : memref<10x80x128xf32, #tpu.memory_space<vmem>> -> memref<1x80x128xf32, #tpu.memory_space<vmem>>
    %dma_wait3A_835 = tpu.memref_squeeze %dma_wait3A_834 : memref<1x80x128xf32, #tpu.memory_space<vmem>> -> memref<80x128xf32, #tpu.memory_space<vmem>>
    %dma_wait3A_836 = arith.constant 25520 : i32
    %dma_wait3A_837 = tpu.memref_slice %arg5[%dma_wait3A_836] : memref<25600xi32, #tpu.memory_space<vmem>> -> memref<80xi32, #tpu.memory_space<vmem>>
    %dma_wait3A_838 = arith.constant 0 : i32
    %dma_wait3A_839 = arith.constant 0 : i32
    %dma_wait3A_840 = tpu.memref_slice %arg3[%dma_wait3A_838, %dma_wait3A_839] : memref<100000x128xf32, #tpu.memory_space<hbm>> -> memref<100000x128xf32, #tpu.memory_space<hbm>>
    tpu.wait_indirect_dma semaphore(%arg16 : memref<!tpu.dma_semaphore, #tpu.memory_space<semaphore_mem>>) src(%dma_wait3A_840 : memref<100000x128xf32, #tpu.memory_space<hbm>>) dst(%dma_wait3A_835 : memref<80x128xf32, #tpu.memory_space<vmem>>)
    %add3A_841 = arith.constant 25520 : i32
    %add3A_842 = arith.addi %mul3A_2, %add3A_841 : i32
    %dma_start3A_843 = arith.constant 9 : i32
    %dma_start3A_844 = arith.constant 0 : i32
    %dma_start3A_845 = arith.constant 0 : i32
    %dma_start3A_846 = tpu.memref_slice %arg6[%dma_start3A_843, %dma_start3A_844, %dma_start3A_845] : memref<10x80x128xf32, #tpu.memory_space<vmem>> -> memref<1x80x128xf32, #tpu.memory_space<vmem>>
    %dma_start3A_847 = tpu.memref_squeeze %dma_start3A_846 : memref<1x80x128xf32, #tpu.memory_space<vmem>> -> memref<80x128xf32, #tpu.memory_space<vmem>>
    %dma_start3A_848 = arith.constant 0 : i32
    %dma_start3A_849 = tpu.memref_slice %arg4[%add3A_842, %dma_start3A_848] : memref<819200x128xf32, #tpu.memory_space<hbm>> -> memref<80x128xf32, #tpu.memory_space<hbm>>
    %dma_start3A_850 = arith.constant 0 : i32
    %dma_start3A_851 = tpu.memref_slice %arg4[%add3A_842, %dma_start3A_850] : memref<819200x128xf32, #tpu.memory_space<hbm>> -> memref<80x128xf32, #tpu.memory_space<hbm>>
    %dma_start3A_852 = arith.constant 0 : i32
    %dma_start3A_853 = arith.constant 0 : i32
    %dma_start3A_854 = tpu.memref_slice %arg6[%dma_start3A_843, %dma_start3A_852, %dma_start3A_853] : memref<10x80x128xf32, #tpu.memory_space<vmem>> -> memref<1x80x128xf32, #tpu.memory_space<vmem>>
    %dma_start3A_855 = tpu.memref_squeeze %dma_start3A_854 : memref<1x80x128xf32, #tpu.memory_space<vmem>> -> memref<80x128xf32, #tpu.memory_space<vmem>>
    tpu.enqueue_dma source(%dma_start3A_855 : memref<80x128xf32, #tpu.memory_space<vmem>>) target(%dma_start3A_851 : memref<80x128xf32, #tpu.memory_space<hbm>>) target_semaphore(%arg26 : memref<!tpu.dma_semaphore, #tpu.memory_space<semaphore_mem>>)
    %add3A_856 = arith.constant 24800 : i32
    %add3A_857 = arith.addi %mul3A_2, %add3A_856 : i32
    %dma_wait3A_858 = arith.constant 0 : i32
    %dma_wait3A_859 = arith.constant 0 : i32
    %dma_wait3A_860 = arith.constant 0 : i32
    %dma_wait3A_861 = tpu.memref_slice %arg6[%dma_wait3A_858, %dma_wait3A_859, %dma_wait3A_860] : memref<10x80x128xf32, #tpu.memory_space<vmem>> -> memref<1x80x128xf32, #tpu.memory_space<vmem>>
    %dma_wait3A_862 = tpu.memref_squeeze %dma_wait3A_861 : memref<1x80x128xf32, #tpu.memory_space<vmem>> -> memref<80x128xf32, #tpu.memory_space<vmem>>
    %dma_wait3A_863 = arith.constant 0 : i32
    %dma_wait3A_864 = tpu.memref_slice %arg4[%add3A_857, %dma_wait3A_863] : memref<819200x128xf32, #tpu.memory_space<hbm>> -> memref<80x128xf32, #tpu.memory_space<hbm>>
    %dma_wait3A_865 = arith.constant 0 : i32
    %dma_wait3A_866 = tpu.memref_slice %arg4[%add3A_857, %dma_wait3A_865] : memref<819200x128xf32, #tpu.memory_space<hbm>> -> memref<80x128xf32, #tpu.memory_space<hbm>>
    %dma_wait3A_867 = arith.constant 0 : i32
    %dma_wait3A_868 = arith.constant 0 : i32
    %dma_wait3A_869 = tpu.memref_slice %arg6[%dma_wait3A_858, %dma_wait3A_867, %dma_wait3A_868] : memref<10x80x128xf32, #tpu.memory_space<vmem>> -> memref<1x80x128xf32, #tpu.memory_space<vmem>>
    %dma_wait3A_870 = tpu.memref_squeeze %dma_wait3A_869 : memref<1x80x128xf32, #tpu.memory_space<vmem>> -> memref<80x128xf32, #tpu.memory_space<vmem>>
    tpu.wait_dma2 semaphore(%arg17 : memref<!tpu.dma_semaphore, #tpu.memory_space<semaphore_mem>>) src(%dma_wait3A_870 : memref<80x128xf32, #tpu.memory_space<vmem>>) dst(%dma_wait3A_866 : memref<80x128xf32, #tpu.memory_space<hbm>>)
    %add3A_871 = arith.constant 24880 : i32
    %add3A_872 = arith.addi %mul3A_2, %add3A_871 : i32
    %dma_wait3A_873 = arith.constant 1 : i32
    %dma_wait3A_874 = arith.constant 0 : i32
    %dma_wait3A_875 = arith.constant 0 : i32
    %dma_wait3A_876 = tpu.memref_slice %arg6[%dma_wait3A_873, %dma_wait3A_874, %dma_wait3A_875] : memref<10x80x128xf32, #tpu.memory_space<vmem>> -> memref<1x80x128xf32, #tpu.memory_space<vmem>>
    %dma_wait3A_877 = tpu.memref_squeeze %dma_wait3A_876 : memref<1x80x128xf32, #tpu.memory_space<vmem>> -> memref<80x128xf32, #tpu.memory_space<vmem>>
    %dma_wait3A_878 = arith.constant 0 : i32
    %dma_wait3A_879 = tpu.memref_slice %arg4[%add3A_872, %dma_wait3A_878] : memref<819200x128xf32, #tpu.memory_space<hbm>> -> memref<80x128xf32, #tpu.memory_space<hbm>>
    %dma_wait3A_880 = arith.constant 0 : i32
    %dma_wait3A_881 = tpu.memref_slice %arg4[%add3A_872, %dma_wait3A_880] : memref<819200x128xf32, #tpu.memory_space<hbm>> -> memref<80x128xf32, #tpu.memory_space<hbm>>
    %dma_wait3A_882 = arith.constant 0 : i32
    %dma_wait3A_883 = arith.constant 0 : i32
    %dma_wait3A_884 = tpu.memref_slice %arg6[%dma_wait3A_873, %dma_wait3A_882, %dma_wait3A_883] : memref<10x80x128xf32, #tpu.memory_space<vmem>> -> memref<1x80x128xf32, #tpu.memory_space<vmem>>
    %dma_wait3A_885 = tpu.memref_squeeze %dma_wait3A_884 : memref<1x80x128xf32, #tpu.memory_space<vmem>> -> memref<80x128xf32, #tpu.memory_space<vmem>>
    tpu.wait_dma2 semaphore(%arg18 : memref<!tpu.dma_semaphore, #tpu.memory_space<semaphore_mem>>) src(%dma_wait3A_885 : memref<80x128xf32, #tpu.memory_space<vmem>>) dst(%dma_wait3A_881 : memref<80x128xf32, #tpu.memory_space<hbm>>)
    %add3A_886 = arith.constant 24960 : i32
    %add3A_887 = arith.addi %mul3A_2, %add3A_886 : i32
    %dma_wait3A_888 = arith.constant 2 : i32
    %dma_wait3A_889 = arith.constant 0 : i32
    %dma_wait3A_890 = arith.constant 0 : i32
    %dma_wait3A_891 = tpu.memref_slice %arg6[%dma_wait3A_888, %dma_wait3A_889, %dma_wait3A_890] : memref<10x80x128xf32, #tpu.memory_space<vmem>> -> memref<1x80x128xf32, #tpu.memory_space<vmem>>
    %dma_wait3A_892 = tpu.memref_squeeze %dma_wait3A_891 : memref<1x80x128xf32, #tpu.memory_space<vmem>> -> memref<80x128xf32, #tpu.memory_space<vmem>>
    %dma_wait3A_893 = arith.constant 0 : i32
    %dma_wait3A_894 = tpu.memref_slice %arg4[%add3A_887, %dma_wait3A_893] : memref<819200x128xf32, #tpu.memory_space<hbm>> -> memref<80x128xf32, #tpu.memory_space<hbm>>
    %dma_wait3A_895 = arith.constant 0 : i32
    %dma_wait3A_896 = tpu.memref_slice %arg4[%add3A_887, %dma_wait3A_895] : memref<819200x128xf32, #tpu.memory_space<hbm>> -> memref<80x128xf32, #tpu.memory_space<hbm>>
    %dma_wait3A_897 = arith.constant 0 : i32
    %dma_wait3A_898 = arith.constant 0 : i32
    %dma_wait3A_899 = tpu.memref_slice %arg6[%dma_wait3A_888, %dma_wait3A_897, %dma_wait3A_898] : memref<10x80x128xf32, #tpu.memory_space<vmem>> -> memref<1x80x128xf32, #tpu.memory_space<vmem>>
    %dma_wait3A_900 = tpu.memref_squeeze %dma_wait3A_899 : memref<1x80x128xf32, #tpu.memory_space<vmem>> -> memref<80x128xf32, #tpu.memory_space<vmem>>
    tpu.wait_dma2 semaphore(%arg19 : memref<!tpu.dma_semaphore, #tpu.memory_space<semaphore_mem>>) src(%dma_wait3A_900 : memref<80x128xf32, #tpu.memory_space<vmem>>) dst(%dma_wait3A_896 : memref<80x128xf32, #tpu.memory_space<hbm>>)
    %add3A_901 = arith.constant 25040 : i32
    %add3A_902 = arith.addi %mul3A_2, %add3A_901 : i32
    %dma_wait3A_903 = arith.constant 3 : i32
    %dma_wait3A_904 = arith.constant 0 : i32
    %dma_wait3A_905 = arith.constant 0 : i32
    %dma_wait3A_906 = tpu.memref_slice %arg6[%dma_wait3A_903, %dma_wait3A_904, %dma_wait3A_905] : memref<10x80x128xf32, #tpu.memory_space<vmem>> -> memref<1x80x128xf32, #tpu.memory_space<vmem>>
    %dma_wait3A_907 = tpu.memref_squeeze %dma_wait3A_906 : memref<1x80x128xf32, #tpu.memory_space<vmem>> -> memref<80x128xf32, #tpu.memory_space<vmem>>
    %dma_wait3A_908 = arith.constant 0 : i32
    %dma_wait3A_909 = tpu.memref_slice %arg4[%add3A_902, %dma_wait3A_908] : memref<819200x128xf32, #tpu.memory_space<hbm>> -> memref<80x128xf32, #tpu.memory_space<hbm>>
    %dma_wait3A_910 = arith.constant 0 : i32
    %dma_wait3A_911 = tpu.memref_slice %arg4[%add3A_902, %dma_wait3A_910] : memref<819200x128xf32, #tpu.memory_space<hbm>> -> memref<80x128xf32, #tpu.memory_space<hbm>>
    %dma_wait3A_912 = arith.constant 0 : i32
    %dma_wait3A_913 = arith.constant 0 : i32
    %dma_wait3A_914 = tpu.memref_slice %arg6[%dma_wait3A_903, %dma_wait3A_912, %dma_wait3A_913] : memref<10x80x128xf32, #tpu.memory_space<vmem>> -> memref<1x80x128xf32, #tpu.memory_space<vmem>>
    %dma_wait3A_915 = tpu.memref_squeeze %dma_wait3A_914 : memref<1x80x128xf32, #tpu.memory_space<vmem>> -> memref<80x128xf32, #tpu.memory_space<vmem>>
    tpu.wait_dma2 semaphore(%arg20 : memref<!tpu.dma_semaphore, #tpu.memory_space<semaphore_mem>>) src(%dma_wait3A_915 : memref<80x128xf32, #tpu.memory_space<vmem>>) dst(%dma_wait3A_911 : memref<80x128xf32, #tpu.memory_space<hbm>>)
    %add3A_916 = arith.constant 25120 : i32
    %add3A_917 = arith.addi %mul3A_2, %add3A_916 : i32
    %dma_wait3A_918 = arith.constant 4 : i32
    %dma_wait3A_919 = arith.constant 0 : i32
    %dma_wait3A_920 = arith.constant 0 : i32
    %dma_wait3A_921 = tpu.memref_slice %arg6[%dma_wait3A_918, %dma_wait3A_919, %dma_wait3A_920] : memref<10x80x128xf32, #tpu.memory_space<vmem>> -> memref<1x80x128xf32, #tpu.memory_space<vmem>>
    %dma_wait3A_922 = tpu.memref_squeeze %dma_wait3A_921 : memref<1x80x128xf32, #tpu.memory_space<vmem>> -> memref<80x128xf32, #tpu.memory_space<vmem>>
    %dma_wait3A_923 = arith.constant 0 : i32
    %dma_wait3A_924 = tpu.memref_slice %arg4[%add3A_917, %dma_wait3A_923] : memref<819200x128xf32, #tpu.memory_space<hbm>> -> memref<80x128xf32, #tpu.memory_space<hbm>>
    %dma_wait3A_925 = arith.constant 0 : i32
    %dma_wait3A_926 = tpu.memref_slice %arg4[%add3A_917, %dma_wait3A_925] : memref<819200x128xf32, #tpu.memory_space<hbm>> -> memref<80x128xf32, #tpu.memory_space<hbm>>
    %dma_wait3A_927 = arith.constant 0 : i32
    %dma_wait3A_928 = arith.constant 0 : i32
    %dma_wait3A_929 = tpu.memref_slice %arg6[%dma_wait3A_918, %dma_wait3A_927, %dma_wait3A_928] : memref<10x80x128xf32, #tpu.memory_space<vmem>> -> memref<1x80x128xf32, #tpu.memory_space<vmem>>
    %dma_wait3A_930 = tpu.memref_squeeze %dma_wait3A_929 : memref<1x80x128xf32, #tpu.memory_space<vmem>> -> memref<80x128xf32, #tpu.memory_space<vmem>>
    tpu.wait_dma2 semaphore(%arg21 : memref<!tpu.dma_semaphore, #tpu.memory_space<semaphore_mem>>) src(%dma_wait3A_930 : memref<80x128xf32, #tpu.memory_space<vmem>>) dst(%dma_wait3A_926 : memref<80x128xf32, #tpu.memory_space<hbm>>)
    %add3A_931 = arith.constant 25200 : i32
    %add3A_932 = arith.addi %mul3A_2, %add3A_931 : i32
    %dma_wait3A_933 = arith.constant 5 : i32
    %dma_wait3A_934 = arith.constant 0 : i32
    %dma_wait3A_935 = arith.constant 0 : i32
    %dma_wait3A_936 = tpu.memref_slice %arg6[%dma_wait3A_933, %dma_wait3A_934, %dma_wait3A_935] : memref<10x80x128xf32, #tpu.memory_space<vmem>> -> memref<1x80x128xf32, #tpu.memory_space<vmem>>
    %dma_wait3A_937 = tpu.memref_squeeze %dma_wait3A_936 : memref<1x80x128xf32, #tpu.memory_space<vmem>> -> memref<80x128xf32, #tpu.memory_space<vmem>>
    %dma_wait3A_938 = arith.constant 0 : i32
    %dma_wait3A_939 = tpu.memref_slice %arg4[%add3A_932, %dma_wait3A_938] : memref<819200x128xf32, #tpu.memory_space<hbm>> -> memref<80x128xf32, #tpu.memory_space<hbm>>
    %dma_wait3A_940 = arith.constant 0 : i32
    %dma_wait3A_941 = tpu.memref_slice %arg4[%add3A_932, %dma_wait3A_940] : memref<819200x128xf32, #tpu.memory_space<hbm>> -> memref<80x128xf32, #tpu.memory_space<hbm>>
    %dma_wait3A_942 = arith.constant 0 : i32
    %dma_wait3A_943 = arith.constant 0 : i32
    %dma_wait3A_944 = tpu.memref_slice %arg6[%dma_wait3A_933, %dma_wait3A_942, %dma_wait3A_943] : memref<10x80x128xf32, #tpu.memory_space<vmem>> -> memref<1x80x128xf32, #tpu.memory_space<vmem>>
    %dma_wait3A_945 = tpu.memref_squeeze %dma_wait3A_944 : memref<1x80x128xf32, #tpu.memory_space<vmem>> -> memref<80x128xf32, #tpu.memory_space<vmem>>
    tpu.wait_dma2 semaphore(%arg22 : memref<!tpu.dma_semaphore, #tpu.memory_space<semaphore_mem>>) src(%dma_wait3A_945 : memref<80x128xf32, #tpu.memory_space<vmem>>) dst(%dma_wait3A_941 : memref<80x128xf32, #tpu.memory_space<hbm>>)
    %add3A_946 = arith.constant 25280 : i32
    %add3A_947 = arith.addi %mul3A_2, %add3A_946 : i32
    %dma_wait3A_948 = arith.constant 6 : i32
    %dma_wait3A_949 = arith.constant 0 : i32
    %dma_wait3A_950 = arith.constant 0 : i32
    %dma_wait3A_951 = tpu.memref_slice %arg6[%dma_wait3A_948, %dma_wait3A_949, %dma_wait3A_950] : memref<10x80x128xf32, #tpu.memory_space<vmem>> -> memref<1x80x128xf32, #tpu.memory_space<vmem>>
    %dma_wait3A_952 = tpu.memref_squeeze %dma_wait3A_951 : memref<1x80x128xf32, #tpu.memory_space<vmem>> -> memref<80x128xf32, #tpu.memory_space<vmem>>
    %dma_wait3A_953 = arith.constant 0 : i32
    %dma_wait3A_954 = tpu.memref_slice %arg4[%add3A_947, %dma_wait3A_953] : memref<819200x128xf32, #tpu.memory_space<hbm>> -> memref<80x128xf32, #tpu.memory_space<hbm>>
    %dma_wait3A_955 = arith.constant 0 : i32
    %dma_wait3A_956 = tpu.memref_slice %arg4[%add3A_947, %dma_wait3A_955] : memref<819200x128xf32, #tpu.memory_space<hbm>> -> memref<80x128xf32, #tpu.memory_space<hbm>>
    %dma_wait3A_957 = arith.constant 0 : i32
    %dma_wait3A_958 = arith.constant 0 : i32
    %dma_wait3A_959 = tpu.memref_slice %arg6[%dma_wait3A_948, %dma_wait3A_957, %dma_wait3A_958] : memref<10x80x128xf32, #tpu.memory_space<vmem>> -> memref<1x80x128xf32, #tpu.memory_space<vmem>>
    %dma_wait3A_960 = tpu.memref_squeeze %dma_wait3A_959 : memref<1x80x128xf32, #tpu.memory_space<vmem>> -> memref<80x128xf32, #tpu.memory_space<vmem>>
    tpu.wait_dma2 semaphore(%arg23 : memref<!tpu.dma_semaphore, #tpu.memory_space<semaphore_mem>>) src(%dma_wait3A_960 : memref<80x128xf32, #tpu.memory_space<vmem>>) dst(%dma_wait3A_956 : memref<80x128xf32, #tpu.memory_space<hbm>>)
    %add3A_961 = arith.constant 25360 : i32
    %add3A_962 = arith.addi %mul3A_2, %add3A_961 : i32
    %dma_wait3A_963 = arith.constant 7 : i32
    %dma_wait3A_964 = arith.constant 0 : i32
    %dma_wait3A_965 = arith.constant 0 : i32
    %dma_wait3A_966 = tpu.memref_slice %arg6[%dma_wait3A_963, %dma_wait3A_964, %dma_wait3A_965] : memref<10x80x128xf32, #tpu.memory_space<vmem>> -> memref<1x80x128xf32, #tpu.memory_space<vmem>>
    %dma_wait3A_967 = tpu.memref_squeeze %dma_wait3A_966 : memref<1x80x128xf32, #tpu.memory_space<vmem>> -> memref<80x128xf32, #tpu.memory_space<vmem>>
    %dma_wait3A_968 = arith.constant 0 : i32
    %dma_wait3A_969 = tpu.memref_slice %arg4[%add3A_962, %dma_wait3A_968] : memref<819200x128xf32, #tpu.memory_space<hbm>> -> memref<80x128xf32, #tpu.memory_space<hbm>>
    %dma_wait3A_970 = arith.constant 0 : i32
    %dma_wait3A_971 = tpu.memref_slice %arg4[%add3A_962, %dma_wait3A_970] : memref<819200x128xf32, #tpu.memory_space<hbm>> -> memref<80x128xf32, #tpu.memory_space<hbm>>
    %dma_wait3A_972 = arith.constant 0 : i32
    %dma_wait3A_973 = arith.constant 0 : i32
    %dma_wait3A_974 = tpu.memref_slice %arg6[%dma_wait3A_963, %dma_wait3A_972, %dma_wait3A_973] : memref<10x80x128xf32, #tpu.memory_space<vmem>> -> memref<1x80x128xf32, #tpu.memory_space<vmem>>
    %dma_wait3A_975 = tpu.memref_squeeze %dma_wait3A_974 : memref<1x80x128xf32, #tpu.memory_space<vmem>> -> memref<80x128xf32, #tpu.memory_space<vmem>>
    tpu.wait_dma2 semaphore(%arg24 : memref<!tpu.dma_semaphore, #tpu.memory_space<semaphore_mem>>) src(%dma_wait3A_975 : memref<80x128xf32, #tpu.memory_space<vmem>>) dst(%dma_wait3A_971 : memref<80x128xf32, #tpu.memory_space<hbm>>)
    %add3A_976 = arith.constant 25440 : i32
    %add3A_977 = arith.addi %mul3A_2, %add3A_976 : i32
    %dma_wait3A_978 = arith.constant 8 : i32
    %dma_wait3A_979 = arith.constant 0 : i32
    %dma_wait3A_980 = arith.constant 0 : i32
    %dma_wait3A_981 = tpu.memref_slice %arg6[%dma_wait3A_978, %dma_wait3A_979, %dma_wait3A_980] : memref<10x80x128xf32, #tpu.memory_space<vmem>> -> memref<1x80x128xf32, #tpu.memory_space<vmem>>
    %dma_wait3A_982 = tpu.memref_squeeze %dma_wait3A_981 : memref<1x80x128xf32, #tpu.memory_space<vmem>> -> memref<80x128xf32, #tpu.memory_space<vmem>>
    %dma_wait3A_983 = arith.constant 0 : i32
    %dma_wait3A_984 = tpu.memref_slice %arg4[%add3A_977, %dma_wait3A_983] : memref<819200x128xf32, #tpu.memory_space<hbm>> -> memref<80x128xf32, #tpu.memory_space<hbm>>
    %dma_wait3A_985 = arith.constant 0 : i32
    %dma_wait3A_986 = tpu.memref_slice %arg4[%add3A_977, %dma_wait3A_985] : memref<819200x128xf32, #tpu.memory_space<hbm>> -> memref<80x128xf32, #tpu.memory_space<hbm>>
    %dma_wait3A_987 = arith.constant 0 : i32
    %dma_wait3A_988 = arith.constant 0 : i32
    %dma_wait3A_989 = tpu.memref_slice %arg6[%dma_wait3A_978, %dma_wait3A_987, %dma_wait3A_988] : memref<10x80x128xf32, #tpu.memory_space<vmem>> -> memref<1x80x128xf32, #tpu.memory_space<vmem>>
    %dma_wait3A_990 = tpu.memref_squeeze %dma_wait3A_989 : memref<1x80x128xf32, #tpu.memory_space<vmem>> -> memref<80x128xf32, #tpu.memory_space<vmem>>
    tpu.wait_dma2 semaphore(%arg25 : memref<!tpu.dma_semaphore, #tpu.memory_space<semaphore_mem>>) src(%dma_wait3A_990 : memref<80x128xf32, #tpu.memory_space<vmem>>) dst(%dma_wait3A_986 : memref<80x128xf32, #tpu.memory_space<hbm>>)
    %add3A_991 = arith.constant 25520 : i32
    %add3A_992 = arith.addi %mul3A_2, %add3A_991 : i32
    %dma_wait3A_993 = arith.constant 9 : i32
    %dma_wait3A_994 = arith.constant 0 : i32
    %dma_wait3A_995 = arith.constant 0 : i32
    %dma_wait3A_996 = tpu.memref_slice %arg6[%dma_wait3A_993, %dma_wait3A_994, %dma_wait3A_995] : memref<10x80x128xf32, #tpu.memory_space<vmem>> -> memref<1x80x128xf32, #tpu.memory_space<vmem>>
    %dma_wait3A_997 = tpu.memref_squeeze %dma_wait3A_996 : memref<1x80x128xf32, #tpu.memory_space<vmem>> -> memref<80x128xf32, #tpu.memory_space<vmem>>
    %dma_wait3A_998 = arith.constant 0 : i32
    %dma_wait3A_999 = tpu.memref_slice %arg4[%add3A_992, %dma_wait3A_998] : memref<819200x128xf32, #tpu.memory_space<hbm>> -> memref<80x128xf32, #tpu.memory_space<hbm>>
    %dma_wait3A_1000 = arith.constant 0 : i32
    %dma_wait3A_1001 = tpu.memref_slice %arg4[%add3A_992, %dma_wait3A_1000] : memref<819200x128xf32, #tpu.memory_space<hbm>> -> memref<80x128xf32, #tpu.memory_space<hbm>>
    %dma_wait3A_1002 = arith.constant 0 : i32
    %dma_wait3A_1003 = arith.constant 0 : i32
    %dma_wait3A_1004 = tpu.memref_slice %arg6[%dma_wait3A_993, %dma_wait3A_1002, %dma_wait3A_1003] : memref<10x80x128xf32, #tpu.memory_space<vmem>> -> memref<1x80x128xf32, #tpu.memory_space<vmem>>
    %dma_wait3A_1005 = tpu.memref_squeeze %dma_wait3A_1004 : memref<1x80x128xf32, #tpu.memory_space<vmem>> -> memref<80x128xf32, #tpu.memory_space<vmem>>
    tpu.wait_dma2 semaphore(%arg26 : memref<!tpu.dma_semaphore, #tpu.memory_space<semaphore_mem>>) src(%dma_wait3A_1005 : memref<80x128xf32, #tpu.memory_space<vmem>>) dst(%dma_wait3A_1001 : memref<80x128xf32, #tpu.memory_space<hbm>>)
    return
  }
}

</mosaic_0001>

<sc_bundles>
// kernel: _embedding_lookup.3.cloned.1.call-start
scs
__scs_entry_jumppad:
0x0: {  	(pc) =	sbr.rel $0x88, $3  }
0x1: {  	(tag) =	ssettag $0x0;
	lr =	simm.s32 $0x1  }
0x2: {  	[smem:$0x3F9F] =	sst lr;
	_ =	strace $0xD0000000  }
0x3: {  	_ = 	snop  }
0x4: {  	_ = 	snop  }
0x5: {  	_ = 	snop  }
0x6: {  	_ = 	snop  }
0x7: {  	_ = 	snop  }
__scs_overlays_trampoline_lowered:
0x8: {  	[smem:$0x3FAE] =	sst s0  }
0x9: {  	[smem:$0x3FAF] =	sst s1  }
0xa: {  	[smem:$0x3FB0] =	sst s2  }
0xb: {  	[smem:$0x3FB1] =	sst s3  }
0xc: {  	[smem:$0x3FB2] =	sst s4  }
0xd: {  	[smem:$0x3FB3] =	sst s5  }
0xe: {  	[smem:$0x3FB4] =	sst s6  }
0xf: {  	[smem:$0x3FB5] =	sst s7  }
0x10: {  	[smem:$0x3FB6] =	sst s8  }
0x11: {  	[smem:$0x3FB7] =	sst s9;
	s0 =	simm.s32 @!p0 $0x0  }
0x12: {  	s1 =	sld [smem:$0x3F9D];
	s0 =	simm.s32 @p0 $0x1  }
0x13: {  	[smem:$0x3FB8] =	sst s0;
	s0 =	simm.s32 @!p1 $0x0  }
0x14: {  	s2 =	sld [smem:$0x3F9C];
	s0 =	simm.s32 @p1 $0x1  }
0x15: {  	[smem:$0x3FB9] =	sst s0;
	s0 =	simm.s32 @!p2 $0x0  }
0x16: {  	s3 =	sld [smem:$0x3FDB];
	s0 =	simm.s32 @p2 $0x1  }
0x17: {  	s4 =	simm.s32 $0x1BF5;
	[smem:$0x3FBB] =	sst s0  }
0x18: {  	s0 =	sld [smem:$0x3F9E];
	_ =	swait.ge [sflag:s4], $0x0  }
0x19: {  	s7 =	sld [smem:$0x3F9F]  }
0x1a: {  	s8 =	sadd.s32 $0xFFFFE003, lr  }
0x1b: {  	s9 =	sadd.s32 $0xFFFFFEF7, lr;
	s5 =	simm.s32 $0xFFFFFFFF;
	p2 =	slt.u32 s8, $0xFFFFF086  }
0x1c: {  	p1 =	slt.u32 s9, $0xF7A;
	s5 =	simm.s32 @!p2 $0x0  }
0x1d: {  	s5 =	simm.s32 @p1 $0x1;
	p0 =	seq.s32 s7, s2  }
0x1e: {  	s7 =	smul.u32 @!p0 $0xF7A, s2;
	p2 =	seq.s32 @!p0 s5, $0x0  }
0x1f: {  	s9 =	smul.u32 $0xF7A, s1;
	s8 =	simm.s32 @!p0 $0x1BF5;
	p2 =	por !p2, p0  }
0x20: {  	[sflag:s8] =	ssyncset.s32 @!p0 $0xFFFFF086;
	s6 =	sadd.s32 @!p0 s3, s7;
	s7 =	simm.s32 @!p0 $0x108  }
0x21: {  	s3 =	sadd.s32 s3, s9;
	s6 =	sadd.s32 @!p0 $0x88, s6;
	s7 =	simm.s32 @p2 $0x1082  }
0x22: {  	[simem:s7], [sflag:s8] =	dma.local @!p0 [hbm:s6], $0xF7A  }
0x23: {  	s9 =	sor.u32 $0xD0000000, s2;
	s6 =	simm.s32 $0x108;
	_ =	swait.ge @!p0 [sflag:s8], $0x0  }
0x24: {  	s3 =	sadd.s32 $0x88, s3;
	s6 =	simm.s32 @!p1 $0x1082;
	[sflag:s4] =	ssyncset.s32 $0xFFFFF086  }
0x25: {  	[simem:s6], [sflag:s4] =	dma.local [hbm:s3], $0xF7A  }
0x26: {  	[smem:$0x3F9F] =	sst s1;
	(tag) =	ssettag s2;
	_ =	strace s9  }
0x27: {  	s1 =	sld [smem:$0x3FAF]  }
0x28: {  	s2 =	sld [smem:$0x3FB0]  }
0x29: {  	s4 =	sld [smem:$0x3FB2]  }
0x2a: {  	p0 =	seq.s32 s5, $0x0;
	s5 =	sld [smem:$0x3FB3]  }
0x2b: {  	s6 =	sld [smem:$0x3FB4]  }
0x2c: {  	s7 =	sld [smem:$0x3FB5]  }
0x2d: {  	s3 =	simm.s32 $0x108;
	s8 =	sld [smem:$0x3FB6]  }
0x2e: {  	s3 =	simm.s32 @!p0 $0x1082;
	s9 =	sld [smem:$0x3FB7]  }
0x2f: {  	lr =	sadd.s32 s0, s3;
	s0 =	sld [smem:$0x3FAE]  }
0x30: {  	s3 =	sld [smem:$0x3FB1]  }
0x31: {  	[smem:$0x3FBA] =	sst s10  }
0x32: {  	s10 =	sld [smem:$0x3FB8];
	_ =	sdelay $0x3  }
0x33: {  	p0 =	seq.s32 s10, $0x1;
	s10 =	sld [smem:$0x3FBA];
	_ =	sdelay $0x3  }
0x34: {  	[smem:$0x3FBA] =	sst s10  }
0x35: {  	s10 =	sld [smem:$0x3FB9];
	_ =	sdelay $0x3  }
0x36: {  	p1 =	seq.s32 s10, $0x1;
	s10 =	sld [smem:$0x3FBA];
	_ =	sdelay $0x3  }
0x37: {  	[smem:$0x3FBA] =	sst s10  }
0x38: {  	s10 =	sld [smem:$0x3FBB]  }
0x39: {  	_ = 	snop;
	(pc) =	sbr.ind lr, $3  }
0x3a: {  	_ = 	snop  }
0x3b: {  	_ = 	snop  }
0x3c: {  	p2 =	seq.s32 s10, $0x1;
	s10 =	sld [smem:$0x3FBA]  }
0x3d: {  	_ =	shalt  }
0x3e: {  	_ =	shalt  }
0x3f: {  	_ =	shalt  }
0x40: {  	_ =	shalt  }
0x41: {  	_ =	shalt  }
0x42: {  	_ =	shalt  }
0x43: {  	_ =	shalt  }
0x44: {  	_ =	shalt  }
0x45: {  	_ =	shalt  }
0x46: {  	_ =	shalt  }
0x47: {  	_ =	shalt  }
0x48: {  	_ =	shalt  }
0x49: {  	_ =	shalt  }
0x4a: {  	_ =	shalt  }
0x4b: {  	_ =	shalt  }
0x4c: {  	_ =	shalt  }
0x4d: {  	_ =	shalt  }
0x4e: {  	_ =	shalt  }
0x4f: {  	_ =	shalt  }
0x50: {  	_ =	shalt  }
0x51: {  	_ =	shalt  }
0x52: {  	_ =	shalt  }
0x53: {  	_ =	shalt  }
0x54: {  	_ =	shalt  }
0x55: {  	_ =	shalt  }
0x56: {  	_ =	shalt  }
0x57: {  	_ =	shalt  }
0x58: {  	_ =	shalt  }
0x59: {  	_ =	shalt  }
0x5a: {  	_ =	shalt  }
0x5b: {  	_ =	shalt  }
0x5c: {  	_ =	shalt  }
0x5d: {  	_ =	shalt  }
0x5e: {  	_ =	shalt  }
0x5f: {  	_ =	shalt  }
0x60: {  	_ =	shalt  }
0x61: {  	_ =	shalt  }
0x62: {  	_ =	shalt  }
0x63: {  	_ =	shalt  }
0x64: {  	_ =	shalt  }
0x65: {  	_ =	shalt  }
0x66: {  	_ =	shalt  }
0x67: {  	_ =	shalt  }
0x68: {  	_ =	shalt  }
0x69: {  	_ =	shalt  }
0x6a: {  	_ =	shalt  }
0x6b: {  	_ =	shalt  }
0x6c: {  	_ =	shalt  }
0x6d: {  	_ =	shalt  }
0x6e: {  	_ =	shalt  }
0x6f: {  	_ =	shalt  }
0x70: {  	_ =	shalt  }
0x71: {  	_ =	shalt  }
0x72: {  	_ =	shalt  }
0x73: {  	_ =	shalt  }
0x74: {  	_ =	shalt  }
0x75: {  	_ =	shalt  }
0x76: {  	_ =	shalt  }
0x77: {  	_ =	shalt  }
0x78: {  	_ =	shalt  }
0x79: {  	_ =	shalt  }
0x7a: {  	_ =	shalt  }
0x7b: {  	_ =	shalt  }
0x7c: {  	_ =	shalt  }
0x7d: {  	_ =	shalt  }
0x7e: {  	_ =	shalt  }
0x7f: {  	_ =	shalt  }
0x80: {  	_ =	shalt  }
0x81: {  	_ =	shalt  }
0x82: {  	_ =	shalt  }
0x83: {  	_ =	shalt  }
0x84: {  	_ =	shalt  }
0x85: {  	_ =	shalt  }
0x86: {  	_ =	shalt  }
0x87: {  	_ =	shalt  }
.Lfunc_end0:
.L_simem_size_0:
called_computation_lowered:
.L_overlay_start_0:
0x88: {  	s2 =	sld [smem:$0x3FD9]  }
0x89: {  	s3 =	sld [smem:$0x3FFE];
	_ =	sdelay $0x1  }
0x8a: {  	s1 =	srdreg.scid  }
0x8b: {  	s0 =	sand.u32 $0x1, s1  }
0x8c: {  	s18 =	sshll.u32 s0, $0xA;
	s2 =	sadd.s32 s3, s2  }
0x8d: {  	s2 =	sadd.s32 s2, s18  }
0x8e: {  	[smem:$0x3FC6] =	sst s2  }
0x8f: {  	_ = 	snop  }
0x90: {  	s2 =	sld [smem:$0x3FC9]  }
0x91: {  	s19 =	sld [smem:$0x3FC8]  }
0x92: {  	s4 =	sld [smem:$0x3FD0];
	(tm) =	ssettm $0x1  }
0x93: {  	s5 =	sld [smem:$0x3FFB];
	_ =	sdelay $0x3  }
0x94: {  	_ =	strace s5  }
0x95: {  	s5 =	sld [smem:$0x3FFC];
	_ =	sdelay $0x3  }
0x96: {  	_ =	strace s5  }
0x97: {  	s5 =	sld [smem:$0x3FFD];
	_ =	sdelay $0x3  }
0x98: {  	_ =	strace s5  }
0x99: {  	_ =	strace $0x8FFFFFFF  }
0x9a: {  	s20 =	sld [smem:$0x3FDB];
	_ =	sdelay $0x1  }
0x9b: {  	s6 =	simm.s32 $_scs_section_size  }
0x9c: {  	s7 =	simm.s32 $_size__tile_overlayer_lowered;
	s8 =	simm.s32 $_tile_overlayer_lowered  }
0x9d: {  	s23 =	simm.s32 $0x1BFF;
	s22 =	sshll.u32 s8, $0x1;
	s5 =	sadd.s32 s6, s20  }
0x9e: {  	s9 =	simm.s32 $0x0;
	s21 =	sshll.u32 s7, $0x1;
	s7 =	sadd.s32 s22, s5  }
0x9f: {  	[timem:s9], [sflag:s23] =	dma.local [hbm:s7], s21  }
0xa0: {  	_ =	swait.ge [sflag:s23], s21  }
0xa1: {  	s6 =	ssub.s32 $0x0, s21;
	[sflag:s23] =	ssyncset.done $0x0  }
0xa2: {  	[sflag:s23] =	ssyncadd.s32 s6;
	_ =	sdelay $0x1  }
0xa3: {  	s24 =	simm.s32 $0x1B8B  }
0xa4: {  	_ =	swait.ge [sflag:s24], $0x1  }
0xa5: {  	[sflag:s24] =	ssyncset.done $0x0  }
0xa6: {  	s25 =	simm.s32 $0x1B8E;
	[sflag:s24] =	ssyncadd.s32 $0xFFFFFFFF  }
0xa7: {  	s26 =	simm.s32 $execute0_lowered;
	[smem:$0x3FD2] =	sst s25  }
0xa8: {  	s6 =	sshll.u32 s26, $0x1;
	_ =	strace $0x80000046;
	[dreg:$0x1] =	wrdreg $0xFFFFFFFF  }
0xa9: {  	s28 =	simm.s32 $_size_execute0_lowered;
	s5 =	sadd.s32 s5, s6;
	[dreg:$0x0] =	wrdreg $0x0  }
0xaa: {  	s6 =	sshll.u32 s28, $0x1;
	[dreg:$0x2] =	wrdreg s5  }
0xab: {  	[dreg:$0x3] =	wrdreg s6  }
0xac: {  	[dreg:$0x4] =	wrdreg $0xC0  }
0xad: {  	_ =	task [dreg:s9], $0x5FFFF  }
0xae: {  	[dreg:$0x1] =	wrdreg $0xFFFFFFFF  }
0xaf: {  	[dreg:$0x0] =	wrdreg $0x60  }
0xb0: {  	[dreg:$0x2] =	wrdreg s2  }
0xb1: {  	[dreg:$0x3] =	wrdreg s19  }
0xb2: {  	[dreg:$0x4] =	wrdreg s4  }
0xb3: {  	[dreg:$0x5] =	wrdreg $0x9  }
0xb4: {  	_ =	task.clear_ibuf [dreg:s9], $0x6FFFF;
	_ =	strace $0x90000046  }
0xb5: {  	s29 =	simm.s32 $0x9;
	_ =	strace $0x80000048  }
0xb6: {  	_ =	swait.ge [sflag:s29], $0x1  }
0xb7: {  	[sflag:s29] =	ssyncadd.s32 $0xFFFFFFFF  }
0xb8: {  	_ =	strace $0x90000048  }
0xb9: {  	_ =	sfence  }
0xba: {  	s30 =	sld [smem:$0x0];
	_ =	sdelay $0x2  }
0xbb: {  	s31 =	sshll.u32 s1, $0xD;
	s1 =	sshrl.u32 s1, $0x2  }
0xbc: {  	s3 =	sand.u32 $0x4000, s31;
	s1 =	sadd.s32 s1, s30  }
0xbd: {  	s0 =	sor.u32 s3, s0;
	s1 =	sshll.u32 s1, $0x11  }
0xbe: {  	s0 =	sor.u32 s1, s0  }
0xbf: {  	s0 =	sadd.s32 $0x8F2B, s0  }
0xc0: {  	[sflag:s0] =	ssyncadd.remote.s32 $0x1  }
0xc1: {  	_ =	sfence.sel $0xFFFF  }
0xc2: {  	[dreg:$0x0] =	wrdreg $0xFFFFFFFF;
	(pc) =	sbr.abs _section_cstart, $3  }
0xc3: {  	[dreg:$0x1] =	wrdreg $0xFFFFFFFF  }
0xc4: {  	_ =	task.clear_ibuf [dreg:s9], $0x2FFFF;
	_ =	strace $0x9FFFFFFF  }
0xc5: {  	(tm) =	ssettm $0x7FFFFFFF  }
tec
execute0_lowered:
.L_overlay_start_1:
0x0: {  	(tag) =	ssettag $0x1  }
0x1: {  	s1 =	srdreg.scid;
	s10 =	stileid.u32  }
0x2: {  	s1 =	sand.u32 $0x1, s1;
	s3 =	sshll.u32 s10, $0x1  }
0x3: {  	s0 =	rddreg [dreg:$0x0];
	s5 =	sor.u32 s1, s3  }
0x4: {  	s2 =	rddreg [dreg:$0x1];
	s7 =	smul.u32 $0x6400, s5  }
0x5: {  	s4 =	rddreg [dreg:$0x2]  }
0x6: {  	s3 =	simm.s32 $0x0;
	s9 =	smul.u32 $0x64000, s5;
	s7 =	sshrl.u32 s7, $0x3  }
0x7: {  	[smem:$0x7FF] =	sst s3;
	s0 =	sadd.s32 s0, s7  }
0x8: {  	_ =	strace $0x80000047;
	s7 =	sadd.s32 s4, s9;
	[dreg:$0x4] =	wrdreg s0  }
0x9: {  	s24 =	sadd.s32 $0x500, s7;
	[dreg:$0x5] =	wrdreg s7  }
0xa: {  	s6 =	ssub.s32 $0x2, s1;
	s25 =	sadd.s32 $0xA00, s7;
	[dreg:$0x6] =	wrdreg s24  }
0xb: {  	s8 =	sshrl.u32 s6, $0x1;
	s26 =	sadd.s32 $0xF00, s7;
	[dreg:$0x7] =	wrdreg s25  }
0xc: {  	s6 =	ssub.s32 s6, s8;
	s8 =	sadd.s32 $0x1400, s7;
	[dreg:$0x8] =	wrdreg s26  }
0xd: {  	s9 =	sadd.s32 $0x1900, s7;
	[dreg:$0x9] =	wrdreg s8  }
0xe: {  	s11 =	sadd.s32 $0x1E00, s7;
	[dreg:$0xa] =	wrdreg s9  }
0xf: {  	s23 =	smul.u32 $0x320000, s5;
	s12 =	sadd.s32 $0x2300, s7;
	[dreg:$0xb] =	wrdreg s11  }
0x10: {  	s13 =	sadd.s32 $0x2800, s7;
	[dreg:$0xc] =	wrdreg s12  }
0x11: {  	s0 =	sshrl.u32 s23, $0x3;
	[dreg:$0xd] =	wrdreg s13;
	s24 =	smax.u32 s6, $0x1  }
0x12: {  	s0 =	sadd.s32 s4, s0;
	s26 =	sadd.s32 $0x2D00, s7;
	[dreg:$0x18] =	wrdreg s24  }
0x13: {  	s29 =	simm.s32 $0x50;
	s14 =	sadd.s32 $0x60E00, s0;
	[dreg:$0x1a] =	wrdreg s26  }
0x14: {  	s28 =	simm.s32 $0x11;
	s15 =	sadd.s32 $0x61300, s0;
	[dreg:$0xe] =	wrdreg s14  }
0x15: {  	s30 =	simm.s32 $0x13;
	s16 =	sadd.s32 $0x61800, s0;
	[dreg:$0xf] =	wrdreg s15  }
0x16: {  	s31 =	simm.s32 $0x14;
	s17 =	sadd.s32 $0x61D00, s0;
	[dreg:$0x10] =	wrdreg s16  }
0x17: {  	s18 =	smul.u32 $0xC8000, s10;
	s19 =	sadd.s32 $0x62200, s0;
	[dreg:$0x11] =	wrdreg s17  }
0x18: {  	s1 =	smul.u32 $0x64000, s1;
	s20 =	sadd.s32 $0x62700, s0;
	[dreg:$0x12] =	wrdreg s19  }
0x19: {  	s5 =	simm.s32 $0x10;
	s21 =	sadd.s32 $0x62C00, s0;
	[dreg:$0x13] =	wrdreg s20  }
0x1a: {  	s4 =	sadd.s32 s18, s4;
	s22 =	sadd.s32 $0x63100, s0;
	[dreg:$0x14] =	wrdreg s21  }
0x1b: {  	s18 =	simm.s32 $0x7;
	s23 =	sadd.s32 $0x63600, s0;
	[dreg:$0x15] =	wrdreg s22  }
0x1c: {  	s1 =	sadd.s32 s1, s4;
	s0 =	sadd.s32 $0x63B00, s0;
	[dreg:$0x16] =	wrdreg s23  }
0x1d: {  	s24 =	simm.s32 $0xA;
	s26 =	simm.s32 $0xF;
	[dreg:$0x17] =	wrdreg s0  }
0x1e: {  	s25 =	sadd.s32 $0x5F00, s1;
	s19 =	simm.s32 $0xC;
	s20 =	simm.s32 $0x8  }
0x1f: {  	s21 =	simm.s32 $0xD;
	s22 =	simm.s32 $0x9;
	s23 =	simm.s32 $0xE  }
0x20: {  	s1 =	simm.s32 $0x0;
	[dreg:$0x19] =	wrdreg s25;
	s25 =	simm.s32 $0x12  }
.LBB2_1:
0x21: {  	[dreg:$0x1b] =	wrdreg s1  }
0x22: {  	s0 =	rddreg [dreg:$0x4];
	s4 =	simm.s32 $0x15  }
0x23: {  	[tilespmem:s3], [sflag:$0x15] =	stream.linear.gather [hbm4b:s0+s3], $0x6400, $0x38;
	[tilespmem:$0x1F400] =	vst v63  }
0x24: {  	_ =	swait.ge [sflag:s4], $0x6400  }
0x25: {  	[sflag:s4] =	ssyncset.done $0x0  }
0x26: {  	s8 =	simm.s32 $0x6400;
	[sflag:s4] =	ssyncadd.s32 $0xFFFF9C00  }
0x27: {  	[tilespmem:s8], [sflag:$0x1] =	stream.indirect.gather [hbm4b:s2+s29], $0x80, s3, s29, $0xb8;
	[tilespmem:$0x1F400] =	vst v63  }
0x28: {  	s13 =	simm.s32 $0x8C00  }
0x29: {  	[tilespmem:s13], [sflag:$0x2] =	stream.indirect.gather [hbm4b:s2+s29], $0x80, s29, s29, $0xb8;
	[tilespmem:$0x1F400] =	vst v63  }
0x2a: {  	s6 =	simm.s32 $0xA0;
	s17 =	simm.s32 $0xB400  }
0x2b: {  	[tilespmem:s17], [sflag:$0x3] =	stream.indirect.gather [hbm4b:s2+s29], $0x80, s6, s29, $0xb8;
	[tilespmem:$0x1F400] =	vst v63  }
0x2c: {  	s7 =	simm.s32 $0xF0;
	s9 =	simm.s32 $0xDC00  }
0x2d: {  	[tilespmem:s9], [sflag:$0x4] =	stream.indirect.gather [hbm4b:s2+s29], $0x80, s7, s29, $0xb8;
	[tilespmem:$0x1F400] =	vst v63  }
0x2e: {  	s10 =	simm.s32 $0x140;
	s4 =	simm.s32 $0x1;
	s9 =	simm.s32 $0x10400  }
0x2f: {  	[tilespmem:s9], [sflag:$0x5] =	stream.indirect.gather [hbm4b:s2+s29], $0x80, s10, s29, $0xb8;
	[tilespmem:$0x1F400] =	vst v63  }
0x30: {  	_ =	swait.ge [sflag:s4], $0x2800  }
0x31: {  	[sflag:s4] =	ssyncset.done $0x0  }
0x32: {  	s11 =	rddreg [dreg:$0x5];
	[sflag:s4] =	ssyncadd.s32 $0xFFFFD800  }
0x33: {  	[hbm4b:s11+s3] =	stream.linear.scatter [tilespmem:s8], [sflag:$0xB], $0x2800, $0x38;
	[tilespmem:$0x1F400] =	vst v63  }
0x34: {  	s12 =	simm.s32 $0x190;
	s15 =	simm.s32 $0x12C00;
	s10 =	simm.s32 $0x2  }
0x35: {  	[tilespmem:s15], [sflag:$0x6] =	stream.indirect.gather [hbm4b:s2+s29], $0x80, s12, s29, $0xb8;
	[tilespmem:$0x1F400] =	vst v63  }
0x36: {  	_ =	swait.ge [sflag:s10], $0x2800  }
0x37: {  	[sflag:s10] =	ssyncset.done $0x0  }
0x38: {  	s14 =	rddreg [dreg:$0x6];
	[sflag:s10] =	ssyncadd.s32 $0xFFFFD800  }
0x39: {  	[hbm4b:s14+s3] =	stream.linear.scatter [tilespmem:s13], [sflag:$0xC], $0x2800, $0x38;
	[tilespmem:$0x1F400] =	vst v63  }
0x3a: {  	s16 =	simm.s32 $0x1E0;
	s6 =	simm.s32 $0x15400;
	s12 =	simm.s32 $0x3  }
0x3b: {  	[tilespmem:s6], [sflag:$0x7] =	stream.indirect.gather [hbm4b:s2+s29], $0x80, s16, s29, $0xb8;
	[tilespmem:$0x1F400] =	vst v63  }
0x3c: {  	_ =	swait.ge [sflag:s12], $0x2800  }
0x3d: {  	[sflag:s12] =	ssyncset.done $0x0  }
0x3e: {  	s6 =	rddreg [dreg:$0x7];
	[sflag:s12] =	ssyncadd.s32 $0xFFFFD800  }
0x3f: {  	[hbm4b:s6+s3] =	stream.linear.scatter [tilespmem:s17], [sflag:$0xD], $0x2800, $0x38;
	[tilespmem:$0x1F400] =	vst v63  }
0x40: {  	s11 =	simm.s32 $0x230;
	s14 =	simm.s32 $0x17C00  }
0x41: {  	[tilespmem:s14], [sflag:$0x8] =	stream.indirect.gather [hbm4b:s2+s29], $0x80, s11, s29, $0xb8;
	[tilespmem:$0x1F400] =	vst v63  }
0x42: {  	s14 =	simm.s32 $0x4  }
0x43: {  	_ =	swait.ge [sflag:s14], $0x2800  }
0x44: {  	[sflag:s14] =	ssyncset.done $0x0  }
0x45: {  	s1 =	simm.s32 $0xDC00;
	s16 =	rddreg [dreg:$0x8];
	[sflag:s14] =	ssyncadd.s32 $0xFFFFD800  }
0x46: {  	[hbm4b:s16+s3] =	stream.linear.scatter [tilespmem:s1], [sflag:$0xE], $0x2800, $0x38;
	[tilespmem:$0x1F400] =	vst v63  }
0x47: {  	s6 =	simm.s32 $0x280;
	s16 =	simm.s32 $0x1A400  }
0x48: {  	[tilespmem:s16], [sflag:$0x9] =	stream.indirect.gather [hbm4b:s2+s29], $0x80, s6, s29, $0xb8;
	[tilespmem:$0x1F400] =	vst v63  }
0x49: {  	s16 =	simm.s32 $0x5  }
0x4a: {  	_ =	swait.ge [sflag:s16], $0x2800  }
0x4b: {  	[sflag:s16] =	ssyncset.done $0x0  }
0x4c: {  	s6 =	rddreg [dreg:$0x9];
	[sflag:s16] =	ssyncadd.s32 $0xFFFFD800  }
0x4d: {  	[hbm4b:s6+s3] =	stream.linear.scatter [tilespmem:s9], [sflag:$0xF], $0x2800, $0x38;
	[tilespmem:$0x1F400] =	vst v63  }
0x4e: {  	s1 =	simm.s32 $0x2D0;
	s6 =	simm.s32 $0x1CC00  }
0x4f: {  	[tilespmem:s6], [sflag:$0xA] =	stream.indirect.gather [hbm4b:s2+s29], $0x80, s1, s29, $0xb8;
	[tilespmem:$0x1F400] =	vst v63  }
0x50: {  	s1 =	simm.s32 $0x6  }
0x51: {  	_ =	swait.ge [sflag:s1], $0x2800  }
0x52: {  	[sflag:s1] =	ssyncset.done $0x0  }
0x53: {  	s6 =	rddreg [dreg:$0xa];
	[sflag:s1] =	ssyncadd.s32 $0xFFFFD800  }
0x54: {  	[hbm4b:s6+s3] =	stream.linear.scatter [tilespmem:s15], [sflag:$0x10], $0x2800, $0x38;
	[tilespmem:$0x1F400] =	vst v63  }
0x55: {  	s6 =	simm.s32 $0xB  }
0x56: {  	_ =	swait.ge [sflag:s6], $0x2800  }
0x57: {  	[sflag:s6] =	ssyncset.done $0x0  }
0x58: {  	s0 =	simm.s32 $0x320;
	[sflag:s6] =	ssyncadd.s32 $0xFFFFD800  }
0x59: {  	[tilespmem:s8], [sflag:$0x1] =	stream.indirect.gather [hbm4b:s2+s29], $0x80, s0, s29, $0xb8;
	[tilespmem:$0x1F400] =	vst v63  }
0x5a: {  	_ =	swait.ge [sflag:s18], $0x2800  }
0x5b: {  	[sflag:s18] =	ssyncset.done $0x0  }
0x5c: {  	s7 =	simm.s32 $0x15400;
	s0 =	rddreg [dreg:$0xb];
	[sflag:s18] =	ssyncadd.s32 $0xFFFFD800  }
0x5d: {  	[hbm4b:s0+s3] =	stream.linear.scatter [tilespmem:s7], [sflag:$0x11], $0x2800, $0x38;
	[tilespmem:$0x1F400] =	vst v63  }
0x5e: {  	_ =	swait.ge [sflag:s19], $0x2800  }
0x5f: {  	[sflag:s19] =	ssyncset.done $0x0  }
0x60: {  	s7 =	simm.s32 $0x370;
	[sflag:s19] =	ssyncadd.s32 $0xFFFFD800  }
0x61: {  	[tilespmem:s13], [sflag:$0x2] =	stream.indirect.gather [hbm4b:s2+s29], $0x80, s7, s29, $0xb8;
	[tilespmem:$0x1F400] =	vst v63  }
0x62: {  	_ =	swait.ge [sflag:s20], $0x2800  }
0x63: {  	[sflag:s20] =	ssyncset.done $0x0  }
0x64: {  	s11 =	simm.s32 $0x17C00;
	s7 =	rddreg [dreg:$0xc];
	[sflag:s20] =	ssyncadd.s32 $0xFFFFD800  }
0x65: {  	[hbm4b:s7+s3] =	stream.linear.scatter [tilespmem:s11], [sflag:$0x12], $0x2800, $0x38;
	[tilespmem:$0x1F400] =	vst v63  }
0x66: {  	_ =	swait.ge [sflag:s21], $0x2800  }
0x67: {  	[sflag:s21] =	ssyncset.done $0x0  }
0x68: {  	s11 =	simm.s32 $0x3C0;
	[sflag:s21] =	ssyncadd.s32 $0xFFFFD800  }
0x69: {  	[tilespmem:s17], [sflag:$0x3] =	stream.indirect.gather [hbm4b:s2+s29], $0x80, s11, s29, $0xb8;
	[tilespmem:$0x1F400] =	vst v63  }
0x6a: {  	_ =	swait.ge [sflag:s22], $0x2800  }
0x6b: {  	[sflag:s22] =	ssyncset.done $0x0  }
0x6c: {  	s11 =	simm.s32 $0x1A400;
	s7 =	rddreg [dreg:$0xd];
	[sflag:s22] =	ssyncadd.s32 $0xFFFFD800  }
0x6d: {  	[hbm4b:s7+s3] =	stream.linear.scatter [tilespmem:s11], [sflag:$0x13], $0x2800, $0x38;
	[tilespmem:$0x1F400] =	vst v63  }
0x6e: {  	_ =	swait.ge [sflag:s23], $0x2800  }
0x6f: {  	[sflag:s23] =	ssyncset.done $0x0  }
0x70: {  	s7 =	simm.s32 $0x410;
	s11 =	simm.s32 $0xDC00;
	[sflag:s23] =	ssyncadd.s32 $0xFFFFD800  }
0x71: {  	[tilespmem:s11], [sflag:$0x4] =	stream.indirect.gather [hbm4b:s2+s29], $0x80, s7, s29, $0xb8;
	[tilespmem:$0x1F400] =	vst v63  }
0x72: {  	_ =	swait.ge [sflag:s24], $0x2800  }
0x73: {  	[sflag:s24] =	ssyncset.done $0x0  }
0x74: {  	s11 =	simm.s32 $0x1CC00;
	s0 =	rddreg [dreg:$0x1a];
	[sflag:s24] =	ssyncadd.s32 $0xFFFFD800  }
0x75: {  	[hbm4b:s0+s3] =	stream.linear.scatter [tilespmem:s11], [sflag:$0x14], $0x2800, $0x38;
	[tilespmem:$0x1F400] =	vst v63  }
0x76: {  	_ =	swait.ge [sflag:s26], $0x2800  }
0x77: {  	[sflag:s26] =	ssyncset.done $0x0  }
0x78: {  	s11 =	simm.s32 $0x460;
	[sflag:s26] =	ssyncadd.s32 $0xFFFFD800  }
0x79: {  	[tilespmem:s9], [sflag:$0x5] =	stream.indirect.gather [hbm4b:s2+s29], $0x80, s11, s29, $0xb8;
	[tilespmem:$0x1F400] =	vst v63  }
0x7a: {  	_ =	swait.ge [sflag:s4], $0x2800  }
0x7b: {  	[sflag:s4] =	ssyncset.done $0x0  }
0x7c: {  	[sflag:s4] =	ssyncadd.s32 $0xFFFFD800;
	s4 =	rddreg [dreg:$0x19]  }
0x7d: {  	s11 =	sadd.s32 $0xFFFFD300, s4  }
0x7e: {  	[hbm4b:s11+s3] =	stream.linear.scatter [tilespmem:s8], [sflag:$0xB], $0x2800, $0x38;
	[tilespmem:$0x1F400] =	vst v63  }
0x7f: {  	_ =	swait.ge [sflag:s5], $0x2800  }
0x80: {  	[sflag:s5] =	ssyncset.done $0x0  }
0x81: {  	s11 =	simm.s32 $0x4B0;
	[sflag:s5] =	ssyncadd.s32 $0xFFFFD800  }
0x82: {  	[tilespmem:s15], [sflag:$0x6] =	stream.indirect.gather [hbm4b:s2+s29], $0x80, s11, s29, $0xb8;
	[tilespmem:$0x1F400] =	vst v63  }
0x83: {  	_ =	swait.ge [sflag:s10], $0x2800  }
0x84: {  	[sflag:s10] =	ssyncset.done $0x0  }
0x85: {  	s11 =	sadd.s32 $0xFFFFD800, s4;
	[sflag:s10] =	ssyncadd.s32 $0xFFFFD800  }
0x86: {  	[hbm4b:s11+s3] =	stream.linear.scatter [tilespmem:s13], [sflag:$0xC], $0x2800, $0x38;
	[tilespmem:$0x1F400] =	vst v63  }
0x87: {  	_ =	swait.ge [sflag:s28], $0x2800  }
0x88: {  	[sflag:s28] =	ssyncset.done $0x0  }
0x89: {  	s10 =	simm.s32 $0x500;
	s11 =	simm.s32 $0x15400;
	[sflag:s28] =	ssyncadd.s32 $0xFFFFD800  }
0x8a: {  	[tilespmem:s11], [sflag:$0x7] =	stream.indirect.gather [hbm4b:s2+s29], $0x80, s10, s29, $0xb8;
	[tilespmem:$0x1F400] =	vst v63  }
0x8b: {  	_ =	swait.ge [sflag:s12], $0x2800  }
0x8c: {  	[sflag:s12] =	ssyncset.done $0x0  }
0x8d: {  	[sflag:s12] =	ssyncadd.s32 $0xFFFFD800;
	s12 =	sadd.s32 $0xFFFFDD00, s4  }
0x8e: {  	[hbm4b:s12+s3] =	stream.linear.scatter [tilespmem:s17], [sflag:$0xD], $0x2800, $0x38;
	[tilespmem:$0x1F400] =	vst v63  }
0x8f: {  	_ =	swait.ge [sflag:s25], $0x2800  }
0x90: {  	[sflag:s25] =	ssyncset.done $0x0  }
0x91: {  	s10 =	simm.s32 $0x550;
	s12 =	simm.s32 $0x17C00;
	[sflag:s25] =	ssyncadd.s32 $0xFFFFD800  }
0x92: {  	[tilespmem:s12], [sflag:$0x8] =	stream.indirect.gather [hbm4b:s2+s29], $0x80, s10, s29, $0xb8;
	[tilespmem:$0x1F400] =	vst v63  }
0x93: {  	_ =	swait.ge [sflag:s14], $0x2800  }
0x94: {  	[sflag:s14] =	ssyncset.done $0x0  }
0x95: {  	s7 =	simm.s32 $0xDC00;
	s10 =	sadd.s32 $0xFFFFE200, s4;
	[sflag:s14] =	ssyncadd.s32 $0xFFFFD800  }
0x96: {  	[hbm4b:s10+s3] =	stream.linear.scatter [tilespmem:s7], [sflag:$0xE], $0x2800, $0x38;
	[tilespmem:$0x1F400] =	vst v63  }
0x97: {  	_ =	swait.ge [sflag:s30], $0x2800  }
0x98: {  	[sflag:s30] =	ssyncset.done $0x0  }
0x99: {  	s14 =	simm.s32 $0x5A0;
	s10 =	simm.s32 $0x1A400;
	[sflag:s30] =	ssyncadd.s32 $0xFFFFD800  }
0x9a: {  	[tilespmem:s10], [sflag:$0x9] =	stream.indirect.gather [hbm4b:s2+s29], $0x80, s14, s29, $0xb8;
	[tilespmem:$0x1F400] =	vst v63  }
0x9b: {  	_ =	swait.ge [sflag:s16], $0x2800  }
0x9c: {  	[sflag:s16] =	ssyncset.done $0x0  }
0x9d: {  	[sflag:s16] =	ssyncadd.s32 $0xFFFFD800;
	s16 =	sadd.s32 $0xFFFFE700, s4  }
0x9e: {  	[hbm4b:s16+s3] =	stream.linear.scatter [tilespmem:s9], [sflag:$0xF], $0x2800, $0x38;
	[tilespmem:$0x1F400] =	vst v63  }
0x9f: {  	_ =	swait.ge [sflag:s31], $0x2800  }
0xa0: {  	[sflag:s31] =	ssyncset.done $0x0  }
0xa1: {  	s14 =	simm.s32 $0x5F0;
	s16 =	simm.s32 $0x1CC00;
	[sflag:s31] =	ssyncadd.s32 $0xFFFFD800  }
0xa2: {  	[tilespmem:s16], [sflag:$0xA] =	stream.indirect.gather [hbm4b:s2+s29], $0x80, s14, s29, $0xb8;
	[tilespmem:$0x1F400] =	vst v63  }
0xa3: {  	_ =	swait.ge [sflag:s1], $0x2800  }
0xa4: {  	[sflag:s1] =	ssyncset.done $0x0  }
0xa5: {  	[sflag:s1] =	ssyncadd.s32 $0xFFFFD800;
	s1 =	sadd.s32 $0xFFFFEC00, s4  }
0xa6: {  	[hbm4b:s1+s3] =	stream.linear.scatter [tilespmem:s15], [sflag:$0x10], $0x2800, $0x38;
	[tilespmem:$0x1F400] =	vst v63  }
0xa7: {  	_ =	swait.ge [sflag:s6], $0x2800  }
0xa8: {  	[sflag:s6] =	ssyncset.done $0x0  }
0xa9: {  	[sflag:s6] =	ssyncadd.s32 $0xFFFFD800;
	s6 =	simm.s32 $0x640  }
0xaa: {  	[tilespmem:s8], [sflag:$0x1] =	stream.indirect.gather [hbm4b:s2+s29], $0x80, s6, s29, $0xb8;
	[tilespmem:$0x1F400] =	vst v63  }
0xab: {  	_ =	swait.ge [sflag:s18], $0x2800  }
0xac: {  	[sflag:s18] =	ssyncset.done $0x0  }
0xad: {  	s11 =	simm.s32 $0x15400;
	s9 =	sadd.s32 $0xFFFFF100, s4;
	[sflag:s18] =	ssyncadd.s32 $0xFFFFD800  }
0xae: {  	[hbm4b:s9+s3] =	stream.linear.scatter [tilespmem:s11], [sflag:$0x11], $0x2800, $0x38;
	[tilespmem:$0x1F400] =	vst v63  }
0xaf: {  	_ =	swait.ge [sflag:s19], $0x2800  }
0xb0: {  	[sflag:s19] =	ssyncset.done $0x0  }
0xb1: {  	s11 =	simm.s32 $0x690;
	[sflag:s19] =	ssyncadd.s32 $0xFFFFD800  }
0xb2: {  	[tilespmem:s13], [sflag:$0x2] =	stream.indirect.gather [hbm4b:s2+s29], $0x80, s11, s29, $0xb8;
	[tilespmem:$0x1F400] =	vst v63  }
0xb3: {  	_ =	swait.ge [sflag:s20], $0x2800  }
0xb4: {  	[sflag:s20] =	ssyncset.done $0x0  }
0xb5: {  	s12 =	simm.s32 $0x17C00;
	s14 =	sadd.s32 $0xFFFFF600, s4;
	[sflag:s20] =	ssyncadd.s32 $0xFFFFD800  }
0xb6: {  	[hbm4b:s14+s3] =	stream.linear.scatter [tilespmem:s12], [sflag:$0x12], $0x2800, $0x38;
	[tilespmem:$0x1F400] =	vst v63  }
0xb7: {  	_ =	swait.ge [sflag:s21], $0x2800  }
0xb8: {  	[sflag:s21] =	ssyncset.done $0x0  }
0xb9: {  	s15 =	simm.s32 $0x6E0;
	[sflag:s21] =	ssyncadd.s32 $0xFFFFD800  }
0xba: {  	[tilespmem:s17], [sflag:$0x3] =	stream.indirect.gather [hbm4b:s2+s29], $0x80, s15, s29, $0xb8;
	[tilespmem:$0x1F400] =	vst v63  }
0xbb: {  	_ =	swait.ge [sflag:s22], $0x2800  }
0xbc: {  	[sflag:s22] =	ssyncset.done $0x0  }
0xbd: {  	s16 =	sadd.s32 $0xFFFFFB00, s4;
	[sflag:s22] =	ssyncadd.s32 $0xFFFFD800  }
0xbe: {  	[hbm4b:s16+s3] =	stream.linear.scatter [tilespmem:s10], [sflag:$0x13], $0x2800, $0x38;
	[tilespmem:$0x1F400] =	vst v63  }
0xbf: {  	_ =	swait.ge [sflag:s23], $0x2800  }
0xc0: {  	[sflag:s23] =	ssyncset.done $0x0  }
0xc1: {  	s7 =	simm.s32 $0xDC00;
	s17 =	simm.s32 $0x730;
	[sflag:s23] =	ssyncadd.s32 $0xFFFFD800  }
0xc2: {  	[tilespmem:s7], [sflag:$0x4] =	stream.indirect.gather [hbm4b:s2+s29], $0x80, s17, s29, $0xb8;
	[tilespmem:$0x1F400] =	vst v63  }
0xc3: {  	_ =	swait.ge [sflag:s24], $0x2800  }
0xc4: {  	[sflag:s24] =	ssyncset.done $0x0  }
0xc5: {  	s0 =	simm.s32 $0xC80;
	s1 =	sadd.s32 $0x3200, s4;
	[sflag:s24] =	ssyncadd.s32 $0xFFFFD800  }
.LBB2_2:
0xc6: {  	s17 =	simm.s32 $0x1CC00  }
0xc7: {  	[hbm4b:s4+s3] =	stream.linear.scatter [tilespmem:s17], [sflag:$0x14], $0x2800, $0x38;
	[tilespmem:$0x1F400] =	vst v63  }
0xc8: {  	s7 =	smov.u32 s0;
	s4 =	smov.u32 s1  }
0xc9: {  	p0 =	sne.s32 s0, $0x16A80;
	s0 =	sadd.s32 $0xC80, s0;
	_ =	swait.ge [sflag:s26], $0x2800  }
0xca: {  	s13 =	simm.s32 $0x10400;
	s7 =	sshra.s32 s7, $0x2;
	[sflag:s26] =	ssyncset.done $0x0  }
0xcb: {  	s6 =	simm.s32 $0x1;
	s9 =	sadd.s32 $0x460, s7;
	[sflag:s26] =	ssyncadd.s32 $0xFFFFD800  }
0xcc: {  	[tilespmem:s13], [sflag:$0x5] =	stream.indirect.gather [hbm4b:s2+s29], $0x80, s9, s29, $0xb8;
	[tilespmem:$0x1F400] =	vst v63  }
0xcd: {  	_ =	swait.ge [sflag:s6], $0x2800  }
0xce: {  	[sflag:s6] =	ssyncset.done $0x0  }
0xcf: {  	s11 =	simm.s32 $0x6400;
	s9 =	sadd.s32 $0xFFFFD300, s1;
	[sflag:s6] =	ssyncadd.s32 $0xFFFFD800  }
0xd0: {  	[hbm4b:s9+s3] =	stream.linear.scatter [tilespmem:s11], [sflag:$0xB], $0x2800, $0x38;
	[tilespmem:$0x1F400] =	vst v63  }
0xd1: {  	_ =	swait.ge [sflag:s5], $0x2800  }
0xd2: {  	s10 =	simm.s32 $0x12C00;
	[sflag:s5] =	ssyncset.done $0x0  }
0xd3: {  	s6 =	simm.s32 $0x2;
	s9 =	sadd.s32 $0x4B0, s7;
	[sflag:s5] =	ssyncadd.s32 $0xFFFFD800  }
0xd4: {  	[tilespmem:s10], [sflag:$0x6] =	stream.indirect.gather [hbm4b:s2+s29], $0x80, s9, s29, $0xb8;
	[tilespmem:$0x1F400] =	vst v63  }
0xd5: {  	_ =	swait.ge [sflag:s6], $0x2800  }
0xd6: {  	[sflag:s6] =	ssyncset.done $0x0  }
0xd7: {  	s15 =	simm.s32 $0x8C00;
	s9 =	sadd.s32 $0xFFFFD800, s1;
	[sflag:s6] =	ssyncadd.s32 $0xFFFFD800  }
0xd8: {  	[hbm4b:s9+s3] =	stream.linear.scatter [tilespmem:s15], [sflag:$0xC], $0x2800, $0x38;
	[tilespmem:$0x1F400] =	vst v63  }
0xd9: {  	_ =	swait.ge [sflag:s28], $0x2800  }
0xda: {  	s12 =	simm.s32 $0x15400;
	[sflag:s28] =	ssyncset.done $0x0  }
0xdb: {  	s6 =	simm.s32 $0x3;
	s9 =	sadd.s32 $0x500, s7;
	[sflag:s28] =	ssyncadd.s32 $0xFFFFD800  }
0xdc: {  	[tilespmem:s12], [sflag:$0x7] =	stream.indirect.gather [hbm4b:s2+s29], $0x80, s9, s29, $0xb8;
	[tilespmem:$0x1F400] =	vst v63  }
0xdd: {  	_ =	swait.ge [sflag:s6], $0x2800  }
0xde: {  	[sflag:s6] =	ssyncset.done $0x0  }
0xdf: {  	s9 =	sadd.s32 $0xFFFFDD00, s1;
	[sflag:s6] =	ssyncadd.s32 $0xFFFFD800;
	s6 =	simm.s32 $0xB400  }
0xe0: {  	[hbm4b:s9+s3] =	stream.linear.scatter [tilespmem:s6], [sflag:$0xD], $0x2800, $0x38;
	[tilespmem:$0x1F400] =	vst v63  }
0xe1: {  	_ =	swait.ge [sflag:s25], $0x2800  }
0xe2: {  	s14 =	simm.s32 $0x17C00;
	[sflag:s25] =	ssyncset.done $0x0  }
0xe3: {  	s8 =	simm.s32 $0x4;
	s9 =	sadd.s32 $0x550, s7;
	[sflag:s25] =	ssyncadd.s32 $0xFFFFD800  }
0xe4: {  	[tilespmem:s14], [sflag:$0x8] =	stream.indirect.gather [hbm4b:s2+s29], $0x80, s9, s29, $0xb8;
	[tilespmem:$0x1F400] =	vst v63  }
0xe5: {  	_ =	swait.ge [sflag:s8], $0x2800  }
0xe6: {  	[sflag:s8] =	ssyncset.done $0x0  }
0xe7: {  	s9 =	sadd.s32 $0xFFFFE200, s1;
	[sflag:s8] =	ssyncadd.s32 $0xFFFFD800;
	s8 =	simm.s32 $0xDC00  }
0xe8: {  	[hbm4b:s9+s3] =	stream.linear.scatter [tilespmem:s8], [sflag:$0xE], $0x2800, $0x38;
	[tilespmem:$0x1F400] =	vst v63  }
0xe9: {  	_ =	swait.ge [sflag:s30], $0x2800  }
0xea: {  	[sflag:s30] =	ssyncset.done $0x0  }
0xeb: {  	s16 =	simm.s32 $0x1A400;
	s9 =	sadd.s32 $0x5A0, s7;
	[sflag:s30] =	ssyncadd.s32 $0xFFFFD800  }
0xec: {  	[tilespmem:s16], [sflag:$0x9] =	stream.indirect.gather [hbm4b:s2+s29], $0x80, s9, s29, $0xb8;
	[tilespmem:$0x1F400] =	vst v63  }
0xed: {  	s9 =	simm.s32 $0x5  }
0xee: {  	_ =	swait.ge [sflag:s9], $0x2800  }
0xef: {  	[sflag:s9] =	ssyncset.done $0x0  }
0xf0: {  	[sflag:s9] =	ssyncadd.s32 $0xFFFFD800;
	s9 =	sadd.s32 $0xFFFFE700, s1  }
0xf1: {  	[hbm4b:s9+s3] =	stream.linear.scatter [tilespmem:s13], [sflag:$0xF], $0x2800, $0x38;
	[tilespmem:$0x1F400] =	vst v63  }
0xf2: {  	_ =	swait.ge [sflag:s31], $0x2800  }
0xf3: {  	[sflag:s31] =	ssyncset.done $0x0  }
0xf4: {  	s9 =	sadd.s32 $0x5F0, s7;
	[sflag:s31] =	ssyncadd.s32 $0xFFFFD800  }
0xf5: {  	[tilespmem:s17], [sflag:$0xA] =	stream.indirect.gather [hbm4b:s2+s29], $0x80, s9, s29, $0xb8;
	[tilespmem:$0x1F400] =	vst v63  }
0xf6: {  	s9 =	simm.s32 $0x6  }
0xf7: {  	_ =	swait.ge [sflag:s9], $0x2800  }
0xf8: {  	[sflag:s9] =	ssyncset.done $0x0  }
0xf9: {  	[sflag:s9] =	ssyncadd.s32 $0xFFFFD800;
	s9 =	sadd.s32 $0xFFFFEC00, s1  }
0xfa: {  	[hbm4b:s9+s3] =	stream.linear.scatter [tilespmem:s10], [sflag:$0x10], $0x2800, $0x38;
	[tilespmem:$0x1F400] =	vst v63  }
0xfb: {  	s9 =	simm.s32 $0xB  }
0xfc: {  	_ =	swait.ge [sflag:s9], $0x2800  }
0xfd: {  	[sflag:s9] =	ssyncset.done $0x0  }
0xfe: {  	s13 =	simm.s32 $0x6400;
	[sflag:s9] =	ssyncadd.s32 $0xFFFFD800;
	s9 =	sadd.s32 $0x640, s7  }
0xff: {  	[tilespmem:s11], [sflag:$0x1] =	stream.indirect.gather [hbm4b:s2+s29], $0x80, s9, s29, $0xb8;
	[tilespmem:$0x1F400] =	vst v63  }
0x100: {  	_ =	swait.ge [sflag:s18], $0x2800  }
0x101: {  	[sflag:s18] =	ssyncset.done $0x0  }
0x102: {  	s9 =	sadd.s32 $0xFFFFF100, s1;
	[sflag:s18] =	ssyncadd.s32 $0xFFFFD800  }
0x103: {  	[hbm4b:s9+s3] =	stream.linear.scatter [tilespmem:s12], [sflag:$0x11], $0x2800, $0x38;
	[tilespmem:$0x1F400] =	vst v63  }
0x104: {  	_ =	swait.ge [sflag:s19], $0x2800  }
0x105: {  	[sflag:s19] =	ssyncset.done $0x0  }
0x106: {  	s11 =	simm.s32 $0x8C00;
	s9 =	sadd.s32 $0x690, s7;
	[sflag:s19] =	ssyncadd.s32 $0xFFFFD800  }
0x107: {  	[tilespmem:s15], [sflag:$0x2] =	stream.indirect.gather [hbm4b:s2+s29], $0x80, s9, s29, $0xb8;
	[tilespmem:$0x1F400] =	vst v63  }
0x108: {  	_ =	swait.ge [sflag:s20], $0x2800  }
0x109: {  	[sflag:s20] =	ssyncset.done $0x0  }
0x10a: {  	s9 =	sadd.s32 $0xFFFFF600, s1;
	[sflag:s20] =	ssyncadd.s32 $0xFFFFD800  }
0x10b: {  	[hbm4b:s9+s3] =	stream.linear.scatter [tilespmem:s14], [sflag:$0x12], $0x2800, $0x38;
	[tilespmem:$0x1F400] =	vst v63  }
0x10c: {  	_ =	swait.ge [sflag:s21], $0x2800  }
0x10d: {  	[sflag:s21] =	ssyncset.done $0x0  }
0x10e: {  	s15 =	simm.s32 $0xB400;
	s9 =	sadd.s32 $0x6E0, s7;
	[sflag:s21] =	ssyncadd.s32 $0xFFFFD800  }
0x10f: {  	[tilespmem:s6], [sflag:$0x3] =	stream.indirect.gather [hbm4b:s2+s29], $0x80, s9, s29, $0xb8;
	[tilespmem:$0x1F400] =	vst v63  }
0x110: {  	_ =	swait.ge [sflag:s22], $0x2800  }
0x111: {  	[sflag:s22] =	ssyncset.done $0x0  }
0x112: {  	s9 =	sadd.s32 $0xFFFFFB00, s1;
	[sflag:s22] =	ssyncadd.s32 $0xFFFFD800  }
0x113: {  	[hbm4b:s9+s3] =	stream.linear.scatter [tilespmem:s16], [sflag:$0x13], $0x2800, $0x38;
	[tilespmem:$0x1F400] =	vst v63  }
0x114: {  	_ =	swait.ge [sflag:s23], $0x2800  }
0x115: {  	s7 =	sadd.s32 $0x730, s7;
	[sflag:s23] =	ssyncset.done $0x0  }
.Ltmp0:
0x116: {  	s6 =	simm.s32 $0xDC00;
	[sflag:s23] =	ssyncadd.s32 $0xFFFFD800;
	(pc) =	sbr.rel @p0 .LBB2_2-.Ltmp0, $4  }
0x117: {  	[tilespmem:s8], [sflag:$0x4] =	stream.indirect.gather [hbm4b:s2+s29], $0x80, s7, s29, $0xb8;
	[tilespmem:$0x1F400] =	vst v63  }
0x118: {  	_ =	swait.ge [sflag:s24], $0x2800  }
0x119: {  	[sflag:s24] =	ssyncset.done $0x0  }
0x11a: {  	s1 =	sadd.s32 $0x3200, s1;
	[sflag:s24] =	ssyncadd.s32 $0xFFFFD800  }
0x11b: {  	s9 =	simm.s32 $0x1CC00  }
0x11c: {  	[hbm4b:s4+s3] =	stream.linear.scatter [tilespmem:s9], [sflag:$0x14], $0x2800, $0x38;
	[tilespmem:$0x1F400] =	vst v63  }
0x11d: {  	_ =	swait.ge [sflag:s26], $0x2800  }
0x11e: {  	s1 =	simm.s32 $0x10400;
	[sflag:s26] =	ssyncset.done $0x0  }
0x11f: {  	s0 =	simm.s32 $0x6220;
	s10 =	simm.s32 $0x1;
	[sflag:s26] =	ssyncadd.s32 $0xFFFFD800  }
0x120: {  	[tilespmem:s1], [sflag:$0x5] =	stream.indirect.gather [hbm4b:s2+s29], $0x80, s0, s29, $0xb8;
	[tilespmem:$0x1F400] =	vst v63  }
0x121: {  	_ =	swait.ge [sflag:s10], $0x2800  }
0x122: {  	[sflag:s10] =	ssyncset.done $0x0  }
0x123: {  	s12 =	rddreg [dreg:$0xe];
	[sflag:s10] =	ssyncadd.s32 $0xFFFFD800  }
0x124: {  	[hbm4b:s12+s3] =	stream.linear.scatter [tilespmem:s13], [sflag:$0xB], $0x2800, $0x38;
	[tilespmem:$0x1F400] =	vst v63  }
0x125: {  	_ =	swait.ge [sflag:s5], $0x2800  }
0x126: {  	s14 =	simm.s32 $0x2;
	[sflag:s5] =	ssyncset.done $0x0  }
0x127: {  	s4 =	simm.s32 $0x12C00;
	s13 =	simm.s32 $0x6270;
	[sflag:s5] =	ssyncadd.s32 $0xFFFFD800  }
0x128: {  	[tilespmem:s4], [sflag:$0x6] =	stream.indirect.gather [hbm4b:s2+s29], $0x80, s13, s29, $0xb8;
	[tilespmem:$0x1F400] =	vst v63  }
0x129: {  	_ =	swait.ge [sflag:s14], $0x2800  }
0x12a: {  	[sflag:s14] =	ssyncset.done $0x0  }
0x12b: {  	s16 =	rddreg [dreg:$0xf];
	[sflag:s14] =	ssyncadd.s32 $0xFFFFD800  }
0x12c: {  	[hbm4b:s16+s3] =	stream.linear.scatter [tilespmem:s11], [sflag:$0xC], $0x2800, $0x38;
	[tilespmem:$0x1F400] =	vst v63  }
0x12d: {  	_ =	swait.ge [sflag:s28], $0x2800  }
0x12e: {  	s7 =	simm.s32 $0x15400;
	[sflag:s28] =	ssyncset.done $0x0  }
0x12f: {  	s17 =	simm.s32 $0x62C0;
	s8 =	simm.s32 $0x3;
	[sflag:s28] =	ssyncadd.s32 $0xFFFFD800  }
0x130: {  	[tilespmem:s7], [sflag:$0x7] =	stream.indirect.gather [hbm4b:s2+s29], $0x80, s17, s29, $0xb8;
	[tilespmem:$0x1F400] =	vst v63  }
0x131: {  	_ =	swait.ge [sflag:s8], $0x2800  }
0x132: {  	[sflag:s8] =	ssyncset.done $0x0  }
0x133: {  	s10 =	rddreg [dreg:$0x10];
	[sflag:s8] =	ssyncadd.s32 $0xFFFFD800  }
0x134: {  	[hbm4b:s10+s3] =	stream.linear.scatter [tilespmem:s15], [sflag:$0xD], $0x2800, $0x38;
	[tilespmem:$0x1F400] =	vst v63  }
0x135: {  	_ =	swait.ge [sflag:s25], $0x2800  }
0x136: {  	s12 =	simm.s32 $0x4;
	[sflag:s25] =	ssyncset.done $0x0  }
0x137: {  	s11 =	simm.s32 $0x6310;
	s8 =	simm.s32 $0x17C00;
	[sflag:s25] =	ssyncadd.s32 $0xFFFFD800  }
0x138: {  	[tilespmem:s8], [sflag:$0x8] =	stream.indirect.gather [hbm4b:s2+s29], $0x80, s11, s29, $0xb8;
	[tilespmem:$0x1F400] =	vst v63  }
0x139: {  	_ =	swait.ge [sflag:s12], $0x2800  }
0x13a: {  	[sflag:s12] =	ssyncset.done $0x0  }
0x13b: {  	s13 =	rddreg [dreg:$0x11];
	[sflag:s12] =	ssyncadd.s32 $0xFFFFD800  }
0x13c: {  	[hbm4b:s13+s3] =	stream.linear.scatter [tilespmem:s6], [sflag:$0xE], $0x2800, $0x38;
	[tilespmem:$0x1F400] =	vst v63  }
0x13d: {  	_ =	swait.ge [sflag:s30], $0x2800  }
0x13e: {  	s14 =	simm.s32 $0x6360;
	[sflag:s30] =	ssyncset.done $0x0  }
0x13f: {  	s15 =	simm.s32 $0x5;
	s6 =	simm.s32 $0x1A400;
	[sflag:s30] =	ssyncadd.s32 $0xFFFFD800  }
0x140: {  	[tilespmem:s6], [sflag:$0x9] =	stream.indirect.gather [hbm4b:s2+s29], $0x80, s14, s29, $0xb8;
	[tilespmem:$0x1F400] =	vst v63  }
0x141: {  	_ =	swait.ge [sflag:s15], $0x2800  }
0x142: {  	[sflag:s15] =	ssyncset.done $0x0  }
0x143: {  	s16 =	rddreg [dreg:$0x12];
	[sflag:s15] =	ssyncadd.s32 $0xFFFFD800  }
0x144: {  	[hbm4b:s16+s3] =	stream.linear.scatter [tilespmem:s1], [sflag:$0xF], $0x2800, $0x38;
	[tilespmem:$0x1F400] =	vst v63  }
0x145: {  	_ =	swait.ge [sflag:s31], $0x2800  }
0x146: {  	[sflag:s31] =	ssyncset.done $0x0  }
0x147: {  	s17 =	simm.s32 $0x63B0;
	s1 =	simm.s32 $0x6;
	[sflag:s31] =	ssyncadd.s32 $0xFFFFD800  }
0x148: {  	[tilespmem:s9], [sflag:$0xA] =	stream.indirect.gather [hbm4b:s2+s29], $0x80, s17, s29, $0xb8;
	[tilespmem:$0x1F400] =	vst v63  }
0x149: {  	_ =	swait.ge [sflag:s1], $0x2800  }
0x14a: {  	[sflag:s1] =	ssyncset.done $0x0  }
0x14b: {  	s10 =	rddreg [dreg:$0x13];
	[sflag:s1] =	ssyncadd.s32 $0xFFFFD800  }
0x14c: {  	[hbm4b:s10+s3] =	stream.linear.scatter [tilespmem:s4], [sflag:$0x10], $0x2800, $0x38;
	[tilespmem:$0x1F400] =	vst v63  }
0x14d: {  	_ =	swait.ge [sflag:s18], $0x2800  }
0x14e: {  	[sflag:s18] =	ssyncset.done $0x0  }
0x14f: {  	s11 =	rddreg [dreg:$0x14];
	[sflag:s18] =	ssyncadd.s32 $0xFFFFD800  }
0x150: {  	[hbm4b:s11+s3] =	stream.linear.scatter [tilespmem:s7], [sflag:$0x11], $0x2800, $0x38;
	[tilespmem:$0x1F400] =	vst v63  }
0x151: {  	_ =	swait.ge [sflag:s20], $0x2800  }
0x152: {  	[sflag:s20] =	ssyncset.done $0x0  }
0x153: {  	s12 =	rddreg [dreg:$0x15];
	[sflag:s20] =	ssyncadd.s32 $0xFFFFD800  }
0x154: {  	[hbm4b:s12+s3] =	stream.linear.scatter [tilespmem:s8], [sflag:$0x12], $0x2800, $0x38;
	[tilespmem:$0x1F400] =	vst v63  }
0x155: {  	_ =	swait.ge [sflag:s22], $0x2800  }
0x156: {  	[sflag:s22] =	ssyncset.done $0x0  }
0x157: {  	s13 =	rddreg [dreg:$0x16];
	[sflag:s22] =	ssyncadd.s32 $0xFFFFD800  }
0x158: {  	[hbm4b:s13+s3] =	stream.linear.scatter [tilespmem:s6], [sflag:$0x13], $0x2800, $0x38;
	[tilespmem:$0x1F400] =	vst v63  }
0x159: {  	_ =	swait.ge [sflag:s24], $0x2800  }
0x15a: {  	[sflag:s24] =	ssyncset.done $0x0  }
0x15b: {  	s15 =	simm.s32 $0xB;
	s14 =	rddreg [dreg:$0x17];
	[sflag:s24] =	ssyncadd.s32 $0xFFFFD800  }
0x15c: {  	[hbm4b:s14+s3] =	stream.linear.scatter [tilespmem:s9], [sflag:$0x14], $0x2800, $0x38;
	[tilespmem:$0x1F400] =	vst v63  }
0x15d: {  	_ =	swait.ge [sflag:s15], $0x2800  }
0x15e: {  	[sflag:s15] =	ssyncset.done $0x0  }
0x15f: {  	[sflag:s15] =	ssyncadd.s32 $0xFFFFD800  }
0x160: {  	_ =	swait.ge [sflag:s19], $0x2800  }
0x161: {  	[sflag:s19] =	ssyncset.done $0x0  }
0x162: {  	[sflag:s19] =	ssyncadd.s32 $0xFFFFD800  }
0x163: {  	_ =	swait.ge [sflag:s21], $0x2800  }
0x164: {  	[sflag:s21] =	ssyncset.done $0x0  }
0x165: {  	[sflag:s21] =	ssyncadd.s32 $0xFFFFD800  }
0x166: {  	_ =	swait.ge [sflag:s23], $0x2800  }
0x167: {  	[sflag:s23] =	ssyncset.done $0x0  }
0x168: {  	[sflag:s23] =	ssyncadd.s32 $0xFFFFD800  }
0x169: {  	_ =	swait.ge [sflag:s26], $0x2800  }
0x16a: {  	[sflag:s26] =	ssyncset.done $0x0  }
0x16b: {  	[sflag:s26] =	ssyncadd.s32 $0xFFFFD800  }
0x16c: {  	_ =	swait.ge [sflag:s5], $0x2800  }
0x16d: {  	[sflag:s5] =	ssyncset.done $0x0  }
0x16e: {  	[sflag:s5] =	ssyncadd.s32 $0xFFFFD800  }
0x16f: {  	_ =	swait.ge [sflag:s28], $0x2800  }
0x170: {  	[sflag:s28] =	ssyncset.done $0x0  }
0x171: {  	[sflag:s28] =	ssyncadd.s32 $0xFFFFD800  }
0x172: {  	_ =	swait.ge [sflag:s25], $0x2800  }
0x173: {  	[sflag:s25] =	ssyncset.done $0x0  }
0x174: {  	[sflag:s25] =	ssyncadd.s32 $0xFFFFD800  }
0x175: {  	_ =	swait.ge [sflag:s30], $0x2800  }
0x176: {  	[sflag:s30] =	ssyncset.done $0x0  }
0x177: {  	[sflag:s30] =	ssyncadd.s32 $0xFFFFD800  }
0x178: {  	_ =	swait.ge [sflag:s31], $0x2800  }
0x179: {  	s16 =	rddreg [dreg:$0x1b]  }
0x17a: {  	s17 =	rddreg [dreg:$0x18];
	s1 =	sadd.s32 $0x1, s16  }
0x17b: {  	p0 =	sne.s32 s1, s17  }
.Ltmp1:
0x17c: {  	_ = 	snop;
	(pc) =	sbr.rel @p0 .LBB2_1-.Ltmp1, $3  }
0x17d: {  	_ =	sdelay $0x1  }
0x17e: {  	[sflag:s31] =	ssyncset.done $0x0  }
0x17f: {  	[sflag:s31] =	ssyncadd.s32 $0xFFFFD800  }
0x180: {  	_ =	sfence.sel $0x180000  }
0x181: {  	[bflag:$0x0] =	sbarrier.arrive $0xFFFF  }
0x182: {  	_ =	strace $0x90000047  }
0x183: {  	s0 =	stileid.u32;
	[bflag:$0x2] =	sbarrier.arrive $0xFFFF  }
0x184: {  	p0 =	sne.s32 s0, $0x0;
	s0 =	rddreg [dreg:$0x3]  }
0x185: {  	s0 =	sadd.s32 @!p0 $0x100000, s0  }
0x186: {  	[sflag:s0] =	ssyncadd.tile.s32 @!p0 $0x1;
	_ =	shalt  }
.Lfunc_end2:
_tile_overlayer_lowered:
.L_overlay_start_2:
0x187: {  	(tag) =	ssettag $0x2  }
0x188: {  	s0 =	rddreg [dreg:$0x0];
	s2 =	stileid.u32  }
0x189: {  	s1 =	rddreg [dreg:$0x1];
	p0 =	sne.s32 s2, $0x0  }
0x18a: {  	s3 =	rddreg [dreg:$0x2];
	[bflag:$0x3] =	sbarrier.arrive $0xFFFF;
	s2 =	simm.s32 @!p0 $0x1C15  }
0x18b: {  	[timem:s3], [sflag:s2] =	dma.local @!p0 [hbm:s0], s1  }
0x18c: {  	s0 =	simm.s32 @!p0 $0x15  }
0x18d: {  	_ =	swait.ge @!p0 [sflag:s0], s1  }
0x18e: {  	s1 =	ssub.s32 @!p0 $0x0, s1;
	[sflag:s0] =	ssyncset.done @!p0 $0x0  }
0x18f: {  	[sflag:s0] =	ssyncadd.s32 @!p0 s1  }
0x190: {  	[bflag:$0x3] =	sbarrier.arrive $0xFFFF  }
0x191: {  	_ =	shalt  }

</sc_bundles>
